<compile_context>
chip_gen: v7x
topology: tpu7x:2x2x1
jax: 0.10.2.dev20260603
libtpu: 0.0.44.dev20260713+nightly
codegen_flags: <defaults>
</compile_context>

<pallas_src>
import functools

import jax
import jax.numpy as jnp
from jax import lax
from jax.experimental import pallas as pl
from jax.experimental.pallas import tpu as pltpu
from jax.experimental.pallas import tpu_sc as plsc

B = 128
S = 512
H = 768
L = 16
NC = 2
NS = 16
NW = NC * NS
P = S // NW
HL = H // L


def _rsqrt(x_v):
    i = lax.bitcast_convert_type(x_v, jnp.int32)
    i = jnp.full((L,), 0x5F3759DF, jnp.int32) - lax.shift_right_logical(
        i, jnp.full((L,), 1, jnp.int32))
    y = lax.bitcast_convert_type(i, jnp.float32)
    half = x_v * 0.5
    for _ in range(3):
        y = y * (1.5 - half * y * y)
    return y


NB = 6


def _sc_body(ids_hbm, tt_hbm, word_hbm, pos_hbm, type_hbm, gamma_hbm,
             beta_hbm, out_hbm, ids_v, tt_v, combo_v, gam_v, bet_v,
             buf, in_sem, out_sem, ids_sem, tts_sem):
    wid = lax.axis_index("s") * NC + lax.axis_index("c")
    p0 = wid * P

    pltpu.sync_copy(gamma_hbm, gam_v)
    pltpu.sync_copy(beta_hbm, bet_v)
    pltpu.sync_copy(pos_hbm.at[pl.ds(p0, P)], combo_v.at[0])
    pltpu.sync_copy(pos_hbm.at[pl.ds(p0, P)], combo_v.at[1])
    pltpu.sync_copy(type_hbm, buf.at[0, pl.ds(0, 2)])

    @plsc.parallel_loop(0, 2 * P * HL, step=1, unroll=4)
    def combo_body(i):
        ty = i // (P * HL)
        r = i % (P * HL)
        j = r // HL
        h = r % HL
        combo_v[ty, j, pl.ds(h * L, L)] = (
            combo_v[ty, j, pl.ds(h * L, L)] + buf[0, ty, pl.ds(h * L, L)])

    lanes = lax.iota(jnp.int32, L)

    pltpu.sync_copy(ids_hbm.at[pl.ds(p0, P)], ids_v.at[0])
    pltpu.sync_copy(tt_hbm.at[pl.ds(p0, P)], tt_v.at[0])
    pltpu.async_copy(word_hbm.at[ids_v[0, :]], buf.at[0], in_sem.at[0])
    for pb in (1, 2):
        pltpu.async_copy(ids_hbm.at[pl.ds(pb * S + p0, P)], ids_v.at[pb],
                         ids_sem.at[pb])
        pltpu.async_copy(tt_hbm.at[pl.ds(pb * S + p0, P)], tt_v.at[pb],
                         tts_sem.at[pb])

    def b_body(b, _):
        slot = lax.rem(b, NB)
        nslot = lax.rem(b + 1, NB)

        @pl.when(b + 1 < B)
        def _():
            pltpu.make_async_copy(
                ids_hbm.at[pl.ds(p0, P)], ids_v.at[nslot],
                ids_sem.at[nslot]).wait()
            pltpu.make_async_copy(
                tt_hbm.at[pl.ds(p0, P)], tt_v.at[nslot],
                tts_sem.at[nslot]).wait()

            @pl.when(b + 1 >= NB)
            def _():
                pltpu.make_async_copy(
                    buf.at[nslot], out_hbm.at[b, pl.ds(p0, P)],
                    out_sem.at[nslot]).wait()

            pltpu.async_copy(word_hbm.at[ids_v[nslot, :]], buf.at[nslot],
                             in_sem.at[nslot])

        @pl.when(b + 3 < B)
        def _():
            base = (b + 3) * S + p0
            fslot = lax.rem(b + 3, NB)
            pltpu.async_copy(ids_hbm.at[pl.ds(base, P)], ids_v.at[fslot],
                             ids_sem.at[fslot])
            pltpu.async_copy(tt_hbm.at[pl.ds(base, P)], tt_v.at[fslot],
                             tts_sem.at[fslot])

        pltpu.make_async_copy(
            pos_hbm.at[pl.ds(0, P)], buf.at[slot], in_sem.at[slot]).wait()

        tt_vec = tt_v[slot, :]
        NT = 8

        def q_body(q, _):
            j0 = q * NT
            tys = [jnp.max(jnp.where(lanes == (j0 + t), tt_vec, 0))
                   for t in range(NT)]

            zero = jnp.zeros((L,), jnp.float32)

            @plsc.parallel_loop(0, HL, step=1, unroll=1,
                                carry=(zero,) * (2 * NT))
            def sums(h, c):
                accs = list(c)
                sl = pl.ds(h * L, L)
                for t in range(NT):
                    v = (buf[slot, j0 + t, sl]
                         + combo_v[tys[t], j0 + t, sl])
                    buf[slot, j0 + t, sl] = v
                    accs[t] = accs[t] + v
                    accs[NT + t] = accs[NT + t] + v * v
                return tuple(accs)

            means, invs = [], []
            for t in range(NT):
                s1 = jnp.sum(sums[t])
                s2 = jnp.sum(sums[NT + t])
                mean = s1 * (1.0 / H)
                var = s2 * (1.0 / H) - mean * mean
                invs.append(
                    _rsqrt(jnp.full((L,), var + 1e-12, jnp.float32)))
                means.append(jnp.full((L,), mean, jnp.float32))

            @plsc.parallel_loop(0, HL, step=1, unroll=1)
            def norm(h):
                sl = pl.ds(h * L, L)
                g = gam_v[sl]
                be = bet_v[sl]
                for t in range(NT):
                    v = buf[slot, j0 + t, sl]
                    o = ((v - means[t]) * invs[t]) * g + be
                    buf[slot, j0 + t, sl] = o
            return 0
        lax.fori_loop(0, P // NT, q_body, 0)

        pltpu.async_copy(buf.at[slot], out_hbm.at[b, pl.ds(p0, P)],
                         out_sem.at[slot])
        return 0
    lax.fori_loop(0, B, b_body, 0)

    for tail in range(B - NB, B):
        pltpu.make_async_copy(
            buf.at[tail % NB], out_hbm.at[tail, pl.ds(p0, P)],
            out_sem.at[tail % NB]).wait()


@functools.partial(jax.jit, static_argnames=())
def kernel(input_ids, token_type_ids, word_emb, pos_emb, type_emb, gamma,
           beta):
    mesh = plsc.VectorSubcoreMesh(
        core_axis_name="c", subcore_axis_name="s",
        num_cores=NC, num_subcores=NS)
    fn = pl.kernel(
        _sc_body,
        out_type=jax.ShapeDtypeStruct((B, S, H), jnp.float32),
        mesh=mesh,
        compiler_params=pltpu.CompilerParams(needs_layout_passes=False),
        scratch_types=[
            pltpu.VMEM((NB, P), jnp.int32),
            pltpu.VMEM((NB, P), jnp.int32),
            pltpu.VMEM((2, P, H), jnp.float32),
            pltpu.VMEM((H,), jnp.float32),
            pltpu.VMEM((H,), jnp.float32),
            pltpu.VMEM((NB, P, H), jnp.float32),
            pltpu.SemaphoreType.DMA((NB,)),
            pltpu.SemaphoreType.DMA((NB,)),
            pltpu.SemaphoreType.DMA((NB,)),
            pltpu.SemaphoreType.DMA((NB,)),
        ],
    )
    return fn(input_ids.reshape(B * S), token_type_ids.reshape(B * S),
              word_emb, pos_emb, type_emb, gamma, beta)

# --- scband reference (transcript-rebuilt; emitter-appended) ---
"""Pipeline reference for scband-bert-embeddings-6433861009570 (READ-ONLY COPY).

The authoritative reference and input builder live on the scoring server;
editing this copy changes nothing except your own understanding.
"""

import jax, jax.numpy as jnp
import numpy as np

VOCAB = 30522
HIDDEN = 768
MAX_POS = 512
TYPE_VOCAB = 2
BATCH = 128
SEQ = 512


def setup_inputs(seed: int = 0) -> dict:
    key = jax.random.key(seed)
    k1, k2, k3, k4, k5 = jax.random.split(key, 5)
    input_ids = jax.random.randint(k1, (BATCH, SEQ), 0, VOCAB, dtype=jnp.int32)
    token_type_ids = jax.random.randint(k2, (BATCH, SEQ), 0, TYPE_VOCAB, dtype=jnp.int32)
    word_emb = jax.random.normal(k3, (VOCAB, HIDDEN), dtype=jnp.float32) * 0.02
    pos_emb = jax.random.normal(k4, (MAX_POS, HIDDEN), dtype=jnp.float32) * 0.02
    type_emb = jax.random.normal(k5, (TYPE_VOCAB, HIDDEN), dtype=jnp.float32) * 0.02
    gamma = jnp.ones((HIDDEN,), dtype=jnp.float32)
    beta = jnp.zeros((HIDDEN,), dtype=jnp.float32)
    return {
        "input_ids": input_ids,
        "token_type_ids": token_type_ids,
        "word_emb": word_emb,
        "pos_emb": pos_emb,
        "type_emb": type_emb,
        "gamma": gamma,
        "beta": beta,
    }


def reference(input_ids, token_type_ids, word_emb, pos_emb, type_emb, gamma, beta):
    seq_length = input_ids.shape[1]
    position_ids = jnp.arange(seq_length, dtype=jnp.int32)[None, :]
    position_ids = jnp.broadcast_to(position_ids, input_ids.shape)
    words_embeddings = jnp.take(word_emb, input_ids, axis=0)
    position_embeddings = jnp.take(pos_emb, position_ids, axis=0)
    token_type_embeddings = jnp.take(type_emb, token_type_ids, axis=0)
    embeddings = words_embeddings + position_embeddings + token_type_embeddings
    mean = jnp.mean(embeddings, axis=-1, keepdims=True)
    var = jnp.var(embeddings, axis=-1, keepdims=True)
    normed = (embeddings - mean) / jnp.sqrt(var + 1e-12)
    out = normed * gamma + beta
    # dropout is identity in eval mode
    return out

if __name__ == "__main__":
    import jax
    _d = setup_inputs()
    print(jax.jit(kernel)(*tuple(_d.values())))

</pallas_src>

<mosaic_0001>
#map = affine_map<(d0, d1) -> (0)>
#map1 = affine_map<(d0, d1) -> (0, 0)>
#map2 = affine_map<(d0, d1) -> (0, 0, 0)>
module attributes {stable_mosaic.version = 14 : i64} {
  func.func @_sc_body(%arg0: i32, %arg1: i32, %arg2: memref<65536xi32, #tpu.memory_space<hbm>>, %arg3: memref<65536xi32, #tpu.memory_space<hbm>>, %arg4: memref<30522x768xf32, #tpu.memory_space<hbm>>, %arg5: memref<512x768xf32, #tpu.memory_space<hbm>>, %arg6: memref<2x768xf32, #tpu.memory_space<hbm>>, %arg7: memref<768xf32, #tpu.memory_space<hbm>>, %arg8: memref<768xf32, #tpu.memory_space<hbm>>, %arg9: memref<128x512x768xf32, #tpu.memory_space<hbm>>, %arg10: memref<6x16xi32, #tpu.memory_space<vmem>>, %arg11: memref<6x16xi32, #tpu.memory_space<vmem>>, %arg12: memref<2x16x768xf32, #tpu.memory_space<vmem>>, %arg13: memref<768xf32, #tpu.memory_space<vmem>>, %arg14: memref<768xf32, #tpu.memory_space<vmem>>, %arg15: memref<6x16x768xf32, #tpu.memory_space<vmem>>, %arg16: memref<6x!tpu.dma_semaphore, #tpu.memory_space<semaphore_mem>>, %arg17: memref<6x!tpu.dma_semaphore, #tpu.memory_space<semaphore_mem>>, %arg18: memref<6x!tpu.dma_semaphore, #tpu.memory_space<semaphore_mem>>, %arg19: memref<6x!tpu.dma_semaphore, #tpu.memory_space<semaphore_mem>>) attributes {dimension_semantics = [#tpu.dimension_semantics<core_parallel>, #tpu.dimension_semantics<subcore_parallel>], iteration_bounds = array<i64: 2, 16>, scalar_prefetch = 0 : i64, scratch_operands = 10 : i64, tpu.core_type = #tpu.core_type<sc_vector_subcore>, window_params = [{transform_indices = #map}, {transform_indices = #map}, {transform_indices = #map1}, {transform_indices = #map1}, {transform_indices = #map1}, {transform_indices = #map}, {transform_indices = #map}, {transform_indices = #map2}]} {
    %mul3A = arith.constant 2 : i32
    %mul3A_0 = arith.muli %arg1, %mul3A : i32
    %add3A = arith.addi %mul3A_0, %arg0 : i32
    %mul3A_1 = arith.constant 16 : i32
    %mul3A_2 = arith.muli %add3A, %mul3A_1 : i32
    "tpu.region"() ({
      %run_scoped3A_197 = tpu.sem_alloc : memref<!tpu.dma_semaphore, #tpu.memory_space<semaphore_mem>>
      tpu.enqueue_dma source(%arg7 : memref<768xf32, #tpu.memory_space<hbm>>) target(%arg13 : memref<768xf32, #tpu.memory_space<vmem>>) target_semaphore(%run_scoped3A_197 : memref<!tpu.dma_semaphore, #tpu.memory_space<semaphore_mem>>)
      tpu.wait_dma2 semaphore(%run_scoped3A_197 : memref<!tpu.dma_semaphore, #tpu.memory_space<semaphore_mem>>) src(%arg7 : memref<768xf32, #tpu.memory_space<hbm>>) dst(%arg13 : memref<768xf32, #tpu.memory_space<vmem>>)
      tpu.yield
    }) : () -> ()
    "tpu.region"() ({
      %run_scoped3A_197 = tpu.sem_alloc : memref<!tpu.dma_semaphore, #tpu.memory_space<semaphore_mem>>
      tpu.enqueue_dma source(%arg8 : memref<768xf32, #tpu.memory_space<hbm>>) target(%arg14 : memref<768xf32, #tpu.memory_space<vmem>>) target_semaphore(%run_scoped3A_197 : memref<!tpu.dma_semaphore, #tpu.memory_space<semaphore_mem>>)
      tpu.wait_dma2 semaphore(%run_scoped3A_197 : memref<!tpu.dma_semaphore, #tpu.memory_space<semaphore_mem>>) src(%arg8 : memref<768xf32, #tpu.memory_space<hbm>>) dst(%arg14 : memref<768xf32, #tpu.memory_space<vmem>>)
      tpu.yield
    }) : () -> ()
    %run_scoped3A = arith.constant 0 : i32
    "tpu.region"() ({
      %run_scoped3A_197 = tpu.sem_alloc : memref<!tpu.dma_semaphore, #tpu.memory_space<semaphore_mem>>
      %dma_start3A_198 = arith.constant 0 : i32
      %dma_start3A_199 = arith.constant 0 : i32
      %dma_start3A_200 = tpu.memref_slice %arg12[%run_scoped3A, %dma_start3A_198, %dma_start3A_199] : memref<2x16x768xf32, #tpu.memory_space<vmem>> -> memref<1x16x768xf32, #tpu.memory_space<vmem>>
      %dma_start3A_201 = tpu.memref_squeeze %dma_start3A_200 : memref<1x16x768xf32, #tpu.memory_space<vmem>> -> memref<16x768xf32, #tpu.memory_space<vmem>>
      %dma_start3A_202 = arith.constant 0 : i32
      %dma_start3A_203 = tpu.memref_slice %arg5[%mul3A_2, %dma_start3A_202] : memref<512x768xf32, #tpu.memory_space<hbm>> -> memref<16x768xf32, #tpu.memory_space<hbm>>
      %dma_start3A_204 = arith.constant 0 : i32
      %dma_start3A_205 = arith.constant 0 : i32
      %dma_start3A_206 = tpu.memref_slice %arg12[%run_scoped3A, %dma_start3A_204, %dma_start3A_205] : memref<2x16x768xf32, #tpu.memory_space<vmem>> -> memref<1x16x768xf32, #tpu.memory_space<vmem>>
      %dma_start3A_207 = tpu.memref_squeeze %dma_start3A_206 : memref<1x16x768xf32, #tpu.memory_space<vmem>> -> memref<16x768xf32, #tpu.memory_space<vmem>>
      %dma_start3A_208 = arith.constant 0 : i32
      %dma_start3A_209 = tpu.memref_slice %arg5[%mul3A_2, %dma_start3A_208] : memref<512x768xf32, #tpu.memory_space<hbm>> -> memref<16x768xf32, #tpu.memory_space<hbm>>
      tpu.enqueue_dma source(%dma_start3A_209 : memref<16x768xf32, #tpu.memory_space<hbm>>) target(%dma_start3A_207 : memref<16x768xf32, #tpu.memory_space<vmem>>) target_semaphore(%run_scoped3A_197 : memref<!tpu.dma_semaphore, #tpu.memory_space<semaphore_mem>>)
      %dma_wait3A_210 = arith.constant 0 : i32
      %dma_wait3A_211 = arith.constant 0 : i32
      %dma_wait3A_212 = tpu.memref_slice %arg12[%run_scoped3A, %dma_wait3A_210, %dma_wait3A_211] : memref<2x16x768xf32, #tpu.memory_space<vmem>> -> memref<1x16x768xf32, #tpu.memory_space<vmem>>
      %dma_wait3A_213 = tpu.memref_squeeze %dma_wait3A_212 : memref<1x16x768xf32, #tpu.memory_space<vmem>> -> memref<16x768xf32, #tpu.memory_space<vmem>>
      %dma_wait3A_214 = arith.constant 0 : i32
      %dma_wait3A_215 = tpu.memref_slice %arg5[%mul3A_2, %dma_wait3A_214] : memref<512x768xf32, #tpu.memory_space<hbm>> -> memref<16x768xf32, #tpu.memory_space<hbm>>
      %dma_wait3A_216 = arith.constant 0 : i32
      %dma_wait3A_217 = arith.constant 0 : i32
      %dma_wait3A_218 = tpu.memref_slice %arg12[%run_scoped3A, %dma_wait3A_216, %dma_wait3A_217] : memref<2x16x768xf32, #tpu.memory_space<vmem>> -> memref<1x16x768xf32, #tpu.memory_space<vmem>>
      %dma_wait3A_219 = tpu.memref_squeeze %dma_wait3A_218 : memref<1x16x768xf32, #tpu.memory_space<vmem>> -> memref<16x768xf32, #tpu.memory_space<vmem>>
      %dma_wait3A_220 = arith.constant 0 : i32
      %dma_wait3A_221 = tpu.memref_slice %arg5[%mul3A_2, %dma_wait3A_220] : memref<512x768xf32, #tpu.memory_space<hbm>> -> memref<16x768xf32, #tpu.memory_space<hbm>>
      tpu.wait_dma2 semaphore(%run_scoped3A_197 : memref<!tpu.dma_semaphore, #tpu.memory_space<semaphore_mem>>) src(%dma_wait3A_221 : memref<16x768xf32, #tpu.memory_space<hbm>>) dst(%dma_wait3A_219 : memref<16x768xf32, #tpu.memory_space<vmem>>)
      tpu.yield
    }) : () -> ()
    %run_scoped3A_3 = arith.constant 1 : i32
    "tpu.region"() ({
      %run_scoped3A_197 = tpu.sem_alloc : memref<!tpu.dma_semaphore, #tpu.memory_space<semaphore_mem>>
      %dma_start3A_198 = arith.constant 0 : i32
      %dma_start3A_199 = arith.constant 0 : i32
      %dma_start3A_200 = tpu.memref_slice %arg12[%run_scoped3A_3, %dma_start3A_198, %dma_start3A_199] : memref<2x16x768xf32, #tpu.memory_space<vmem>> -> memref<1x16x768xf32, #tpu.memory_space<vmem>>
      %dma_start3A_201 = tpu.memref_squeeze %dma_start3A_200 : memref<1x16x768xf32, #tpu.memory_space<vmem>> -> memref<16x768xf32, #tpu.memory_space<vmem>>
      %dma_start3A_202 = arith.constant 0 : i32
      %dma_start3A_203 = tpu.memref_slice %arg5[%mul3A_2, %dma_start3A_202] : memref<512x768xf32, #tpu.memory_space<hbm>> -> memref<16x768xf32, #tpu.memory_space<hbm>>
      %dma_start3A_204 = arith.constant 0 : i32
      %dma_start3A_205 = arith.constant 0 : i32
      %dma_start3A_206 = tpu.memref_slice %arg12[%run_scoped3A_3, %dma_start3A_204, %dma_start3A_205] : memref<2x16x768xf32, #tpu.memory_space<vmem>> -> memref<1x16x768xf32, #tpu.memory_space<vmem>>
      %dma_start3A_207 = tpu.memref_squeeze %dma_start3A_206 : memref<1x16x768xf32, #tpu.memory_space<vmem>> -> memref<16x768xf32, #tpu.memory_space<vmem>>
      %dma_start3A_208 = arith.constant 0 : i32
      %dma_start3A_209 = tpu.memref_slice %arg5[%mul3A_2, %dma_start3A_208] : memref<512x768xf32, #tpu.memory_space<hbm>> -> memref<16x768xf32, #tpu.memory_space<hbm>>
      tpu.enqueue_dma source(%dma_start3A_209 : memref<16x768xf32, #tpu.memory_space<hbm>>) target(%dma_start3A_207 : memref<16x768xf32, #tpu.memory_space<vmem>>) target_semaphore(%run_scoped3A_197 : memref<!tpu.dma_semaphore, #tpu.memory_space<semaphore_mem>>)
      %dma_wait3A_210 = arith.constant 0 : i32
      %dma_wait3A_211 = arith.constant 0 : i32
      %dma_wait3A_212 = tpu.memref_slice %arg12[%run_scoped3A_3, %dma_wait3A_210, %dma_wait3A_211] : memref<2x16x768xf32, #tpu.memory_space<vmem>> -> memref<1x16x768xf32, #tpu.memory_space<vmem>>
      %dma_wait3A_213 = tpu.memref_squeeze %dma_wait3A_212 : memref<1x16x768xf32, #tpu.memory_space<vmem>> -> memref<16x768xf32, #tpu.memory_space<vmem>>
      %dma_wait3A_214 = arith.constant 0 : i32
      %dma_wait3A_215 = tpu.memref_slice %arg5[%mul3A_2, %dma_wait3A_214] : memref<512x768xf32, #tpu.memory_space<hbm>> -> memref<16x768xf32, #tpu.memory_space<hbm>>
      %dma_wait3A_216 = arith.constant 0 : i32
      %dma_wait3A_217 = arith.constant 0 : i32
      %dma_wait3A_218 = tpu.memref_slice %arg12[%run_scoped3A_3, %dma_wait3A_216, %dma_wait3A_217] : memref<2x16x768xf32, #tpu.memory_space<vmem>> -> memref<1x16x768xf32, #tpu.memory_space<vmem>>
      %dma_wait3A_219 = tpu.memref_squeeze %dma_wait3A_218 : memref<1x16x768xf32, #tpu.memory_space<vmem>> -> memref<16x768xf32, #tpu.memory_space<vmem>>
      %dma_wait3A_220 = arith.constant 0 : i32
      %dma_wait3A_221 = tpu.memref_slice %arg5[%mul3A_2, %dma_wait3A_220] : memref<512x768xf32, #tpu.memory_space<hbm>> -> memref<16x768xf32, #tpu.memory_space<hbm>>
      tpu.wait_dma2 semaphore(%run_scoped3A_197 : memref<!tpu.dma_semaphore, #tpu.memory_space<semaphore_mem>>) src(%dma_wait3A_221 : memref<16x768xf32, #tpu.memory_space<hbm>>) dst(%dma_wait3A_219 : memref<16x768xf32, #tpu.memory_space<vmem>>)
      tpu.yield
    }) : () -> ()
    %run_scoped3A_4 = arith.constant 0 : i32
    "tpu.region"() ({
      %run_scoped3A_197 = tpu.sem_alloc : memref<!tpu.dma_semaphore, #tpu.memory_space<semaphore_mem>>
      %dma_start3A_198 = arith.constant 0 : i32
      %dma_start3A_199 = arith.constant 0 : i32
      %dma_start3A_200 = tpu.memref_slice %arg15[%run_scoped3A_4, %dma_start3A_198, %dma_start3A_199] : memref<6x16x768xf32, #tpu.memory_space<vmem>> -> memref<1x2x768xf32, #tpu.memory_space<vmem>>
      %dma_start3A_201 = tpu.memref_squeeze %dma_start3A_200 : memref<1x2x768xf32, #tpu.memory_space<vmem>> -> memref<2x768xf32, #tpu.memory_space<vmem>>
      %dma_start3A_202 = arith.constant 0 : i32
      %dma_start3A_203 = arith.constant 0 : i32
      %dma_start3A_204 = tpu.memref_slice %arg15[%run_scoped3A_4, %dma_start3A_202, %dma_start3A_203] : memref<6x16x768xf32, #tpu.memory_space<vmem>> -> memref<1x2x768xf32, #tpu.memory_space<vmem>>
      %dma_start3A_205 = tpu.memref_squeeze %dma_start3A_204 : memref<1x2x768xf32, #tpu.memory_space<vmem>> -> memref<2x768xf32, #tpu.memory_space<vmem>>
      tpu.enqueue_dma source(%arg6 : memref<2x768xf32, #tpu.memory_space<hbm>>) target(%dma_start3A_205 : memref<2x768xf32, #tpu.memory_space<vmem>>) target_semaphore(%run_scoped3A_197 : memref<!tpu.dma_semaphore, #tpu.memory_space<semaphore_mem>>)
      %dma_wait3A_206 = arith.constant 0 : i32
      %dma_wait3A_207 = arith.constant 0 : i32
      %dma_wait3A_208 = tpu.memref_slice %arg15[%run_scoped3A_4, %dma_wait3A_206, %dma_wait3A_207] : memref<6x16x768xf32, #tpu.memory_space<vmem>> -> memref<1x2x768xf32, #tpu.memory_space<vmem>>
      %dma_wait3A_209 = tpu.memref_squeeze %dma_wait3A_208 : memref<1x2x768xf32, #tpu.memory_space<vmem>> -> memref<2x768xf32, #tpu.memory_space<vmem>>
      %dma_wait3A_210 = arith.constant 0 : i32
      %dma_wait3A_211 = arith.constant 0 : i32
      %dma_wait3A_212 = tpu.memref_slice %arg15[%run_scoped3A_4, %dma_wait3A_210, %dma_wait3A_211] : memref<6x16x768xf32, #tpu.memory_space<vmem>> -> memref<1x2x768xf32, #tpu.memory_space<vmem>>
      %dma_wait3A_213 = tpu.memref_squeeze %dma_wait3A_212 : memref<1x2x768xf32, #tpu.memory_space<vmem>> -> memref<2x768xf32, #tpu.memory_space<vmem>>
      tpu.wait_dma2 semaphore(%run_scoped3A_197 : memref<!tpu.dma_semaphore, #tpu.memory_space<semaphore_mem>>) src(%arg6 : memref<2x768xf32, #tpu.memory_space<hbm>>) dst(%dma_wait3A_213 : memref<2x768xf32, #tpu.memory_space<vmem>>)
      tpu.yield
    }) : () -> ()
    %parallel_loop3A = arith.constant 0 : i32
    %parallel_loop3A_5 = arith.constant 1536 : i32
    %parallel_loop3A_6 = arith.constant 1 : i32
    scf.for %parallel_loop3A_197 = %parallel_loop3A to %parallel_loop3A_5 step %parallel_loop3A_6  : i32 {
      %parallel_loop3A_198 = arith.constant 768 : i32
      %parallel_loop3A_199 = arith.divsi %parallel_loop3A_197, %parallel_loop3A_198 : i32
      %parallel_loop3A_200 = arith.constant 0 : i32
      %parallel_loop3A_201 = arith.cmpi sgt, %parallel_loop3A_197, %parallel_loop3A_200 : i32
      %parallel_loop3A_202 = arith.extui %parallel_loop3A_201 : i1 to i32
      %parallel_loop3A_203 = arith.constant 0 : i32
      %parallel_loop3A_204 = arith.cmpi slt, %parallel_loop3A_197, %parallel_loop3A_203 : i32
      %parallel_loop3A_205 = arith.extui %parallel_loop3A_204 : i1 to i32
      %parallel_loop3A_206 = arith.subi %parallel_loop3A_202, %parallel_loop3A_205 : i32
      %parallel_loop3A_207 = arith.constant 0 : i32
      %parallel_loop3A_208 = arith.cmpi sgt, %parallel_loop3A_198, %parallel_loop3A_207 : i32
      %parallel_loop3A_209 = arith.extui %parallel_loop3A_208 : i1 to i32
      %parallel_loop3A_210 = arith.constant 0 : i32
      %parallel_loop3A_211 = arith.cmpi slt, %parallel_loop3A_198, %parallel_loop3A_210 : i32
      %parallel_loop3A_212 = arith.extui %parallel_loop3A_211 : i1 to i32
      %parallel_loop3A_213 = arith.subi %parallel_loop3A_209, %parallel_loop3A_212 : i32
      %parallel_loop3A_214 = arith.cmpi ne, %parallel_loop3A_206, %parallel_loop3A_213 : i32
      %parallel_loop3A_215 = arith.remsi %parallel_loop3A_197, %parallel_loop3A_198 : i32
      %parallel_loop3A_216 = arith.constant 0 : i32
      %parallel_loop3A_217 = arith.cmpi ne, %parallel_loop3A_215, %parallel_loop3A_216 : i32
      %parallel_loop3A_218 = arith.andi %parallel_loop3A_214, %parallel_loop3A_217 : i1
      %parallel_loop3A_219 = arith.constant 1 : i32
      %parallel_loop3A_220 = arith.subi %parallel_loop3A_199, %parallel_loop3A_219 : i32
      %parallel_loop3A_221 = arith.select %parallel_loop3A_218, %parallel_loop3A_220, %parallel_loop3A_199 : i32
      %parallel_loop3A_222 = arith.constant 768 : i32
      %parallel_loop3A_223 = arith.constant 0 : i32
      %parallel_loop3A_224 = arith.cmpi eq, %parallel_loop3A_222, %parallel_loop3A_223 : i32
      %parallel_loop3A_225 = arith.constant 1 : i32
      %parallel_loop3A_226 = arith.select %parallel_loop3A_224, %parallel_loop3A_225, %parallel_loop3A_222 : i32
      %parallel_loop3A_227 = arith.remsi %parallel_loop3A_197, %parallel_loop3A_226 : i32
      %parallel_loop3A_228 = arith.constant 0 : i32
      %parallel_loop3A_229 = arith.cmpi ne, %parallel_loop3A_227, %parallel_loop3A_228 : i32
      %parallel_loop3A_230 = arith.constant 0 : i32
      %parallel_loop3A_231 = arith.cmpi slt, %parallel_loop3A_227, %parallel_loop3A_230 : i32
      %parallel_loop3A_232 = arith.constant 0 : i32
      %parallel_loop3A_233 = arith.cmpi slt, %parallel_loop3A_226, %parallel_loop3A_232 : i32
      %parallel_loop3A_234 = arith.xori %parallel_loop3A_231, %parallel_loop3A_233 : i1
      %parallel_loop3A_235 = arith.andi %parallel_loop3A_234, %parallel_loop3A_229 : i1
      %parallel_loop3A_236 = arith.addi %parallel_loop3A_227, %parallel_loop3A_226 : i32
      %parallel_loop3A_237 = arith.select %parallel_loop3A_235, %parallel_loop3A_236, %parallel_loop3A_227 : i32
      %parallel_loop3A_238 = arith.constant 48 : i32
      %parallel_loop3A_239 = arith.divsi %parallel_loop3A_237, %parallel_loop3A_238 : i32
      %parallel_loop3A_240 = arith.constant 0 : i32
      %parallel_loop3A_241 = arith.cmpi sgt, %parallel_loop3A_237, %parallel_loop3A_240 : i32
      %parallel_loop3A_242 = arith.extui %parallel_loop3A_241 : i1 to i32
      %parallel_loop3A_243 = arith.constant 0 : i32
      %parallel_loop3A_244 = arith.cmpi slt, %parallel_loop3A_237, %parallel_loop3A_243 : i32
      %parallel_loop3A_245 = arith.extui %parallel_loop3A_244 : i1 to i32
      %parallel_loop3A_246 = arith.subi %parallel_loop3A_242, %parallel_loop3A_245 : i32
      %parallel_loop3A_247 = arith.constant 0 : i32
      %parallel_loop3A_248 = arith.cmpi sgt, %parallel_loop3A_238, %parallel_loop3A_247 : i32
      %parallel_loop3A_249 = arith.extui %parallel_loop3A_248 : i1 to i32
      %parallel_loop3A_250 = arith.constant 0 : i32
      %parallel_loop3A_251 = arith.cmpi slt, %parallel_loop3A_238, %parallel_loop3A_250 : i32
      %parallel_loop3A_252 = arith.extui %parallel_loop3A_251 : i1 to i32
      %parallel_loop3A_253 = arith.subi %parallel_loop3A_249, %parallel_loop3A_252 : i32
      %parallel_loop3A_254 = arith.cmpi ne, %parallel_loop3A_246, %parallel_loop3A_253 : i32
      %parallel_loop3A_255 = arith.remsi %parallel_loop3A_237, %parallel_loop3A_238 : i32
      %parallel_loop3A_256 = arith.constant 0 : i32
      %parallel_loop3A_257 = arith.cmpi ne, %parallel_loop3A_255, %parallel_loop3A_256 : i32
      %parallel_loop3A_258 = arith.andi %parallel_loop3A_254, %parallel_loop3A_257 : i1
      %parallel_loop3A_259 = arith.constant 1 : i32
      %parallel_loop3A_260 = arith.subi %parallel_loop3A_239, %parallel_loop3A_259 : i32
      %parallel_loop3A_261 = arith.select %parallel_loop3A_258, %parallel_loop3A_260, %parallel_loop3A_239 : i32
      %parallel_loop3A_262 = arith.constant 48 : i32
      %parallel_loop3A_263 = arith.constant 0 : i32
      %parallel_loop3A_264 = arith.cmpi eq, %parallel_loop3A_262, %parallel_loop3A_263 : i32
      %parallel_loop3A_265 = arith.constant 1 : i32
      %parallel_loop3A_266 = arith.select %parallel_loop3A_264, %parallel_loop3A_265, %parallel_loop3A_262 : i32
      %parallel_loop3A_267 = arith.remsi %parallel_loop3A_237, %parallel_loop3A_266 : i32
      %parallel_loop3A_268 = arith.constant 0 : i32
      %parallel_loop3A_269 = arith.cmpi ne, %parallel_loop3A_267, %parallel_loop3A_268 : i32
      %parallel_loop3A_270 = arith.constant 0 : i32
      %parallel_loop3A_271 = arith.cmpi slt, %parallel_loop3A_267, %parallel_loop3A_270 : i32
      %parallel_loop3A_272 = arith.constant 0 : i32
      %parallel_loop3A_273 = arith.cmpi slt, %parallel_loop3A_266, %parallel_loop3A_272 : i32
      %parallel_loop3A_274 = arith.xori %parallel_loop3A_271, %parallel_loop3A_273 : i1
      %parallel_loop3A_275 = arith.andi %parallel_loop3A_274, %parallel_loop3A_269 : i1
      %parallel_loop3A_276 = arith.addi %parallel_loop3A_267, %parallel_loop3A_266 : i32
      %parallel_loop3A_277 = arith.select %parallel_loop3A_275, %parallel_loop3A_276, %parallel_loop3A_267 : i32
      %parallel_loop3A_278 = arith.constant 16 : i32
      %parallel_loop3A_279 = arith.muli %parallel_loop3A_277, %parallel_loop3A_278 : i32
      %parallel_loop3A_280 = arith.index_cast %parallel_loop3A_221 : i32 to index
      %parallel_loop3A_281 = arith.index_cast %parallel_loop3A_261 : i32 to index
      %parallel_loop3A_282 = arith.index_cast %parallel_loop3A_279 : i32 to index
      %parallel_loop3A_283 = tpu.vector_load %arg12[%parallel_loop3A_280, %parallel_loop3A_281, %parallel_loop3A_282] {strides = array<i32>} : memref<2x16x768xf32, #tpu.memory_space<vmem>>, vector<16xf32>,
      %parallel_loop3A_284 = arith.constant 16 : i32
      %parallel_loop3A_285 = arith.muli %parallel_loop3A_277, %parallel_loop3A_284 : i32
      %parallel_loop3A_286 = arith.constant 0 : i32
      %parallel_loop3A_287 = arith.index_cast %parallel_loop3A_286 : i32 to index
      %parallel_loop3A_288 = arith.index_cast %parallel_loop3A_221 : i32 to index
      %parallel_loop3A_289 = arith.index_cast %parallel_loop3A_285 : i32 to index
      %parallel_loop3A_290 = tpu.vector_load %arg15[%parallel_loop3A_287, %parallel_loop3A_288, %parallel_loop3A_289] {strides = array<i32>} : memref<6x16x768xf32, #tpu.memory_space<vmem>>, vector<16xf32>,
      %parallel_loop3A_291 = arith.addf %parallel_loop3A_283, %parallel_loop3A_290 : vector<16xf32>
      %parallel_loop3A_292 = arith.constant 16 : i32
      %parallel_loop3A_293 = arith.muli %parallel_loop3A_277, %parallel_loop3A_292 : i32
      %parallel_loop3A_294 = arith.index_cast %parallel_loop3A_221 : i32 to index
      %parallel_loop3A_295 = arith.index_cast %parallel_loop3A_261 : i32 to index
      %parallel_loop3A_296 = arith.index_cast %parallel_loop3A_293 : i32 to index
      %parallel_loop3A_297 = tpu.vector_load %arg12[%parallel_loop3A_294, %parallel_loop3A_295, %parallel_loop3A_296] {strides = array<i32>} : memref<2x16x768xf32, #tpu.memory_space<vmem>>, vector<16xf32>,
      tpu.vector_store %arg12[%parallel_loop3A_294, %parallel_loop3A_295, %parallel_loop3A_296], %parallel_loop3A_291 {strides = array<i32>} : memref<2x16x768xf32, #tpu.memory_space<vmem>>, vector<16xf32>,
    } {sc.loop_unroll_factor = 4 : i64, sc.parallel_access}
    %iota3A = tpu.iota {dimensions = array<i32: 0>} : vector<16xi32>
    %run_scoped3A_7 = arith.constant 0 : i32
    "tpu.region"() ({
      %run_scoped3A_197 = tpu.sem_alloc : memref<!tpu.dma_semaphore, #tpu.memory_space<semaphore_mem>>
      %dma_start3A_198 = arith.constant 0 : i32
      %dma_start3A_199 = tpu.memref_slice %arg10[%run_scoped3A_7, %dma_start3A_198] : memref<6x16xi32, #tpu.memory_space<vmem>> -> memref<1x16xi32, #tpu.memory_space<vmem>>
      %dma_start3A_200 = tpu.memref_squeeze %dma_start3A_199 : memref<1x16xi32, #tpu.memory_space<vmem>> -> memref<16xi32, #tpu.memory_space<vmem>>
      %dma_start3A_201 = tpu.memref_slice %arg2[%mul3A_2] : memref<65536xi32, #tpu.memory_space<hbm>> -> memref<16xi32, #tpu.memory_space<hbm>>
      %dma_start3A_202 = arith.constant 0 : i32
      %dma_start3A_203 = tpu.memref_slice %arg10[%run_scoped3A_7, %dma_start3A_202] : memref<6x16xi32, #tpu.memory_space<vmem>> -> memref<1x16xi32, #tpu.memory_space<vmem>>
      %dma_start3A_204 = tpu.memref_squeeze %dma_start3A_203 : memref<1x16xi32, #tpu.memory_space<vmem>> -> memref<16xi32, #tpu.memory_space<vmem>>
      %dma_start3A_205 = tpu.memref_slice %arg2[%mul3A_2] : memref<65536xi32, #tpu.memory_space<hbm>> -> memref<16xi32, #tpu.memory_space<hbm>>
      tpu.enqueue_dma source(%dma_start3A_205 : memref<16xi32, #tpu.memory_space<hbm>>) target(%dma_start3A_204 : memref<16xi32, #tpu.memory_space<vmem>>) target_semaphore(%run_scoped3A_197 : memref<!tpu.dma_semaphore, #tpu.memory_space<semaphore_mem>>)
      %dma_wait3A_206 = arith.constant 0 : i32
      %dma_wait3A_207 = tpu.memref_slice %arg10[%run_scoped3A_7, %dma_wait3A_206] : memref<6x16xi32, #tpu.memory_space<vmem>> -> memref<1x16xi32, #tpu.memory_space<vmem>>
      %dma_wait3A_208 = tpu.memref_squeeze %dma_wait3A_207 : memref<1x16xi32, #tpu.memory_space<vmem>> -> memref<16xi32, #tpu.memory_space<vmem>>
      %dma_wait3A_209 = tpu.memref_slice %arg2[%mul3A_2] : memref<65536xi32, #tpu.memory_space<hbm>> -> memref<16xi32, #tpu.memory_space<hbm>>
      %dma_wait3A_210 = arith.constant 0 : i32
      %dma_wait3A_211 = tpu.memref_slice %arg10[%run_scoped3A_7, %dma_wait3A_210] : memref<6x16xi32, #tpu.memory_space<vmem>> -> memref<1x16xi32, #tpu.memory_space<vmem>>
      %dma_wait3A_212 = tpu.memref_squeeze %dma_wait3A_211 : memref<1x16xi32, #tpu.memory_space<vmem>> -> memref<16xi32, #tpu.memory_space<vmem>>
      %dma_wait3A_213 = tpu.memref_slice %arg2[%mul3A_2] : memref<65536xi32, #tpu.memory_space<hbm>> -> memref<16xi32, #tpu.memory_space<hbm>>
      tpu.wait_dma2 semaphore(%run_scoped3A_197 : memref<!tpu.dma_semaphore, #tpu.memory_space<semaphore_mem>>) src(%dma_wait3A_213 : memref<16xi32, #tpu.memory_space<hbm>>) dst(%dma_wait3A_212 : memref<16xi32, #tpu.memory_space<vmem>>)
      tpu.yield
    }) : () -> ()
    %run_scoped3A_8 = arith.constant 0 : i32
    "tpu.region"() ({
      %run_scoped3A_197 = tpu.sem_alloc : memref<!tpu.dma_semaphore, #tpu.memory_space<semaphore_mem>>
      %dma_start3A_198 = arith.constant 0 : i32
      %dma_start3A_199 = tpu.memref_slice %arg11[%run_scoped3A_8, %dma_start3A_198] : memref<6x16xi32, #tpu.memory_space<vmem>> -> memref<1x16xi32, #tpu.memory_space<vmem>>
      %dma_start3A_200 = tpu.memref_squeeze %dma_start3A_199 : memref<1x16xi32, #tpu.memory_space<vmem>> -> memref<16xi32, #tpu.memory_space<vmem>>
      %dma_start3A_201 = tpu.memref_slice %arg3[%mul3A_2] : memref<65536xi32, #tpu.memory_space<hbm>> -> memref<16xi32, #tpu.memory_space<hbm>>
      %dma_start3A_202 = arith.constant 0 : i32
      %dma_start3A_203 = tpu.memref_slice %arg11[%run_scoped3A_8, %dma_start3A_202] : memref<6x16xi32, #tpu.memory_space<vmem>> -> memref<1x16xi32, #tpu.memory_space<vmem>>
      %dma_start3A_204 = tpu.memref_squeeze %dma_start3A_203 : memref<1x16xi32, #tpu.memory_space<vmem>> -> memref<16xi32, #tpu.memory_space<vmem>>
      %dma_start3A_205 = tpu.memref_slice %arg3[%mul3A_2] : memref<65536xi32, #tpu.memory_space<hbm>> -> memref<16xi32, #tpu.memory_space<hbm>>
      tpu.enqueue_dma source(%dma_start3A_205 : memref<16xi32, #tpu.memory_space<hbm>>) target(%dma_start3A_204 : memref<16xi32, #tpu.memory_space<vmem>>) target_semaphore(%run_scoped3A_197 : memref<!tpu.dma_semaphore, #tpu.memory_space<semaphore_mem>>)
      %dma_wait3A_206 = arith.constant 0 : i32
      %dma_wait3A_207 = tpu.memref_slice %arg11[%run_scoped3A_8, %dma_wait3A_206] : memref<6x16xi32, #tpu.memory_space<vmem>> -> memref<1x16xi32, #tpu.memory_space<vmem>>
      %dma_wait3A_208 = tpu.memref_squeeze %dma_wait3A_207 : memref<1x16xi32, #tpu.memory_space<vmem>> -> memref<16xi32, #tpu.memory_space<vmem>>
      %dma_wait3A_209 = tpu.memref_slice %arg3[%mul3A_2] : memref<65536xi32, #tpu.memory_space<hbm>> -> memref<16xi32, #tpu.memory_space<hbm>>
      %dma_wait3A_210 = arith.constant 0 : i32
      %dma_wait3A_211 = tpu.memref_slice %arg11[%run_scoped3A_8, %dma_wait3A_210] : memref<6x16xi32, #tpu.memory_space<vmem>> -> memref<1x16xi32, #tpu.memory_space<vmem>>
      %dma_wait3A_212 = tpu.memref_squeeze %dma_wait3A_211 : memref<1x16xi32, #tpu.memory_space<vmem>> -> memref<16xi32, #tpu.memory_space<vmem>>
      %dma_wait3A_213 = tpu.memref_slice %arg3[%mul3A_2] : memref<65536xi32, #tpu.memory_space<hbm>> -> memref<16xi32, #tpu.memory_space<hbm>>
      tpu.wait_dma2 semaphore(%run_scoped3A_197 : memref<!tpu.dma_semaphore, #tpu.memory_space<semaphore_mem>>) src(%dma_wait3A_213 : memref<16xi32, #tpu.memory_space<hbm>>) dst(%dma_wait3A_212 : memref<16xi32, #tpu.memory_space<vmem>>)
      tpu.yield
    }) : () -> ()
    %get3A = arith.constant 0 : i32
    %get3A_9 = arith.index_cast %get3A : i32 to index
    %get3A_10 = arith.constant 0 : index
    %get3A_11 = tpu.vector_load %arg10[%get3A_9, %get3A_10] {strides = array<i32>} : memref<6x16xi32, #tpu.memory_space<vmem>>, vector<16xi32>,
    %dma_start3A = arith.constant 0 : i32
    %dma_start3A_12 = arith.constant 0 : i32
    %dma_start3A_13 = arith.constant 0 : i32
    %dma_start3A_14 = arith.constant 0 : i32
    %dma_start3A_15 = tpu.memref_slice %arg15[%dma_start3A, %dma_start3A_13, %dma_start3A_14] : memref<6x16x768xf32, #tpu.memory_space<vmem>> -> memref<1x16x768xf32, #tpu.memory_space<vmem>>
    %dma_start3A_16 = tpu.memref_squeeze %dma_start3A_15 : memref<1x16x768xf32, #tpu.memory_space<vmem>> -> memref<16x768xf32, #tpu.memory_space<vmem>>
    %dma_start3A_17 = arith.constant 0 : i32
    %dma_start3A_18 = arith.constant 0 : i32
    %dma_start3A_19 = tpu.memref_slice %arg4[%dma_start3A_17, %dma_start3A_18] : memref<30522x768xf32, #tpu.memory_space<hbm>> -> memref<30522x768xf32, #tpu.memory_space<hbm>>
    %dma_start3A_20 = tpu.memref_slice %arg16[%dma_start3A_12] : memref<6x!tpu.dma_semaphore, #tpu.memory_space<semaphore_mem>> -> memref<1x!tpu.dma_semaphore, #tpu.memory_space<semaphore_mem>>
    %dma_start3A_21 = tpu.memref_squeeze %dma_start3A_20 : memref<1x!tpu.dma_semaphore, #tpu.memory_space<semaphore_mem>> -> memref<!tpu.dma_semaphore, #tpu.memory_space<semaphore_mem>>
    tpu.enqueue_indirect_dma source(%dma_start3A_19 : memref<30522x768xf32, #tpu.memory_space<hbm>>) target(%dma_start3A_16 : memref<16x768xf32, #tpu.memory_space<vmem>>) offsets(%get3A_11 : vector<16xi32>) semaphore(%dma_start3A_21 : memref<!tpu.dma_semaphore, #tpu.memory_space<semaphore_mem>>)
    %add3A_22 = arith.constant 512 : i32
    %add3A_23 = arith.addi %add3A_22, %mul3A_2 : i32
    %dma_start3A_24 = arith.constant 1 : i32
    %dma_start3A_25 = arith.constant 1 : i32
    %dma_start3A_26 = arith.constant 0 : i32
    %dma_start3A_27 = tpu.memref_slice %arg10[%dma_start3A_24, %dma_start3A_26] : memref<6x16xi32, #tpu.memory_space<vmem>> -> memref<1x16xi32, #tpu.memory_space<vmem>>
    %dma_start3A_28 = tpu.memref_squeeze %dma_start3A_27 : memref<1x16xi32, #tpu.memory_space<vmem>> -> memref<16xi32, #tpu.memory_space<vmem>>
    %dma_start3A_29 = tpu.memref_slice %arg2[%add3A_23] : memref<65536xi32, #tpu.memory_space<hbm>> -> memref<16xi32, #tpu.memory_space<hbm>>
    %dma_start3A_30 = tpu.memref_slice %arg18[%dma_start3A_25] : memref<6x!tpu.dma_semaphore, #tpu.memory_space<semaphore_mem>> -> memref<1x!tpu.dma_semaphore, #tpu.memory_space<semaphore_mem>>
    %dma_start3A_31 = tpu.memref_squeeze %dma_start3A_30 : memref<1x!tpu.dma_semaphore, #tpu.memory_space<semaphore_mem>> -> memref<!tpu.dma_semaphore, #tpu.memory_space<semaphore_mem>>
    %dma_start3A_32 = arith.constant 0 : i32
    %dma_start3A_33 = tpu.memref_slice %arg10[%dma_start3A_24, %dma_start3A_32] : memref<6x16xi32, #tpu.memory_space<vmem>> -> memref<1x16xi32, #tpu.memory_space<vmem>>
    %dma_start3A_34 = tpu.memref_squeeze %dma_start3A_33 : memref<1x16xi32, #tpu.memory_space<vmem>> -> memref<16xi32, #tpu.memory_space<vmem>>
    %dma_start3A_35 = tpu.memref_slice %arg2[%add3A_23] : memref<65536xi32, #tpu.memory_space<hbm>> -> memref<16xi32, #tpu.memory_space<hbm>>
    tpu.enqueue_dma source(%dma_start3A_35 : memref<16xi32, #tpu.memory_space<hbm>>) target(%dma_start3A_34 : memref<16xi32, #tpu.memory_space<vmem>>) target_semaphore(%dma_start3A_31 : memref<!tpu.dma_semaphore, #tpu.memory_space<semaphore_mem>>)
    %add3A_36 = arith.constant 512 : i32
    %add3A_37 = arith.addi %add3A_36, %mul3A_2 : i32
    %dma_start3A_38 = arith.constant 1 : i32
    %dma_start3A_39 = arith.constant 1 : i32
    %dma_start3A_40 = arith.constant 0 : i32
    %dma_start3A_41 = tpu.memref_slice %arg11[%dma_start3A_38, %dma_start3A_40] : memref<6x16xi32, #tpu.memory_space<vmem>> -> memref<1x16xi32, #tpu.memory_space<vmem>>
    %dma_start3A_42 = tpu.memref_squeeze %dma_start3A_41 : memref<1x16xi32, #tpu.memory_space<vmem>> -> memref<16xi32, #tpu.memory_space<vmem>>
    %dma_start3A_43 = tpu.memref_slice %arg3[%add3A_37] : memref<65536xi32, #tpu.memory_space<hbm>> -> memref<16xi32, #tpu.memory_space<hbm>>
    %dma_start3A_44 = tpu.memref_slice %arg19[%dma_start3A_39] : memref<6x!tpu.dma_semaphore, #tpu.memory_space<semaphore_mem>> -> memref<1x!tpu.dma_semaphore, #tpu.memory_space<semaphore_mem>>
    %dma_start3A_45 = tpu.memref_squeeze %dma_start3A_44 : memref<1x!tpu.dma_semaphore, #tpu.memory_space<semaphore_mem>> -> memref<!tpu.dma_semaphore, #tpu.memory_space<semaphore_mem>>
    %dma_start3A_46 = arith.constant 0 : i32
    %dma_start3A_47 = tpu.memref_slice %arg11[%dma_start3A_38, %dma_start3A_46] : memref<6x16xi32, #tpu.memory_space<vmem>> -> memref<1x16xi32, #tpu.memory_space<vmem>>
    %dma_start3A_48 = tpu.memref_squeeze %dma_start3A_47 : memref<1x16xi32, #tpu.memory_space<vmem>> -> memref<16xi32, #tpu.memory_space<vmem>>
    %dma_start3A_49 = tpu.memref_slice %arg3[%add3A_37] : memref<65536xi32, #tpu.memory_space<hbm>> -> memref<16xi32, #tpu.memory_space<hbm>>
    tpu.enqueue_dma source(%dma_start3A_49 : memref<16xi32, #tpu.memory_space<hbm>>) target(%dma_start3A_48 : memref<16xi32, #tpu.memory_space<vmem>>) target_semaphore(%dma_start3A_45 : memref<!tpu.dma_semaphore, #tpu.memory_space<semaphore_mem>>)
    %add3A_50 = arith.constant 1024 : i32
    %add3A_51 = arith.addi %add3A_50, %mul3A_2 : i32
    %dma_start3A_52 = arith.constant 2 : i32
    %dma_start3A_53 = arith.constant 2 : i32
    %dma_start3A_54 = arith.constant 0 : i32
    %dma_start3A_55 = tpu.memref_slice %arg10[%dma_start3A_52, %dma_start3A_54] : memref<6x16xi32, #tpu.memory_space<vmem>> -> memref<1x16xi32, #tpu.memory_space<vmem>>
    %dma_start3A_56 = tpu.memref_squeeze %dma_start3A_55 : memref<1x16xi32, #tpu.memory_space<vmem>> -> memref<16xi32, #tpu.memory_space<vmem>>
    %dma_start3A_57 = tpu.memref_slice %arg2[%add3A_51] : memref<65536xi32, #tpu.memory_space<hbm>> -> memref<16xi32, #tpu.memory_space<hbm>>
    %dma_start3A_58 = tpu.memref_slice %arg18[%dma_start3A_53] : memref<6x!tpu.dma_semaphore, #tpu.memory_space<semaphore_mem>> -> memref<1x!tpu.dma_semaphore, #tpu.memory_space<semaphore_mem>>
    %dma_start3A_59 = tpu.memref_squeeze %dma_start3A_58 : memref<1x!tpu.dma_semaphore, #tpu.memory_space<semaphore_mem>> -> memref<!tpu.dma_semaphore, #tpu.memory_space<semaphore_mem>>
    %dma_start3A_60 = arith.constant 0 : i32
    %dma_start3A_61 = tpu.memref_slice %arg10[%dma_start3A_52, %dma_start3A_60] : memref<6x16xi32, #tpu.memory_space<vmem>> -> memref<1x16xi32, #tpu.memory_space<vmem>>
    %dma_start3A_62 = tpu.memref_squeeze %dma_start3A_61 : memref<1x16xi32, #tpu.memory_space<vmem>> -> memref<16xi32, #tpu.memory_space<vmem>>
    %dma_start3A_63 = tpu.memref_slice %arg2[%add3A_51] : memref<65536xi32, #tpu.memory_space<hbm>> -> memref<16xi32, #tpu.memory_space<hbm>>
    tpu.enqueue_dma source(%dma_start3A_63 : memref<16xi32, #tpu.memory_space<hbm>>) target(%dma_start3A_62 : memref<16xi32, #tpu.memory_space<vmem>>) target_semaphore(%dma_start3A_59 : memref<!tpu.dma_semaphore, #tpu.memory_space<semaphore_mem>>)
    %add3A_64 = arith.constant 1024 : i32
    %add3A_65 = arith.addi %add3A_64, %mul3A_2 : i32
    %dma_start3A_66 = arith.constant 2 : i32
    %dma_start3A_67 = arith.constant 2 : i32
    %dma_start3A_68 = arith.constant 0 : i32
    %dma_start3A_69 = tpu.memref_slice %arg11[%dma_start3A_66, %dma_start3A_68] : memref<6x16xi32, #tpu.memory_space<vmem>> -> memref<1x16xi32, #tpu.memory_space<vmem>>
    %dma_start3A_70 = tpu.memref_squeeze %dma_start3A_69 : memref<1x16xi32, #tpu.memory_space<vmem>> -> memref<16xi32, #tpu.memory_space<vmem>>
    %dma_start3A_71 = tpu.memref_slice %arg3[%add3A_65] : memref<65536xi32, #tpu.memory_space<hbm>> -> memref<16xi32, #tpu.memory_space<hbm>>
    %dma_start3A_72 = tpu.memref_slice %arg19[%dma_start3A_67] : memref<6x!tpu.dma_semaphore, #tpu.memory_space<semaphore_mem>> -> memref<1x!tpu.dma_semaphore, #tpu.memory_space<semaphore_mem>>
    %dma_start3A_73 = tpu.memref_squeeze %dma_start3A_72 : memref<1x!tpu.dma_semaphore, #tpu.memory_space<semaphore_mem>> -> memref<!tpu.dma_semaphore, #tpu.memory_space<semaphore_mem>>
    %dma_start3A_74 = arith.constant 0 : i32
    %dma_start3A_75 = tpu.memref_slice %arg11[%dma_start3A_66, %dma_start3A_74] : memref<6x16xi32, #tpu.memory_space<vmem>> -> memref<1x16xi32, #tpu.memory_space<vmem>>
    %dma_start3A_76 = tpu.memref_squeeze %dma_start3A_75 : memref<1x16xi32, #tpu.memory_space<vmem>> -> memref<16xi32, #tpu.memory_space<vmem>>
    %dma_start3A_77 = tpu.memref_slice %arg3[%add3A_65] : memref<65536xi32, #tpu.memory_space<hbm>> -> memref<16xi32, #tpu.memory_space<hbm>>
    tpu.enqueue_dma source(%dma_start3A_77 : memref<16xi32, #tpu.memory_space<hbm>>) target(%dma_start3A_76 : memref<16xi32, #tpu.memory_space<vmem>>) target_semaphore(%dma_start3A_73 : memref<!tpu.dma_semaphore, #tpu.memory_space<semaphore_mem>>)
    %scan3A = arith.constant 0 : i32
    %scan3A_78 = arith.constant 0 : i32
    %scan3A_79 = arith.constant 128 : i32
    %scan3A_80 = arith.addi %scan3A_78, %scan3A_79 : i32
    %scan3A_81 = arith.constant 1 : i32
    %scan3A_82 = scf.for %scan3A_197 = %scan3A_78 to %scan3A_80 step %scan3A_81 iter_args(%scan3A_198 = %scan3A) -> (i32)  : i32 {
      %rem3A = arith.constant 6 : i32
      %rem3A_199 = arith.remsi %scan3A_197, %rem3A : i32
      %add3A_200 = arith.constant 1 : i32
      %add3A_201 = arith.addi %scan3A_197, %add3A_200 : i32
      %rem3A_202 = arith.constant 6 : i32
      %rem3A_203 = arith.remsi %add3A_201, %rem3A_202 : i32
      %add3A_204 = arith.constant 1 : i32
      %add3A_205 = arith.addi %scan3A_197, %add3A_204 : i32
      %lt3A = arith.constant 128 : i32
      %lt3A_206 = arith.cmpi slt, %add3A_205, %lt3A : i32
      %convert_element_type3A = arith.extui %lt3A_206 : i1 to i32
      %cond3A = arith.constant 0 : i32
      %cond3A_207 = arith.cmpi ne, %convert_element_type3A, %cond3A : i32
      scf.if %cond3A_207 {
        %dma_wait3A_258 = arith.constant 0 : i32
        %dma_wait3A_259 = tpu.memref_slice %arg10[%rem3A_203, %dma_wait3A_258] : memref<6x16xi32, #tpu.memory_space<vmem>> -> memref<1x16xi32, #tpu.memory_space<vmem>>
        %dma_wait3A_260 = tpu.memref_squeeze %dma_wait3A_259 : memref<1x16xi32, #tpu.memory_space<vmem>> -> memref<16xi32, #tpu.memory_space<vmem>>
        %dma_wait3A_261 = tpu.memref_slice %arg2[%mul3A_2] : memref<65536xi32, #tpu.memory_space<hbm>> -> memref<16xi32, #tpu.memory_space<hbm>>
        %dma_wait3A_262 = tpu.memref_slice %arg18[%rem3A_203] : memref<6x!tpu.dma_semaphore, #tpu.memory_space<semaphore_mem>> -> memref<1x!tpu.dma_semaphore, #tpu.memory_space<semaphore_mem>>
        %dma_wait3A_263 = tpu.memref_squeeze %dma_wait3A_262 : memref<1x!tpu.dma_semaphore, #tpu.memory_space<semaphore_mem>> -> memref<!tpu.dma_semaphore, #tpu.memory_space<semaphore_mem>>
        %dma_wait3A_264 = arith.constant 0 : i32
        %dma_wait3A_265 = tpu.memref_slice %arg10[%rem3A_203, %dma_wait3A_264] : memref<6x16xi32, #tpu.memory_space<vmem>> -> memref<1x16xi32, #tpu.memory_space<vmem>>
        %dma_wait3A_266 = tpu.memref_squeeze %dma_wait3A_265 : memref<1x16xi32, #tpu.memory_space<vmem>> -> memref<16xi32, #tpu.memory_space<vmem>>
        %dma_wait3A_267 = tpu.memref_slice %arg2[%mul3A_2] : memref<65536xi32, #tpu.memory_space<hbm>> -> memref<16xi32, #tpu.memory_space<hbm>>
        tpu.wait_dma2 semaphore(%dma_wait3A_263 : memref<!tpu.dma_semaphore, #tpu.memory_space<semaphore_mem>>) src(%dma_wait3A_267 : memref<16xi32, #tpu.memory_space<hbm>>) dst(%dma_wait3A_266 : memref<16xi32, #tpu.memory_space<vmem>>)
        %dma_wait3A_268 = arith.constant 0 : i32
        %dma_wait3A_269 = tpu.memref_slice %arg11[%rem3A_203, %dma_wait3A_268] : memref<6x16xi32, #tpu.memory_space<vmem>> -> memref<1x16xi32, #tpu.memory_space<vmem>>
        %dma_wait3A_270 = tpu.memref_squeeze %dma_wait3A_269 : memref<1x16xi32, #tpu.memory_space<vmem>> -> memref<16xi32, #tpu.memory_space<vmem>>
        %dma_wait3A_271 = tpu.memref_slice %arg3[%mul3A_2] : memref<65536xi32, #tpu.memory_space<hbm>> -> memref<16xi32, #tpu.memory_space<hbm>>
        %dma_wait3A_272 = tpu.memref_slice %arg19[%rem3A_203] : memref<6x!tpu.dma_semaphore, #tpu.memory_space<semaphore_mem>> -> memref<1x!tpu.dma_semaphore, #tpu.memory_space<semaphore_mem>>
        %dma_wait3A_273 = tpu.memref_squeeze %dma_wait3A_272 : memref<1x!tpu.dma_semaphore, #tpu.memory_space<semaphore_mem>> -> memref<!tpu.dma_semaphore, #tpu.memory_space<semaphore_mem>>
        %dma_wait3A_274 = arith.constant 0 : i32
        %dma_wait3A_275 = tpu.memref_slice %arg11[%rem3A_203, %dma_wait3A_274] : memref<6x16xi32, #tpu.memory_space<vmem>> -> memref<1x16xi32, #tpu.memory_space<vmem>>
        %dma_wait3A_276 = tpu.memref_squeeze %dma_wait3A_275 : memref<1x16xi32, #tpu.memory_space<vmem>> -> memref<16xi32, #tpu.memory_space<vmem>>
        %dma_wait3A_277 = tpu.memref_slice %arg3[%mul3A_2] : memref<65536xi32, #tpu.memory_space<hbm>> -> memref<16xi32, #tpu.memory_space<hbm>>
        tpu.wait_dma2 semaphore(%dma_wait3A_273 : memref<!tpu.dma_semaphore, #tpu.memory_space<semaphore_mem>>) src(%dma_wait3A_277 : memref<16xi32, #tpu.memory_space<hbm>>) dst(%dma_wait3A_276 : memref<16xi32, #tpu.memory_space<vmem>>)
        %add3A_278 = arith.constant 1 : i32
        %add3A_279 = arith.addi %scan3A_197, %add3A_278 : i32
        %ge3A = arith.constant 6 : i32
        %ge3A_280 = arith.cmpi sge, %add3A_279, %ge3A : i32
        %convert_element_type3A_281 = arith.extui %ge3A_280 : i1 to i32
        %cond3A_282 = arith.constant 0 : i32
        %cond3A_283 = arith.cmpi ne, %convert_element_type3A_281, %cond3A_282 : i32
        scf.if %cond3A_283 {
          %dma_wait3A_296 = arith.constant 0 : i32
          %dma_wait3A_297 = arith.constant 0 : i32
          %dma_wait3A_298 = tpu.memref_slice %arg15[%rem3A_203, %dma_wait3A_296, %dma_wait3A_297] : memref<6x16x768xf32, #tpu.memory_space<vmem>> -> memref<1x16x768xf32, #tpu.memory_space<vmem>>
          %dma_wait3A_299 = tpu.memref_squeeze %dma_wait3A_298 : memref<1x16x768xf32, #tpu.memory_space<vmem>> -> memref<16x768xf32, #tpu.memory_space<vmem>>
          %dma_wait3A_300 = arith.constant 0 : i32
          %dma_wait3A_301 = tpu.memref_slice %arg9[%scan3A_197, %mul3A_2, %dma_wait3A_300] : memref<128x512x768xf32, #tpu.memory_space<hbm>> -> memref<1x16x768xf32, #tpu.memory_space<hbm>>
          %dma_wait3A_302 = tpu.memref_squeeze %dma_wait3A_301 : memref<1x16x768xf32, #tpu.memory_space<hbm>> -> memref<16x768xf32, #tpu.memory_space<hbm>>
          %dma_wait3A_303 = tpu.memref_slice %arg17[%rem3A_203] : memref<6x!tpu.dma_semaphore, #tpu.memory_space<semaphore_mem>> -> memref<1x!tpu.dma_semaphore, #tpu.memory_space<semaphore_mem>>
          %dma_wait3A_304 = tpu.memref_squeeze %dma_wait3A_303 : memref<1x!tpu.dma_semaphore, #tpu.memory_space<semaphore_mem>> -> memref<!tpu.dma_semaphore, #tpu.memory_space<semaphore_mem>>
          %dma_wait3A_305 = arith.constant 0 : i32
          %dma_wait3A_306 = tpu.memref_slice %arg9[%scan3A_197, %mul3A_2, %dma_wait3A_305] : memref<128x512x768xf32, #tpu.memory_space<hbm>> -> memref<1x16x768xf32, #tpu.memory_space<hbm>>
          %dma_wait3A_307 = tpu.memref_squeeze %dma_wait3A_306 : memref<1x16x768xf32, #tpu.memory_space<hbm>> -> memref<16x768xf32, #tpu.memory_space<hbm>>
          %dma_wait3A_308 = arith.constant 0 : i32
          %dma_wait3A_309 = arith.constant 0 : i32
          %dma_wait3A_310 = tpu.memref_slice %arg15[%rem3A_203, %dma_wait3A_308, %dma_wait3A_309] : memref<6x16x768xf32, #tpu.memory_space<vmem>> -> memref<1x16x768xf32, #tpu.memory_space<vmem>>
          %dma_wait3A_311 = tpu.memref_squeeze %dma_wait3A_310 : memref<1x16x768xf32, #tpu.memory_space<vmem>> -> memref<16x768xf32, #tpu.memory_space<vmem>>
          tpu.wait_dma2 semaphore(%dma_wait3A_304 : memref<!tpu.dma_semaphore, #tpu.memory_space<semaphore_mem>>) src(%dma_wait3A_311 : memref<16x768xf32, #tpu.memory_space<vmem>>) dst(%dma_wait3A_307 : memref<16x768xf32, #tpu.memory_space<hbm>>)
        } else {
        }
        %get3A_284 = arith.index_cast %rem3A_203 : i32 to index
        %get3A_285 = arith.constant 0 : index
        %get3A_286 = tpu.vector_load %arg10[%get3A_284, %get3A_285] {strides = array<i32>} : memref<6x16xi32, #tpu.memory_space<vmem>>, vector<16xi32>,
        %dma_start3A_287 = arith.constant 0 : i32
        %dma_start3A_288 = arith.constant 0 : i32
        %dma_start3A_289 = tpu.memref_slice %arg15[%rem3A_203, %dma_start3A_287, %dma_start3A_288] : memref<6x16x768xf32, #tpu.memory_space<vmem>> -> memref<1x16x768xf32, #tpu.memory_space<vmem>>
        %dma_start3A_290 = tpu.memref_squeeze %dma_start3A_289 : memref<1x16x768xf32, #tpu.memory_space<vmem>> -> memref<16x768xf32, #tpu.memory_space<vmem>>
        %dma_start3A_291 = arith.constant 0 : i32
        %dma_start3A_292 = arith.constant 0 : i32
        %dma_start3A_293 = tpu.memref_slice %arg4[%dma_start3A_291, %dma_start3A_292] : memref<30522x768xf32, #tpu.memory_space<hbm>> -> memref<30522x768xf32, #tpu.memory_space<hbm>>
        %dma_start3A_294 = tpu.memref_slice %arg16[%rem3A_203] : memref<6x!tpu.dma_semaphore, #tpu.memory_space<semaphore_mem>> -> memref<1x!tpu.dma_semaphore, #tpu.memory_space<semaphore_mem>>
        %dma_start3A_295 = tpu.memref_squeeze %dma_start3A_294 : memref<1x!tpu.dma_semaphore, #tpu.memory_space<semaphore_mem>> -> memref<!tpu.dma_semaphore, #tpu.memory_space<semaphore_mem>>
        tpu.enqueue_indirect_dma source(%dma_start3A_293 : memref<30522x768xf32, #tpu.memory_space<hbm>>) target(%dma_start3A_290 : memref<16x768xf32, #tpu.memory_space<vmem>>) offsets(%get3A_286 : vector<16xi32>) semaphore(%dma_start3A_295 : memref<!tpu.dma_semaphore, #tpu.memory_space<semaphore_mem>>)
      } else {
      }
      %add3A_208 = arith.constant 3 : i32
      %add3A_209 = arith.addi %scan3A_197, %add3A_208 : i32
      %lt3A_210 = arith.constant 128 : i32
      %lt3A_211 = arith.cmpi slt, %add3A_209, %lt3A_210 : i32
      %convert_element_type3A_212 = arith.extui %lt3A_211 : i1 to i32
      %cond3A_213 = arith.constant 0 : i32
      %cond3A_214 = arith.cmpi ne, %convert_element_type3A_212, %cond3A_213 : i32
      scf.if %cond3A_214 {
        %add3A_258 = arith.constant 3 : i32
        %add3A_259 = arith.addi %scan3A_197, %add3A_258 : i32
        %mul3A_260 = arith.constant 512 : i32
        %mul3A_261 = arith.muli %add3A_259, %mul3A_260 : i32
        %add3A_262 = arith.addi %mul3A_261, %mul3A_2 : i32
        %add3A_263 = arith.constant 3 : i32
        %add3A_264 = arith.addi %scan3A_197, %add3A_263 : i32
        %rem3A_265 = arith.constant 6 : i32
        %rem3A_266 = arith.remsi %add3A_264, %rem3A_265 : i32
        %dma_start3A_267 = arith.constant 0 : i32
        %dma_start3A_268 = tpu.memref_slice %arg10[%rem3A_266, %dma_start3A_267] : memref<6x16xi32, #tpu.memory_space<vmem>> -> memref<1x16xi32, #tpu.memory_space<vmem>>
        %dma_start3A_269 = tpu.memref_squeeze %dma_start3A_268 : memref<1x16xi32, #tpu.memory_space<vmem>> -> memref<16xi32, #tpu.memory_space<vmem>>
        %dma_start3A_270 = tpu.memref_slice %arg2[%add3A_262] : memref<65536xi32, #tpu.memory_space<hbm>> -> memref<16xi32, #tpu.memory_space<hbm>>
        %dma_start3A_271 = tpu.memref_slice %arg18[%rem3A_266] : memref<6x!tpu.dma_semaphore, #tpu.memory_space<semaphore_mem>> -> memref<1x!tpu.dma_semaphore, #tpu.memory_space<semaphore_mem>>
        %dma_start3A_272 = tpu.memref_squeeze %dma_start3A_271 : memref<1x!tpu.dma_semaphore, #tpu.memory_space<semaphore_mem>> -> memref<!tpu.dma_semaphore, #tpu.memory_space<semaphore_mem>>
        %dma_start3A_273 = arith.constant 0 : i32
        %dma_start3A_274 = tpu.memref_slice %arg10[%rem3A_266, %dma_start3A_273] : memref<6x16xi32, #tpu.memory_space<vmem>> -> memref<1x16xi32, #tpu.memory_space<vmem>>
        %dma_start3A_275 = tpu.memref_squeeze %dma_start3A_274 : memref<1x16xi32, #tpu.memory_space<vmem>> -> memref<16xi32, #tpu.memory_space<vmem>>
        %dma_start3A_276 = tpu.memref_slice %arg2[%add3A_262] : memref<65536xi32, #tpu.memory_space<hbm>> -> memref<16xi32, #tpu.memory_space<hbm>>
        tpu.enqueue_dma source(%dma_start3A_276 : memref<16xi32, #tpu.memory_space<hbm>>) target(%dma_start3A_275 : memref<16xi32, #tpu.memory_space<vmem>>) target_semaphore(%dma_start3A_272 : memref<!tpu.dma_semaphore, #tpu.memory_space<semaphore_mem>>)
        %dma_start3A_277 = arith.constant 0 : i32
        %dma_start3A_278 = tpu.memref_slice %arg11[%rem3A_266, %dma_start3A_277] : memref<6x16xi32, #tpu.memory_space<vmem>> -> memref<1x16xi32, #tpu.memory_space<vmem>>
        %dma_start3A_279 = tpu.memref_squeeze %dma_start3A_278 : memref<1x16xi32, #tpu.memory_space<vmem>> -> memref<16xi32, #tpu.memory_space<vmem>>
        %dma_start3A_280 = tpu.memref_slice %arg3[%add3A_262] : memref<65536xi32, #tpu.memory_space<hbm>> -> memref<16xi32, #tpu.memory_space<hbm>>
        %dma_start3A_281 = tpu.memref_slice %arg19[%rem3A_266] : memref<6x!tpu.dma_semaphore, #tpu.memory_space<semaphore_mem>> -> memref<1x!tpu.dma_semaphore, #tpu.memory_space<semaphore_mem>>
        %dma_start3A_282 = tpu.memref_squeeze %dma_start3A_281 : memref<1x!tpu.dma_semaphore, #tpu.memory_space<semaphore_mem>> -> memref<!tpu.dma_semaphore, #tpu.memory_space<semaphore_mem>>
        %dma_start3A_283 = arith.constant 0 : i32
        %dma_start3A_284 = tpu.memref_slice %arg11[%rem3A_266, %dma_start3A_283] : memref<6x16xi32, #tpu.memory_space<vmem>> -> memref<1x16xi32, #tpu.memory_space<vmem>>
        %dma_start3A_285 = tpu.memref_squeeze %dma_start3A_284 : memref<1x16xi32, #tpu.memory_space<vmem>> -> memref<16xi32, #tpu.memory_space<vmem>>
        %dma_start3A_286 = tpu.memref_slice %arg3[%add3A_262] : memref<65536xi32, #tpu.memory_space<hbm>> -> memref<16xi32, #tpu.memory_space<hbm>>
        tpu.enqueue_dma source(%dma_start3A_286 : memref<16xi32, #tpu.memory_space<hbm>>) target(%dma_start3A_285 : memref<16xi32, #tpu.memory_space<vmem>>) target_semaphore(%dma_start3A_282 : memref<!tpu.dma_semaphore, #tpu.memory_space<semaphore_mem>>)
      } else {
      }
      %dma_wait3A_215 = arith.constant 0 : i32
      %dma_wait3A_216 = arith.constant 0 : i32
      %dma_wait3A_217 = tpu.memref_slice %arg15[%rem3A_199, %dma_wait3A_215, %dma_wait3A_216] : memref<6x16x768xf32, #tpu.memory_space<vmem>> -> memref<1x16x768xf32, #tpu.memory_space<vmem>>
      %dma_wait3A_218 = tpu.memref_squeeze %dma_wait3A_217 : memref<1x16x768xf32, #tpu.memory_space<vmem>> -> memref<16x768xf32, #tpu.memory_space<vmem>>
      %dma_wait3A_219 = arith.constant 0 : i32
      %dma_wait3A_220 = arith.constant 0 : i32
      %dma_wait3A_221 = tpu.memref_slice %arg5[%dma_wait3A_219, %dma_wait3A_220] : memref<512x768xf32, #tpu.memory_space<hbm>> -> memref<16x768xf32, #tpu.memory_space<hbm>>
      %dma_wait3A_222 = tpu.memref_slice %arg16[%rem3A_199] : memref<6x!tpu.dma_semaphore, #tpu.memory_space<semaphore_mem>> -> memref<1x!tpu.dma_semaphore, #tpu.memory_space<semaphore_mem>>
      %dma_wait3A_223 = tpu.memref_squeeze %dma_wait3A_222 : memref<1x!tpu.dma_semaphore, #tpu.memory_space<semaphore_mem>> -> memref<!tpu.dma_semaphore, #tpu.memory_space<semaphore_mem>>
      %dma_wait3A_224 = arith.constant 0 : i32
      %dma_wait3A_225 = arith.constant 0 : i32
      %dma_wait3A_226 = tpu.memref_slice %arg15[%rem3A_199, %dma_wait3A_224, %dma_wait3A_225] : memref<6x16x768xf32, #tpu.memory_space<vmem>> -> memref<1x16x768xf32, #tpu.memory_space<vmem>>
      %dma_wait3A_227 = tpu.memref_squeeze %dma_wait3A_226 : memref<1x16x768xf32, #tpu.memory_space<vmem>> -> memref<16x768xf32, #tpu.memory_space<vmem>>
      %dma_wait3A_228 = arith.constant 0 : i32
      %dma_wait3A_229 = arith.constant 0 : i32
      %dma_wait3A_230 = tpu.memref_slice %arg5[%dma_wait3A_228, %dma_wait3A_229] : memref<512x768xf32, #tpu.memory_space<hbm>> -> memref<16x768xf32, #tpu.memory_space<hbm>>
      tpu.wait_dma2 semaphore(%dma_wait3A_223 : memref<!tpu.dma_semaphore, #tpu.memory_space<semaphore_mem>>) src(%dma_wait3A_230 : memref<16x768xf32, #tpu.memory_space<hbm>>) dst(%dma_wait3A_227 : memref<16x768xf32, #tpu.memory_space<vmem>>)
      %get3A_231 = arith.index_cast %rem3A_199 : i32 to index
      %get3A_232 = arith.constant 0 : index
      %get3A_233 = tpu.vector_load %arg11[%get3A_231, %get3A_232] {strides = array<i32>} : memref<6x16xi32, #tpu.memory_space<vmem>>, vector<16xi32>,
      %scan3A_234 = arith.constant 0 : i32
      %scan3A_235 = arith.constant 0 : i32
      %scan3A_236 = arith.constant 2 : i32
      %scan3A_237 = arith.addi %scan3A_235, %scan3A_236 : i32
      %scan3A_238 = arith.constant 1 : i32
      %scan3A_239 = scf.for %scan3A_258 = %scan3A_235 to %scan3A_237 step %scan3A_238 iter_args(%scan3A_259 = %scan3A_234) -> (i32)  : i32 {
        %mul3A_260 = arith.constant 8 : i32
        %mul3A_261 = arith.muli %scan3A_258, %mul3A_260 : i32
        %add3A_262 = arith.constant 0 : i32
        %add3A_263 = arith.addi %mul3A_261, %add3A_262 : i32
        %eq3A = vector.broadcast %add3A_263 : i32 to vector<16xi32>
        %eq3A_264 = arith.cmpi eq, %iota3A, %eq3A : vector<16xi32>
        %jit3A = arith.constant 0 : i32
        %broadcast_in_dim3A = vector.broadcast %jit3A : i32 to vector<16xi32>
        %select_n3A = arith.select %eq3A_264, %get3A_233, %broadcast_in_dim3A : vector<16xi1>, vector<16xi32>
        %reduce_max3A = arith.constant true
        %reduce_max3A_265 = vector.broadcast %reduce_max3A : i1 to vector<16xi1>
        %reduce_max3A_266 = arith.constant -2147483648 : i32
        %reduce_max3A_267 = vector.broadcast %reduce_max3A_266 : i32 to vector<16xi32>
        %reduce_max3A_268 = arith.xori %select_n3A, %reduce_max3A_267 : vector<16xi32>
        %reduce_max3A_269 = tpu.scan <max>, %reduce_max3A_268 masked %reduce_max3A_265 : vector<16xi32>, vector<16xi1> -> vector<16xi32>
        %reduce_max3A_270 = arith.xori %reduce_max3A_269, %reduce_max3A_267 : vector<16xi32>
        %reduce_max3A_271 = vector.extract %reduce_max3A_270[15] : i32 from vector<16xi32>
        %add3A_272 = arith.constant 1 : i32
        %add3A_273 = arith.addi %mul3A_261, %add3A_272 : i32
        %eq3A_274 = vector.broadcast %add3A_273 : i32 to vector<16xi32>
        %eq3A_275 = arith.cmpi eq, %iota3A, %eq3A_274 : vector<16xi32>
        %jit3A_276 = arith.constant 0 : i32
        %broadcast_in_dim3A_277 = vector.broadcast %jit3A_276 : i32 to vector<16xi32>
        %select_n3A_278 = arith.select %eq3A_275, %get3A_233, %broadcast_in_dim3A_277 : vector<16xi1>, vector<16xi32>
        %reduce_max3A_279 = arith.constant true
        %reduce_max3A_280 = vector.broadcast %reduce_max3A_279 : i1 to vector<16xi1>
        %reduce_max3A_281 = arith.constant -2147483648 : i32
        %reduce_max3A_282 = vector.broadcast %reduce_max3A_281 : i32 to vector<16xi32>
        %reduce_max3A_283 = arith.xori %select_n3A_278, %reduce_max3A_282 : vector<16xi32>
        %reduce_max3A_284 = tpu.scan <max>, %reduce_max3A_283 masked %reduce_max3A_280 : vector<16xi32>, vector<16xi1> -> vector<16xi32>
        %reduce_max3A_285 = arith.xori %reduce_max3A_284, %reduce_max3A_282 : vector<16xi32>
        %reduce_max3A_286 = vector.extract %reduce_max3A_285[15] : i32 from vector<16xi32>
        %add3A_287 = arith.constant 2 : i32
        %add3A_288 = arith.addi %mul3A_261, %add3A_287 : i32
        %eq3A_289 = vector.broadcast %add3A_288 : i32 to vector<16xi32>
        %eq3A_290 = arith.cmpi eq, %iota3A, %eq3A_289 : vector<16xi32>
        %jit3A_291 = arith.constant 0 : i32
        %broadcast_in_dim3A_292 = vector.broadcast %jit3A_291 : i32 to vector<16xi32>
        %select_n3A_293 = arith.select %eq3A_290, %get3A_233, %broadcast_in_dim3A_292 : vector<16xi1>, vector<16xi32>
        %reduce_max3A_294 = arith.constant true
        %reduce_max3A_295 = vector.broadcast %reduce_max3A_294 : i1 to vector<16xi1>
        %reduce_max3A_296 = arith.constant -2147483648 : i32
        %reduce_max3A_297 = vector.broadcast %reduce_max3A_296 : i32 to vector<16xi32>
        %reduce_max3A_298 = arith.xori %select_n3A_293, %reduce_max3A_297 : vector<16xi32>
        %reduce_max3A_299 = tpu.scan <max>, %reduce_max3A_298 masked %reduce_max3A_295 : vector<16xi32>, vector<16xi1> -> vector<16xi32>
        %reduce_max3A_300 = arith.xori %reduce_max3A_299, %reduce_max3A_297 : vector<16xi32>
        %reduce_max3A_301 = vector.extract %reduce_max3A_300[15] : i32 from vector<16xi32>
        %add3A_302 = arith.constant 3 : i32
        %add3A_303 = arith.addi %mul3A_261, %add3A_302 : i32
        %eq3A_304 = vector.broadcast %add3A_303 : i32 to vector<16xi32>
        %eq3A_305 = arith.cmpi eq, %iota3A, %eq3A_304 : vector<16xi32>
        %jit3A_306 = arith.constant 0 : i32
        %broadcast_in_dim3A_307 = vector.broadcast %jit3A_306 : i32 to vector<16xi32>
        %select_n3A_308 = arith.select %eq3A_305, %get3A_233, %broadcast_in_dim3A_307 : vector<16xi1>, vector<16xi32>
        %reduce_max3A_309 = arith.constant true
        %reduce_max3A_310 = vector.broadcast %reduce_max3A_309 : i1 to vector<16xi1>
        %reduce_max3A_311 = arith.constant -2147483648 : i32
        %reduce_max3A_312 = vector.broadcast %reduce_max3A_311 : i32 to vector<16xi32>
        %reduce_max3A_313 = arith.xori %select_n3A_308, %reduce_max3A_312 : vector<16xi32>
        %reduce_max3A_314 = tpu.scan <max>, %reduce_max3A_313 masked %reduce_max3A_310 : vector<16xi32>, vector<16xi1> -> vector<16xi32>
        %reduce_max3A_315 = arith.xori %reduce_max3A_314, %reduce_max3A_312 : vector<16xi32>
        %reduce_max3A_316 = vector.extract %reduce_max3A_315[15] : i32 from vector<16xi32>
        %add3A_317 = arith.constant 4 : i32
        %add3A_318 = arith.addi %mul3A_261, %add3A_317 : i32
        %eq3A_319 = vector.broadcast %add3A_318 : i32 to vector<16xi32>
        %eq3A_320 = arith.cmpi eq, %iota3A, %eq3A_319 : vector<16xi32>
        %jit3A_321 = arith.constant 0 : i32
        %broadcast_in_dim3A_322 = vector.broadcast %jit3A_321 : i32 to vector<16xi32>
        %select_n3A_323 = arith.select %eq3A_320, %get3A_233, %broadcast_in_dim3A_322 : vector<16xi1>, vector<16xi32>
        %reduce_max3A_324 = arith.constant true
        %reduce_max3A_325 = vector.broadcast %reduce_max3A_324 : i1 to vector<16xi1>
        %reduce_max3A_326 = arith.constant -2147483648 : i32
        %reduce_max3A_327 = vector.broadcast %reduce_max3A_326 : i32 to vector<16xi32>
        %reduce_max3A_328 = arith.xori %select_n3A_323, %reduce_max3A_327 : vector<16xi32>
        %reduce_max3A_329 = tpu.scan <max>, %reduce_max3A_328 masked %reduce_max3A_325 : vector<16xi32>, vector<16xi1> -> vector<16xi32>
        %reduce_max3A_330 = arith.xori %reduce_max3A_329, %reduce_max3A_327 : vector<16xi32>
        %reduce_max3A_331 = vector.extract %reduce_max3A_330[15] : i32 from vector<16xi32>
        %add3A_332 = arith.constant 5 : i32
        %add3A_333 = arith.addi %mul3A_261, %add3A_332 : i32
        %eq3A_334 = vector.broadcast %add3A_333 : i32 to vector<16xi32>
        %eq3A_335 = arith.cmpi eq, %iota3A, %eq3A_334 : vector<16xi32>
        %jit3A_336 = arith.constant 0 : i32
        %broadcast_in_dim3A_337 = vector.broadcast %jit3A_336 : i32 to vector<16xi32>
        %select_n3A_338 = arith.select %eq3A_335, %get3A_233, %broadcast_in_dim3A_337 : vector<16xi1>, vector<16xi32>
        %reduce_max3A_339 = arith.constant true
        %reduce_max3A_340 = vector.broadcast %reduce_max3A_339 : i1 to vector<16xi1>
        %reduce_max3A_341 = arith.constant -2147483648 : i32
        %reduce_max3A_342 = vector.broadcast %reduce_max3A_341 : i32 to vector<16xi32>
        %reduce_max3A_343 = arith.xori %select_n3A_338, %reduce_max3A_342 : vector<16xi32>
        %reduce_max3A_344 = tpu.scan <max>, %reduce_max3A_343 masked %reduce_max3A_340 : vector<16xi32>, vector<16xi1> -> vector<16xi32>
        %reduce_max3A_345 = arith.xori %reduce_max3A_344, %reduce_max3A_342 : vector<16xi32>
        %reduce_max3A_346 = vector.extract %reduce_max3A_345[15] : i32 from vector<16xi32>
        %add3A_347 = arith.constant 6 : i32
        %add3A_348 = arith.addi %mul3A_261, %add3A_347 : i32
        %eq3A_349 = vector.broadcast %add3A_348 : i32 to vector<16xi32>
        %eq3A_350 = arith.cmpi eq, %iota3A, %eq3A_349 : vector<16xi32>
        %jit3A_351 = arith.constant 0 : i32
        %broadcast_in_dim3A_352 = vector.broadcast %jit3A_351 : i32 to vector<16xi32>
        %select_n3A_353 = arith.select %eq3A_350, %get3A_233, %broadcast_in_dim3A_352 : vector<16xi1>, vector<16xi32>
        %reduce_max3A_354 = arith.constant true
        %reduce_max3A_355 = vector.broadcast %reduce_max3A_354 : i1 to vector<16xi1>
        %reduce_max3A_356 = arith.constant -2147483648 : i32
        %reduce_max3A_357 = vector.broadcast %reduce_max3A_356 : i32 to vector<16xi32>
        %reduce_max3A_358 = arith.xori %select_n3A_353, %reduce_max3A_357 : vector<16xi32>
        %reduce_max3A_359 = tpu.scan <max>, %reduce_max3A_358 masked %reduce_max3A_355 : vector<16xi32>, vector<16xi1> -> vector<16xi32>
        %reduce_max3A_360 = arith.xori %reduce_max3A_359, %reduce_max3A_357 : vector<16xi32>
        %reduce_max3A_361 = vector.extract %reduce_max3A_360[15] : i32 from vector<16xi32>
        %add3A_362 = arith.constant 7 : i32
        %add3A_363 = arith.addi %mul3A_261, %add3A_362 : i32
        %eq3A_364 = vector.broadcast %add3A_363 : i32 to vector<16xi32>
        %eq3A_365 = arith.cmpi eq, %iota3A, %eq3A_364 : vector<16xi32>
        %jit3A_366 = arith.constant 0 : i32
        %broadcast_in_dim3A_367 = vector.broadcast %jit3A_366 : i32 to vector<16xi32>
        %select_n3A_368 = arith.select %eq3A_365, %get3A_233, %broadcast_in_dim3A_367 : vector<16xi1>, vector<16xi32>
        %reduce_max3A_369 = arith.constant true
        %reduce_max3A_370 = vector.broadcast %reduce_max3A_369 : i1 to vector<16xi1>
        %reduce_max3A_371 = arith.constant -2147483648 : i32
        %reduce_max3A_372 = vector.broadcast %reduce_max3A_371 : i32 to vector<16xi32>
        %reduce_max3A_373 = arith.xori %select_n3A_368, %reduce_max3A_372 : vector<16xi32>
        %reduce_max3A_374 = tpu.scan <max>, %reduce_max3A_373 masked %reduce_max3A_370 : vector<16xi32>, vector<16xi1> -> vector<16xi32>
        %reduce_max3A_375 = arith.xori %reduce_max3A_374, %reduce_max3A_372 : vector<16xi32>
        %reduce_max3A_376 = vector.extract %reduce_max3A_375[15] : i32 from vector<16xi32>
        %broadcast_in_dim3A_377 = arith.constant 0.000000e+00 : f32
        %broadcast_in_dim3A_378 = vector.broadcast %broadcast_in_dim3A_377 : f32 to vector<16xf32>
        %parallel_loop3A_379 = arith.constant 0 : i32
        %parallel_loop3A_380 = arith.constant 48 : i32
        %parallel_loop3A_381 = arith.constant 1 : i32
        %parallel_loop3A_382:16 = scf.for %parallel_loop3A_759 = %parallel_loop3A_379 to %parallel_loop3A_380 step %parallel_loop3A_381 iter_args(%parallel_loop3A_760 = %broadcast_in_dim3A_378, %parallel_loop3A_761 = %broadcast_in_dim3A_378, %parallel_loop3A_762 = %broadcast_in_dim3A_378, %parallel_loop3A_763 = %broadcast_in_dim3A_378, %parallel_loop3A_764 = %broadcast_in_dim3A_378, %parallel_loop3A_765 = %broadcast_in_dim3A_378, %parallel_loop3A_766 = %broadcast_in_dim3A_378, %parallel_loop3A_767 = %broadcast_in_dim3A_378, %parallel_loop3A_768 = %broadcast_in_dim3A_378, %parallel_loop3A_769 = %broadcast_in_dim3A_378, %parallel_loop3A_770 = %broadcast_in_dim3A_378, %parallel_loop3A_771 = %broadcast_in_dim3A_378, %parallel_loop3A_772 = %broadcast_in_dim3A_378, %parallel_loop3A_773 = %broadcast_in_dim3A_378, %parallel_loop3A_774 = %broadcast_in_dim3A_378, %parallel_loop3A_775 = %broadcast_in_dim3A_378) -> (vector<16xf32>, vector<16xf32>, vector<16xf32>, vector<16xf32>, vector<16xf32>, vector<16xf32>, vector<16xf32>, vector<16xf32>, vector<16xf32>, vector<16xf32>, vector<16xf32>, vector<16xf32>, vector<16xf32>, vector<16xf32>, vector<16xf32>, vector<16xf32>)  : i32 {
          %parallel_loop3A_776 = arith.constant 16 : i32
          %parallel_loop3A_777 = arith.muli %parallel_loop3A_759, %parallel_loop3A_776 : i32
          %parallel_loop3A_778 = arith.constant 0 : i32
          %parallel_loop3A_779 = arith.addi %mul3A_261, %parallel_loop3A_778 : i32
          %parallel_loop3A_780 = arith.index_cast %rem3A_199 : i32 to index
          %parallel_loop3A_781 = arith.index_cast %parallel_loop3A_779 : i32 to index
          %parallel_loop3A_782 = arith.index_cast %parallel_loop3A_777 : i32 to index
          %parallel_loop3A_783 = tpu.vector_load %arg15[%parallel_loop3A_780, %parallel_loop3A_781, %parallel_loop3A_782] {strides = array<i32>} : memref<6x16x768xf32, #tpu.memory_space<vmem>>, vector<16xf32>,
          %parallel_loop3A_784 = arith.constant 0 : i32
          %parallel_loop3A_785 = arith.addi %mul3A_261, %parallel_loop3A_784 : i32
          %parallel_loop3A_786 = arith.index_cast %reduce_max3A_271 : i32 to index
          %parallel_loop3A_787 = arith.index_cast %parallel_loop3A_785 : i32 to index
          %parallel_loop3A_788 = arith.index_cast %parallel_loop3A_777 : i32 to index
          %parallel_loop3A_789 = tpu.vector_load %arg12[%parallel_loop3A_786, %parallel_loop3A_787, %parallel_loop3A_788] {strides = array<i32>} : memref<2x16x768xf32, #tpu.memory_space<vmem>>, vector<16xf32>,
          %parallel_loop3A_790 = arith.addf %parallel_loop3A_783, %parallel_loop3A_789 : vector<16xf32>
          %parallel_loop3A_791 = arith.constant 0 : i32
          %parallel_loop3A_792 = arith.addi %mul3A_261, %parallel_loop3A_791 : i32
          %parallel_loop3A_793 = arith.index_cast %rem3A_199 : i32 to index
          %parallel_loop3A_794 = arith.index_cast %parallel_loop3A_792 : i32 to index
          %parallel_loop3A_795 = arith.index_cast %parallel_loop3A_777 : i32 to index
          %parallel_loop3A_796 = tpu.vector_load %arg15[%parallel_loop3A_793, %parallel_loop3A_794, %parallel_loop3A_795] {strides = array<i32>} : memref<6x16x768xf32, #tpu.memory_space<vmem>>, vector<16xf32>,
          tpu.vector_store %arg15[%parallel_loop3A_793, %parallel_loop3A_794, %parallel_loop3A_795], %parallel_loop3A_790 {strides = array<i32>} : memref<6x16x768xf32, #tpu.memory_space<vmem>>, vector<16xf32>,
          %parallel_loop3A_797 = arith.addf %parallel_loop3A_760, %parallel_loop3A_790 : vector<16xf32>
          %parallel_loop3A_798 = arith.mulf %parallel_loop3A_790, %parallel_loop3A_790 : vector<16xf32>
          %parallel_loop3A_799 = arith.addf %parallel_loop3A_768, %parallel_loop3A_798 : vector<16xf32>
          %parallel_loop3A_800 = arith.constant 1 : i32
          %parallel_loop3A_801 = arith.addi %mul3A_261, %parallel_loop3A_800 : i32
          %parallel_loop3A_802 = arith.index_cast %rem3A_199 : i32 to index
          %parallel_loop3A_803 = arith.index_cast %parallel_loop3A_801 : i32 to index
          %parallel_loop3A_804 = arith.index_cast %parallel_loop3A_777 : i32 to index
          %parallel_loop3A_805 = tpu.vector_load %arg15[%parallel_loop3A_802, %parallel_loop3A_803, %parallel_loop3A_804] {strides = array<i32>} : memref<6x16x768xf32, #tpu.memory_space<vmem>>, vector<16xf32>,
          %parallel_loop3A_806 = arith.constant 1 : i32
          %parallel_loop3A_807 = arith.addi %mul3A_261, %parallel_loop3A_806 : i32
          %parallel_loop3A_808 = arith.index_cast %reduce_max3A_286 : i32 to index
          %parallel_loop3A_809 = arith.index_cast %parallel_loop3A_807 : i32 to index
          %parallel_loop3A_810 = arith.index_cast %parallel_loop3A_777 : i32 to index
          %parallel_loop3A_811 = tpu.vector_load %arg12[%parallel_loop3A_808, %parallel_loop3A_809, %parallel_loop3A_810] {strides = array<i32>} : memref<2x16x768xf32, #tpu.memory_space<vmem>>, vector<16xf32>,
          %parallel_loop3A_812 = arith.addf %parallel_loop3A_805, %parallel_loop3A_811 : vector<16xf32>
          %parallel_loop3A_813 = arith.constant 1 : i32
          %parallel_loop3A_814 = arith.addi %mul3A_261, %parallel_loop3A_813 : i32
          %parallel_loop3A_815 = arith.index_cast %rem3A_199 : i32 to index
          %parallel_loop3A_816 = arith.index_cast %parallel_loop3A_814 : i32 to index
          %parallel_loop3A_817 = arith.index_cast %parallel_loop3A_777 : i32 to index
          %parallel_loop3A_818 = tpu.vector_load %arg15[%parallel_loop3A_815, %parallel_loop3A_816, %parallel_loop3A_817] {strides = array<i32>} : memref<6x16x768xf32, #tpu.memory_space<vmem>>, vector<16xf32>,
          tpu.vector_store %arg15[%parallel_loop3A_815, %parallel_loop3A_816, %parallel_loop3A_817], %parallel_loop3A_812 {strides = array<i32>} : memref<6x16x768xf32, #tpu.memory_space<vmem>>, vector<16xf32>,
          %parallel_loop3A_819 = arith.addf %parallel_loop3A_761, %parallel_loop3A_812 : vector<16xf32>
          %parallel_loop3A_820 = arith.mulf %parallel_loop3A_812, %parallel_loop3A_812 : vector<16xf32>
          %parallel_loop3A_821 = arith.addf %parallel_loop3A_769, %parallel_loop3A_820 : vector<16xf32>
          %parallel_loop3A_822 = arith.constant 2 : i32
          %parallel_loop3A_823 = arith.addi %mul3A_261, %parallel_loop3A_822 : i32
          %parallel_loop3A_824 = arith.index_cast %rem3A_199 : i32 to index
          %parallel_loop3A_825 = arith.index_cast %parallel_loop3A_823 : i32 to index
          %parallel_loop3A_826 = arith.index_cast %parallel_loop3A_777 : i32 to index
          %parallel_loop3A_827 = tpu.vector_load %arg15[%parallel_loop3A_824, %parallel_loop3A_825, %parallel_loop3A_826] {strides = array<i32>} : memref<6x16x768xf32, #tpu.memory_space<vmem>>, vector<16xf32>,
          %parallel_loop3A_828 = arith.constant 2 : i32
          %parallel_loop3A_829 = arith.addi %mul3A_261, %parallel_loop3A_828 : i32
          %parallel_loop3A_830 = arith.index_cast %reduce_max3A_301 : i32 to index
          %parallel_loop3A_831 = arith.index_cast %parallel_loop3A_829 : i32 to index
          %parallel_loop3A_832 = arith.index_cast %parallel_loop3A_777 : i32 to index
          %parallel_loop3A_833 = tpu.vector_load %arg12[%parallel_loop3A_830, %parallel_loop3A_831, %parallel_loop3A_832] {strides = array<i32>} : memref<2x16x768xf32, #tpu.memory_space<vmem>>, vector<16xf32>,
          %parallel_loop3A_834 = arith.addf %parallel_loop3A_827, %parallel_loop3A_833 : vector<16xf32>
          %parallel_loop3A_835 = arith.constant 2 : i32
          %parallel_loop3A_836 = arith.addi %mul3A_261, %parallel_loop3A_835 : i32
          %parallel_loop3A_837 = arith.index_cast %rem3A_199 : i32 to index
          %parallel_loop3A_838 = arith.index_cast %parallel_loop3A_836 : i32 to index
          %parallel_loop3A_839 = arith.index_cast %parallel_loop3A_777 : i32 to index
          %parallel_loop3A_840 = tpu.vector_load %arg15[%parallel_loop3A_837, %parallel_loop3A_838, %parallel_loop3A_839] {strides = array<i32>} : memref<6x16x768xf32, #tpu.memory_space<vmem>>, vector<16xf32>,
          tpu.vector_store %arg15[%parallel_loop3A_837, %parallel_loop3A_838, %parallel_loop3A_839], %parallel_loop3A_834 {strides = array<i32>} : memref<6x16x768xf32, #tpu.memory_space<vmem>>, vector<16xf32>,
          %parallel_loop3A_841 = arith.addf %parallel_loop3A_762, %parallel_loop3A_834 : vector<16xf32>
          %parallel_loop3A_842 = arith.mulf %parallel_loop3A_834, %parallel_loop3A_834 : vector<16xf32>
          %parallel_loop3A_843 = arith.addf %parallel_loop3A_770, %parallel_loop3A_842 : vector<16xf32>
          %parallel_loop3A_844 = arith.constant 3 : i32
          %parallel_loop3A_845 = arith.addi %mul3A_261, %parallel_loop3A_844 : i32
          %parallel_loop3A_846 = arith.index_cast %rem3A_199 : i32 to index
          %parallel_loop3A_847 = arith.index_cast %parallel_loop3A_845 : i32 to index
          %parallel_loop3A_848 = arith.index_cast %parallel_loop3A_777 : i32 to index
          %parallel_loop3A_849 = tpu.vector_load %arg15[%parallel_loop3A_846, %parallel_loop3A_847, %parallel_loop3A_848] {strides = array<i32>} : memref<6x16x768xf32, #tpu.memory_space<vmem>>, vector<16xf32>,
          %parallel_loop3A_850 = arith.constant 3 : i32
          %parallel_loop3A_851 = arith.addi %mul3A_261, %parallel_loop3A_850 : i32
          %parallel_loop3A_852 = arith.index_cast %reduce_max3A_316 : i32 to index
          %parallel_loop3A_853 = arith.index_cast %parallel_loop3A_851 : i32 to index
          %parallel_loop3A_854 = arith.index_cast %parallel_loop3A_777 : i32 to index
          %parallel_loop3A_855 = tpu.vector_load %arg12[%parallel_loop3A_852, %parallel_loop3A_853, %parallel_loop3A_854] {strides = array<i32>} : memref<2x16x768xf32, #tpu.memory_space<vmem>>, vector<16xf32>,
          %parallel_loop3A_856 = arith.addf %parallel_loop3A_849, %parallel_loop3A_855 : vector<16xf32>
          %parallel_loop3A_857 = arith.constant 3 : i32
          %parallel_loop3A_858 = arith.addi %mul3A_261, %parallel_loop3A_857 : i32
          %parallel_loop3A_859 = arith.index_cast %rem3A_199 : i32 to index
          %parallel_loop3A_860 = arith.index_cast %parallel_loop3A_858 : i32 to index
          %parallel_loop3A_861 = arith.index_cast %parallel_loop3A_777 : i32 to index
          %parallel_loop3A_862 = tpu.vector_load %arg15[%parallel_loop3A_859, %parallel_loop3A_860, %parallel_loop3A_861] {strides = array<i32>} : memref<6x16x768xf32, #tpu.memory_space<vmem>>, vector<16xf32>,
          tpu.vector_store %arg15[%parallel_loop3A_859, %parallel_loop3A_860, %parallel_loop3A_861], %parallel_loop3A_856 {strides = array<i32>} : memref<6x16x768xf32, #tpu.memory_space<vmem>>, vector<16xf32>,
          %parallel_loop3A_863 = arith.addf %parallel_loop3A_763, %parallel_loop3A_856 : vector<16xf32>
          %parallel_loop3A_864 = arith.mulf %parallel_loop3A_856, %parallel_loop3A_856 : vector<16xf32>
          %parallel_loop3A_865 = arith.addf %parallel_loop3A_771, %parallel_loop3A_864 : vector<16xf32>
          %parallel_loop3A_866 = arith.constant 4 : i32
          %parallel_loop3A_867 = arith.addi %mul3A_261, %parallel_loop3A_866 : i32
          %parallel_loop3A_868 = arith.index_cast %rem3A_199 : i32 to index
          %parallel_loop3A_869 = arith.index_cast %parallel_loop3A_867 : i32 to index
          %parallel_loop3A_870 = arith.index_cast %parallel_loop3A_777 : i32 to index
          %parallel_loop3A_871 = tpu.vector_load %arg15[%parallel_loop3A_868, %parallel_loop3A_869, %parallel_loop3A_870] {strides = array<i32>} : memref<6x16x768xf32, #tpu.memory_space<vmem>>, vector<16xf32>,
          %parallel_loop3A_872 = arith.constant 4 : i32
          %parallel_loop3A_873 = arith.addi %mul3A_261, %parallel_loop3A_872 : i32
          %parallel_loop3A_874 = arith.index_cast %reduce_max3A_331 : i32 to index
          %parallel_loop3A_875 = arith.index_cast %parallel_loop3A_873 : i32 to index
          %parallel_loop3A_876 = arith.index_cast %parallel_loop3A_777 : i32 to index
          %parallel_loop3A_877 = tpu.vector_load %arg12[%parallel_loop3A_874, %parallel_loop3A_875, %parallel_loop3A_876] {strides = array<i32>} : memref<2x16x768xf32, #tpu.memory_space<vmem>>, vector<16xf32>,
          %parallel_loop3A_878 = arith.addf %parallel_loop3A_871, %parallel_loop3A_877 : vector<16xf32>
          %parallel_loop3A_879 = arith.constant 4 : i32
          %parallel_loop3A_880 = arith.addi %mul3A_261, %parallel_loop3A_879 : i32
          %parallel_loop3A_881 = arith.index_cast %rem3A_199 : i32 to index
          %parallel_loop3A_882 = arith.index_cast %parallel_loop3A_880 : i32 to index
          %parallel_loop3A_883 = arith.index_cast %parallel_loop3A_777 : i32 to index
          %parallel_loop3A_884 = tpu.vector_load %arg15[%parallel_loop3A_881, %parallel_loop3A_882, %parallel_loop3A_883] {strides = array<i32>} : memref<6x16x768xf32, #tpu.memory_space<vmem>>, vector<16xf32>,
          tpu.vector_store %arg15[%parallel_loop3A_881, %parallel_loop3A_882, %parallel_loop3A_883], %parallel_loop3A_878 {strides = array<i32>} : memref<6x16x768xf32, #tpu.memory_space<vmem>>, vector<16xf32>,
          %parallel_loop3A_885 = arith.addf %parallel_loop3A_764, %parallel_loop3A_878 : vector<16xf32>
          %parallel_loop3A_886 = arith.mulf %parallel_loop3A_878, %parallel_loop3A_878 : vector<16xf32>
          %parallel_loop3A_887 = arith.addf %parallel_loop3A_772, %parallel_loop3A_886 : vector<16xf32>
          %parallel_loop3A_888 = arith.constant 5 : i32
          %parallel_loop3A_889 = arith.addi %mul3A_261, %parallel_loop3A_888 : i32
          %parallel_loop3A_890 = arith.index_cast %rem3A_199 : i32 to index
          %parallel_loop3A_891 = arith.index_cast %parallel_loop3A_889 : i32 to index
          %parallel_loop3A_892 = arith.index_cast %parallel_loop3A_777 : i32 to index
          %parallel_loop3A_893 = tpu.vector_load %arg15[%parallel_loop3A_890, %parallel_loop3A_891, %parallel_loop3A_892] {strides = array<i32>} : memref<6x16x768xf32, #tpu.memory_space<vmem>>, vector<16xf32>,
          %parallel_loop3A_894 = arith.constant 5 : i32
          %parallel_loop3A_895 = arith.addi %mul3A_261, %parallel_loop3A_894 : i32
          %parallel_loop3A_896 = arith.index_cast %reduce_max3A_346 : i32 to index
          %parallel_loop3A_897 = arith.index_cast %parallel_loop3A_895 : i32 to index
          %parallel_loop3A_898 = arith.index_cast %parallel_loop3A_777 : i32 to index
          %parallel_loop3A_899 = tpu.vector_load %arg12[%parallel_loop3A_896, %parallel_loop3A_897, %parallel_loop3A_898] {strides = array<i32>} : memref<2x16x768xf32, #tpu.memory_space<vmem>>, vector<16xf32>,
          %parallel_loop3A_900 = arith.addf %parallel_loop3A_893, %parallel_loop3A_899 : vector<16xf32>
          %parallel_loop3A_901 = arith.constant 5 : i32
          %parallel_loop3A_902 = arith.addi %mul3A_261, %parallel_loop3A_901 : i32
          %parallel_loop3A_903 = arith.index_cast %rem3A_199 : i32 to index
          %parallel_loop3A_904 = arith.index_cast %parallel_loop3A_902 : i32 to index
          %parallel_loop3A_905 = arith.index_cast %parallel_loop3A_777 : i32 to index
          %parallel_loop3A_906 = tpu.vector_load %arg15[%parallel_loop3A_903, %parallel_loop3A_904, %parallel_loop3A_905] {strides = array<i32>} : memref<6x16x768xf32, #tpu.memory_space<vmem>>, vector<16xf32>,
          tpu.vector_store %arg15[%parallel_loop3A_903, %parallel_loop3A_904, %parallel_loop3A_905], %parallel_loop3A_900 {strides = array<i32>} : memref<6x16x768xf32, #tpu.memory_space<vmem>>, vector<16xf32>,
          %parallel_loop3A_907 = arith.addf %parallel_loop3A_765, %parallel_loop3A_900 : vector<16xf32>
          %parallel_loop3A_908 = arith.mulf %parallel_loop3A_900, %parallel_loop3A_900 : vector<16xf32>
          %parallel_loop3A_909 = arith.addf %parallel_loop3A_773, %parallel_loop3A_908 : vector<16xf32>
          %parallel_loop3A_910 = arith.constant 6 : i32
          %parallel_loop3A_911 = arith.addi %mul3A_261, %parallel_loop3A_910 : i32
          %parallel_loop3A_912 = arith.index_cast %rem3A_199 : i32 to index
          %parallel_loop3A_913 = arith.index_cast %parallel_loop3A_911 : i32 to index
          %parallel_loop3A_914 = arith.index_cast %parallel_loop3A_777 : i32 to index
          %parallel_loop3A_915 = tpu.vector_load %arg15[%parallel_loop3A_912, %parallel_loop3A_913, %parallel_loop3A_914] {strides = array<i32>} : memref<6x16x768xf32, #tpu.memory_space<vmem>>, vector<16xf32>,
          %parallel_loop3A_916 = arith.constant 6 : i32
          %parallel_loop3A_917 = arith.addi %mul3A_261, %parallel_loop3A_916 : i32
          %parallel_loop3A_918 = arith.index_cast %reduce_max3A_361 : i32 to index
          %parallel_loop3A_919 = arith.index_cast %parallel_loop3A_917 : i32 to index
          %parallel_loop3A_920 = arith.index_cast %parallel_loop3A_777 : i32 to index
          %parallel_loop3A_921 = tpu.vector_load %arg12[%parallel_loop3A_918, %parallel_loop3A_919, %parallel_loop3A_920] {strides = array<i32>} : memref<2x16x768xf32, #tpu.memory_space<vmem>>, vector<16xf32>,
          %parallel_loop3A_922 = arith.addf %parallel_loop3A_915, %parallel_loop3A_921 : vector<16xf32>
          %parallel_loop3A_923 = arith.constant 6 : i32
          %parallel_loop3A_924 = arith.addi %mul3A_261, %parallel_loop3A_923 : i32
          %parallel_loop3A_925 = arith.index_cast %rem3A_199 : i32 to index
          %parallel_loop3A_926 = arith.index_cast %parallel_loop3A_924 : i32 to index
          %parallel_loop3A_927 = arith.index_cast %parallel_loop3A_777 : i32 to index
          %parallel_loop3A_928 = tpu.vector_load %arg15[%parallel_loop3A_925, %parallel_loop3A_926, %parallel_loop3A_927] {strides = array<i32>} : memref<6x16x768xf32, #tpu.memory_space<vmem>>, vector<16xf32>,
          tpu.vector_store %arg15[%parallel_loop3A_925, %parallel_loop3A_926, %parallel_loop3A_927], %parallel_loop3A_922 {strides = array<i32>} : memref<6x16x768xf32, #tpu.memory_space<vmem>>, vector<16xf32>,
          %parallel_loop3A_929 = arith.addf %parallel_loop3A_766, %parallel_loop3A_922 : vector<16xf32>
          %parallel_loop3A_930 = arith.mulf %parallel_loop3A_922, %parallel_loop3A_922 : vector<16xf32>
          %parallel_loop3A_931 = arith.addf %parallel_loop3A_774, %parallel_loop3A_930 : vector<16xf32>
          %parallel_loop3A_932 = arith.constant 7 : i32
          %parallel_loop3A_933 = arith.addi %mul3A_261, %parallel_loop3A_932 : i32
          %parallel_loop3A_934 = arith.index_cast %rem3A_199 : i32 to index
          %parallel_loop3A_935 = arith.index_cast %parallel_loop3A_933 : i32 to index
          %parallel_loop3A_936 = arith.index_cast %parallel_loop3A_777 : i32 to index
          %parallel_loop3A_937 = tpu.vector_load %arg15[%parallel_loop3A_934, %parallel_loop3A_935, %parallel_loop3A_936] {strides = array<i32>} : memref<6x16x768xf32, #tpu.memory_space<vmem>>, vector<16xf32>,
          %parallel_loop3A_938 = arith.constant 7 : i32
          %parallel_loop3A_939 = arith.addi %mul3A_261, %parallel_loop3A_938 : i32
          %parallel_loop3A_940 = arith.index_cast %reduce_max3A_376 : i32 to index
          %parallel_loop3A_941 = arith.index_cast %parallel_loop3A_939 : i32 to index
          %parallel_loop3A_942 = arith.index_cast %parallel_loop3A_777 : i32 to index
          %parallel_loop3A_943 = tpu.vector_load %arg12[%parallel_loop3A_940, %parallel_loop3A_941, %parallel_loop3A_942] {strides = array<i32>} : memref<2x16x768xf32, #tpu.memory_space<vmem>>, vector<16xf32>,
          %parallel_loop3A_944 = arith.addf %parallel_loop3A_937, %parallel_loop3A_943 : vector<16xf32>
          %parallel_loop3A_945 = arith.constant 7 : i32
          %parallel_loop3A_946 = arith.addi %mul3A_261, %parallel_loop3A_945 : i32
          %parallel_loop3A_947 = arith.index_cast %rem3A_199 : i32 to index
          %parallel_loop3A_948 = arith.index_cast %parallel_loop3A_946 : i32 to index
          %parallel_loop3A_949 = arith.index_cast %parallel_loop3A_777 : i32 to index
          %parallel_loop3A_950 = tpu.vector_load %arg15[%parallel_loop3A_947, %parallel_loop3A_948, %parallel_loop3A_949] {strides = array<i32>} : memref<6x16x768xf32, #tpu.memory_space<vmem>>, vector<16xf32>,
          tpu.vector_store %arg15[%parallel_loop3A_947, %parallel_loop3A_948, %parallel_loop3A_949], %parallel_loop3A_944 {strides = array<i32>} : memref<6x16x768xf32, #tpu.memory_space<vmem>>, vector<16xf32>,
          %parallel_loop3A_951 = arith.addf %parallel_loop3A_767, %parallel_loop3A_944 : vector<16xf32>
          %parallel_loop3A_952 = arith.mulf %parallel_loop3A_944, %parallel_loop3A_944 : vector<16xf32>
          %parallel_loop3A_953 = arith.addf %parallel_loop3A_775, %parallel_loop3A_952 : vector<16xf32>
          scf.yield %parallel_loop3A_797, %parallel_loop3A_819, %parallel_loop3A_841, %parallel_loop3A_863, %parallel_loop3A_885, %parallel_loop3A_907, %parallel_loop3A_929, %parallel_loop3A_951, %parallel_loop3A_799, %parallel_loop3A_821, %parallel_loop3A_843, %parallel_loop3A_865, %parallel_loop3A_887, %parallel_loop3A_909, %parallel_loop3A_931, %parallel_loop3A_953 : vector<16xf32>, vector<16xf32>, vector<16xf32>, vector<16xf32>, vector<16xf32>, vector<16xf32>, vector<16xf32>, vector<16xf32>, vector<16xf32>, vector<16xf32>, vector<16xf32>, vector<16xf32>, vector<16xf32>, vector<16xf32>, vector<16xf32>, vector<16xf32>
        } {sc.loop_unroll_factor = 1 : i64, sc.parallel_access}
        %reduce_sum3A = arith.constant true
        %reduce_sum3A_383 = vector.broadcast %reduce_sum3A : i1 to vector<16xi1>
        %reduce_sum3A_384 = tpu.scan <sum>, %parallel_loop3A_382#0 masked %reduce_sum3A_383 : vector<16xf32>, vector<16xi1> -> vector<16xf32>
        %reduce_sum3A_385 = vector.extract %reduce_sum3A_384[15] : f32 from vector<16xf32>
        %reduce_sum3A_386 = arith.constant true
        %reduce_sum3A_387 = vector.broadcast %reduce_sum3A_386 : i1 to vector<16xi1>
        %reduce_sum3A_388 = tpu.scan <sum>, %parallel_loop3A_382#8 masked %reduce_sum3A_387 : vector<16xf32>, vector<16xi1> -> vector<16xf32>
        %reduce_sum3A_389 = vector.extract %reduce_sum3A_388[15] : f32 from vector<16xf32>
        %mul3A_390 = arith.constant 0.00130208337 : f32
        %mul3A_391 = arith.mulf %reduce_sum3A_385, %mul3A_390 : f32
        %mul3A_392 = arith.constant 0.00130208337 : f32
        %mul3A_393 = arith.mulf %reduce_sum3A_389, %mul3A_392 : f32
        %mul3A_394 = arith.mulf %mul3A_391, %mul3A_391 : f32
        %sub3A = arith.subf %mul3A_393, %mul3A_394 : f32
        %add3A_395 = arith.constant 9.99999996E-13 : f32
        %add3A_396 = arith.addf %sub3A, %add3A_395 : f32
        %broadcast_in_dim3A_397 = vector.broadcast %add3A_396 : f32 to vector<16xf32>
        %bitcast_convert_type3A = tpu.bitcast %broadcast_in_dim3A_397 : vector<16xf32> -> vector<16xi32>
        %broadcast_in_dim3A_398 = arith.constant 1597463007 : i32
        %broadcast_in_dim3A_399 = vector.broadcast %broadcast_in_dim3A_398 : i32 to vector<16xi32>
        %broadcast_in_dim3A_400 = arith.constant 1 : i32
        %broadcast_in_dim3A_401 = vector.broadcast %broadcast_in_dim3A_400 : i32 to vector<16xi32>
        %shift_right_logical3A = arith.shrui %bitcast_convert_type3A, %broadcast_in_dim3A_401 : vector<16xi32>
        %sub3A_402 = arith.subi %broadcast_in_dim3A_399, %shift_right_logical3A : vector<16xi32>
        %bitcast_convert_type3A_403 = tpu.bitcast %sub3A_402 : vector<16xi32> -> vector<16xf32>
        %mul3A_404 = arith.constant 5.000000e-01 : f32
        %mul3A_405 = vector.broadcast %mul3A_404 : f32 to vector<16xf32>
        %mul3A_406 = arith.mulf %broadcast_in_dim3A_397, %mul3A_405 : vector<16xf32>
        %mul3A_407 = arith.mulf %mul3A_406, %bitcast_convert_type3A_403 : vector<16xf32>
        %mul3A_408 = arith.mulf %mul3A_407, %bitcast_convert_type3A_403 : vector<16xf32>
        %sub3A_409 = arith.constant 1.500000e+00 : f32
        %sub3A_410 = vector.broadcast %sub3A_409 : f32 to vector<16xf32>
        %sub3A_411 = arith.subf %sub3A_410, %mul3A_408 : vector<16xf32>
        %mul3A_412 = arith.mulf %bitcast_convert_type3A_403, %sub3A_411 : vector<16xf32>
        %mul3A_413 = arith.mulf %mul3A_406, %mul3A_412 : vector<16xf32>
        %mul3A_414 = arith.mulf %mul3A_413, %mul3A_412 : vector<16xf32>
        %sub3A_415 = arith.constant 1.500000e+00 : f32
        %sub3A_416 = vector.broadcast %sub3A_415 : f32 to vector<16xf32>
        %sub3A_417 = arith.subf %sub3A_416, %mul3A_414 : vector<16xf32>
        %mul3A_418 = arith.mulf %mul3A_412, %sub3A_417 : vector<16xf32>
        %mul3A_419 = arith.mulf %mul3A_406, %mul3A_418 : vector<16xf32>
        %mul3A_420 = arith.mulf %mul3A_419, %mul3A_418 : vector<16xf32>
        %sub3A_421 = arith.constant 1.500000e+00 : f32
        %sub3A_422 = vector.broadcast %sub3A_421 : f32 to vector<16xf32>
        %sub3A_423 = arith.subf %sub3A_422, %mul3A_420 : vector<16xf32>
        %mul3A_424 = arith.mulf %mul3A_418, %sub3A_423 : vector<16xf32>
        %broadcast_in_dim3A_425 = vector.broadcast %mul3A_391 : f32 to vector<16xf32>
        %reduce_sum3A_426 = arith.constant true
        %reduce_sum3A_427 = vector.broadcast %reduce_sum3A_426 : i1 to vector<16xi1>
        %reduce_sum3A_428 = tpu.scan <sum>, %parallel_loop3A_382#1 masked %reduce_sum3A_427 : vector<16xf32>, vector<16xi1> -> vector<16xf32>
        %reduce_sum3A_429 = vector.extract %reduce_sum3A_428[15] : f32 from vector<16xf32>
        %reduce_sum3A_430 = arith.constant true
        %reduce_sum3A_431 = vector.broadcast %reduce_sum3A_430 : i1 to vector<16xi1>
        %reduce_sum3A_432 = tpu.scan <sum>, %parallel_loop3A_382#9 masked %reduce_sum3A_431 : vector<16xf32>, vector<16xi1> -> vector<16xf32>
        %reduce_sum3A_433 = vector.extract %reduce_sum3A_432[15] : f32 from vector<16xf32>
        %mul3A_434 = arith.constant 0.00130208337 : f32
        %mul3A_435 = arith.mulf %reduce_sum3A_429, %mul3A_434 : f32
        %mul3A_436 = arith.constant 0.00130208337 : f32
        %mul3A_437 = arith.mulf %reduce_sum3A_433, %mul3A_436 : f32
        %mul3A_438 = arith.mulf %mul3A_435, %mul3A_435 : f32
        %sub3A_439 = arith.subf %mul3A_437, %mul3A_438 : f32
        %add3A_440 = arith.constant 9.99999996E-13 : f32
        %add3A_441 = arith.addf %sub3A_439, %add3A_440 : f32
        %broadcast_in_dim3A_442 = vector.broadcast %add3A_441 : f32 to vector<16xf32>
        %bitcast_convert_type3A_443 = tpu.bitcast %broadcast_in_dim3A_442 : vector<16xf32> -> vector<16xi32>
        %broadcast_in_dim3A_444 = arith.constant 1597463007 : i32
        %broadcast_in_dim3A_445 = vector.broadcast %broadcast_in_dim3A_444 : i32 to vector<16xi32>
        %broadcast_in_dim3A_446 = arith.constant 1 : i32
        %broadcast_in_dim3A_447 = vector.broadcast %broadcast_in_dim3A_446 : i32 to vector<16xi32>
        %shift_right_logical3A_448 = arith.shrui %bitcast_convert_type3A_443, %broadcast_in_dim3A_447 : vector<16xi32>
        %sub3A_449 = arith.subi %broadcast_in_dim3A_445, %shift_right_logical3A_448 : vector<16xi32>
        %bitcast_convert_type3A_450 = tpu.bitcast %sub3A_449 : vector<16xi32> -> vector<16xf32>
        %mul3A_451 = arith.constant 5.000000e-01 : f32
        %mul3A_452 = vector.broadcast %mul3A_451 : f32 to vector<16xf32>
        %mul3A_453 = arith.mulf %broadcast_in_dim3A_442, %mul3A_452 : vector<16xf32>
        %mul3A_454 = arith.mulf %mul3A_453, %bitcast_convert_type3A_450 : vector<16xf32>
        %mul3A_455 = arith.mulf %mul3A_454, %bitcast_convert_type3A_450 : vector<16xf32>
        %sub3A_456 = arith.constant 1.500000e+00 : f32
        %sub3A_457 = vector.broadcast %sub3A_456 : f32 to vector<16xf32>
        %sub3A_458 = arith.subf %sub3A_457, %mul3A_455 : vector<16xf32>
        %mul3A_459 = arith.mulf %bitcast_convert_type3A_450, %sub3A_458 : vector<16xf32>
        %mul3A_460 = arith.mulf %mul3A_453, %mul3A_459 : vector<16xf32>
        %mul3A_461 = arith.mulf %mul3A_460, %mul3A_459 : vector<16xf32>
        %sub3A_462 = arith.constant 1.500000e+00 : f32
        %sub3A_463 = vector.broadcast %sub3A_462 : f32 to vector<16xf32>
        %sub3A_464 = arith.subf %sub3A_463, %mul3A_461 : vector<16xf32>
        %mul3A_465 = arith.mulf %mul3A_459, %sub3A_464 : vector<16xf32>
        %mul3A_466 = arith.mulf %mul3A_453, %mul3A_465 : vector<16xf32>
        %mul3A_467 = arith.mulf %mul3A_466, %mul3A_465 : vector<16xf32>
        %sub3A_468 = arith.constant 1.500000e+00 : f32
        %sub3A_469 = vector.broadcast %sub3A_468 : f32 to vector<16xf32>
        %sub3A_470 = arith.subf %sub3A_469, %mul3A_467 : vector<16xf32>
        %mul3A_471 = arith.mulf %mul3A_465, %sub3A_470 : vector<16xf32>
        %broadcast_in_dim3A_472 = vector.broadcast %mul3A_435 : f32 to vector<16xf32>
        %reduce_sum3A_473 = arith.constant true
        %reduce_sum3A_474 = vector.broadcast %reduce_sum3A_473 : i1 to vector<16xi1>
        %reduce_sum3A_475 = tpu.scan <sum>, %parallel_loop3A_382#2 masked %reduce_sum3A_474 : vector<16xf32>, vector<16xi1> -> vector<16xf32>
        %reduce_sum3A_476 = vector.extract %reduce_sum3A_475[15] : f32 from vector<16xf32>
        %reduce_sum3A_477 = arith.constant true
        %reduce_sum3A_478 = vector.broadcast %reduce_sum3A_477 : i1 to vector<16xi1>
        %reduce_sum3A_479 = tpu.scan <sum>, %parallel_loop3A_382#10 masked %reduce_sum3A_478 : vector<16xf32>, vector<16xi1> -> vector<16xf32>
        %reduce_sum3A_480 = vector.extract %reduce_sum3A_479[15] : f32 from vector<16xf32>
        %mul3A_481 = arith.constant 0.00130208337 : f32
        %mul3A_482 = arith.mulf %reduce_sum3A_476, %mul3A_481 : f32
        %mul3A_483 = arith.constant 0.00130208337 : f32
        %mul3A_484 = arith.mulf %reduce_sum3A_480, %mul3A_483 : f32
        %mul3A_485 = arith.mulf %mul3A_482, %mul3A_482 : f32
        %sub3A_486 = arith.subf %mul3A_484, %mul3A_485 : f32
        %add3A_487 = arith.constant 9.99999996E-13 : f32
        %add3A_488 = arith.addf %sub3A_486, %add3A_487 : f32
        %broadcast_in_dim3A_489 = vector.broadcast %add3A_488 : f32 to vector<16xf32>
        %bitcast_convert_type3A_490 = tpu.bitcast %broadcast_in_dim3A_489 : vector<16xf32> -> vector<16xi32>
        %broadcast_in_dim3A_491 = arith.constant 1597463007 : i32
        %broadcast_in_dim3A_492 = vector.broadcast %broadcast_in_dim3A_491 : i32 to vector<16xi32>
        %broadcast_in_dim3A_493 = arith.constant 1 : i32
        %broadcast_in_dim3A_494 = vector.broadcast %broadcast_in_dim3A_493 : i32 to vector<16xi32>
        %shift_right_logical3A_495 = arith.shrui %bitcast_convert_type3A_490, %broadcast_in_dim3A_494 : vector<16xi32>
        %sub3A_496 = arith.subi %broadcast_in_dim3A_492, %shift_right_logical3A_495 : vector<16xi32>
        %bitcast_convert_type3A_497 = tpu.bitcast %sub3A_496 : vector<16xi32> -> vector<16xf32>
        %mul3A_498 = arith.constant 5.000000e-01 : f32
        %mul3A_499 = vector.broadcast %mul3A_498 : f32 to vector<16xf32>
        %mul3A_500 = arith.mulf %broadcast_in_dim3A_489, %mul3A_499 : vector<16xf32>
        %mul3A_501 = arith.mulf %mul3A_500, %bitcast_convert_type3A_497 : vector<16xf32>
        %mul3A_502 = arith.mulf %mul3A_501, %bitcast_convert_type3A_497 : vector<16xf32>
        %sub3A_503 = arith.constant 1.500000e+00 : f32
        %sub3A_504 = vector.broadcast %sub3A_503 : f32 to vector<16xf32>
        %sub3A_505 = arith.subf %sub3A_504, %mul3A_502 : vector<16xf32>
        %mul3A_506 = arith.mulf %bitcast_convert_type3A_497, %sub3A_505 : vector<16xf32>
        %mul3A_507 = arith.mulf %mul3A_500, %mul3A_506 : vector<16xf32>
        %mul3A_508 = arith.mulf %mul3A_507, %mul3A_506 : vector<16xf32>
        %sub3A_509 = arith.constant 1.500000e+00 : f32
        %sub3A_510 = vector.broadcast %sub3A_509 : f32 to vector<16xf32>
        %sub3A_511 = arith.subf %sub3A_510, %mul3A_508 : vector<16xf32>
        %mul3A_512 = arith.mulf %mul3A_506, %sub3A_511 : vector<16xf32>
        %mul3A_513 = arith.mulf %mul3A_500, %mul3A_512 : vector<16xf32>
        %mul3A_514 = arith.mulf %mul3A_513, %mul3A_512 : vector<16xf32>
        %sub3A_515 = arith.constant 1.500000e+00 : f32
        %sub3A_516 = vector.broadcast %sub3A_515 : f32 to vector<16xf32>
        %sub3A_517 = arith.subf %sub3A_516, %mul3A_514 : vector<16xf32>
        %mul3A_518 = arith.mulf %mul3A_512, %sub3A_517 : vector<16xf32>
        %broadcast_in_dim3A_519 = vector.broadcast %mul3A_482 : f32 to vector<16xf32>
        %reduce_sum3A_520 = arith.constant true
        %reduce_sum3A_521 = vector.broadcast %reduce_sum3A_520 : i1 to vector<16xi1>
        %reduce_sum3A_522 = tpu.scan <sum>, %parallel_loop3A_382#3 masked %reduce_sum3A_521 : vector<16xf32>, vector<16xi1> -> vector<16xf32>
        %reduce_sum3A_523 = vector.extract %reduce_sum3A_522[15] : f32 from vector<16xf32>
        %reduce_sum3A_524 = arith.constant true
        %reduce_sum3A_525 = vector.broadcast %reduce_sum3A_524 : i1 to vector<16xi1>
        %reduce_sum3A_526 = tpu.scan <sum>, %parallel_loop3A_382#11 masked %reduce_sum3A_525 : vector<16xf32>, vector<16xi1> -> vector<16xf32>
        %reduce_sum3A_527 = vector.extract %reduce_sum3A_526[15] : f32 from vector<16xf32>
        %mul3A_528 = arith.constant 0.00130208337 : f32
        %mul3A_529 = arith.mulf %reduce_sum3A_523, %mul3A_528 : f32
        %mul3A_530 = arith.constant 0.00130208337 : f32
        %mul3A_531 = arith.mulf %reduce_sum3A_527, %mul3A_530 : f32
        %mul3A_532 = arith.mulf %mul3A_529, %mul3A_529 : f32
        %sub3A_533 = arith.subf %mul3A_531, %mul3A_532 : f32
        %add3A_534 = arith.constant 9.99999996E-13 : f32
        %add3A_535 = arith.addf %sub3A_533, %add3A_534 : f32
        %broadcast_in_dim3A_536 = vector.broadcast %add3A_535 : f32 to vector<16xf32>
        %bitcast_convert_type3A_537 = tpu.bitcast %broadcast_in_dim3A_536 : vector<16xf32> -> vector<16xi32>
        %broadcast_in_dim3A_538 = arith.constant 1597463007 : i32
        %broadcast_in_dim3A_539 = vector.broadcast %broadcast_in_dim3A_538 : i32 to vector<16xi32>
        %broadcast_in_dim3A_540 = arith.constant 1 : i32
        %broadcast_in_dim3A_541 = vector.broadcast %broadcast_in_dim3A_540 : i32 to vector<16xi32>
        %shift_right_logical3A_542 = arith.shrui %bitcast_convert_type3A_537, %broadcast_in_dim3A_541 : vector<16xi32>
        %sub3A_543 = arith.subi %broadcast_in_dim3A_539, %shift_right_logical3A_542 : vector<16xi32>
        %bitcast_convert_type3A_544 = tpu.bitcast %sub3A_543 : vector<16xi32> -> vector<16xf32>
        %mul3A_545 = arith.constant 5.000000e-01 : f32
        %mul3A_546 = vector.broadcast %mul3A_545 : f32 to vector<16xf32>
        %mul3A_547 = arith.mulf %broadcast_in_dim3A_536, %mul3A_546 : vector<16xf32>
        %mul3A_548 = arith.mulf %mul3A_547, %bitcast_convert_type3A_544 : vector<16xf32>
        %mul3A_549 = arith.mulf %mul3A_548, %bitcast_convert_type3A_544 : vector<16xf32>
        %sub3A_550 = arith.constant 1.500000e+00 : f32
        %sub3A_551 = vector.broadcast %sub3A_550 : f32 to vector<16xf32>
        %sub3A_552 = arith.subf %sub3A_551, %mul3A_549 : vector<16xf32>
        %mul3A_553 = arith.mulf %bitcast_convert_type3A_544, %sub3A_552 : vector<16xf32>
        %mul3A_554 = arith.mulf %mul3A_547, %mul3A_553 : vector<16xf32>
        %mul3A_555 = arith.mulf %mul3A_554, %mul3A_553 : vector<16xf32>
        %sub3A_556 = arith.constant 1.500000e+00 : f32
        %sub3A_557 = vector.broadcast %sub3A_556 : f32 to vector<16xf32>
        %sub3A_558 = arith.subf %sub3A_557, %mul3A_555 : vector<16xf32>
        %mul3A_559 = arith.mulf %mul3A_553, %sub3A_558 : vector<16xf32>
        %mul3A_560 = arith.mulf %mul3A_547, %mul3A_559 : vector<16xf32>
        %mul3A_561 = arith.mulf %mul3A_560, %mul3A_559 : vector<16xf32>
        %sub3A_562 = arith.constant 1.500000e+00 : f32
        %sub3A_563 = vector.broadcast %sub3A_562 : f32 to vector<16xf32>
        %sub3A_564 = arith.subf %sub3A_563, %mul3A_561 : vector<16xf32>
        %mul3A_565 = arith.mulf %mul3A_559, %sub3A_564 : vector<16xf32>
        %broadcast_in_dim3A_566 = vector.broadcast %mul3A_529 : f32 to vector<16xf32>
        %reduce_sum3A_567 = arith.constant true
        %reduce_sum3A_568 = vector.broadcast %reduce_sum3A_567 : i1 to vector<16xi1>
        %reduce_sum3A_569 = tpu.scan <sum>, %parallel_loop3A_382#4 masked %reduce_sum3A_568 : vector<16xf32>, vector<16xi1> -> vector<16xf32>
        %reduce_sum3A_570 = vector.extract %reduce_sum3A_569[15] : f32 from vector<16xf32>
        %reduce_sum3A_571 = arith.constant true
        %reduce_sum3A_572 = vector.broadcast %reduce_sum3A_571 : i1 to vector<16xi1>
        %reduce_sum3A_573 = tpu.scan <sum>, %parallel_loop3A_382#12 masked %reduce_sum3A_572 : vector<16xf32>, vector<16xi1> -> vector<16xf32>
        %reduce_sum3A_574 = vector.extract %reduce_sum3A_573[15] : f32 from vector<16xf32>
        %mul3A_575 = arith.constant 0.00130208337 : f32
        %mul3A_576 = arith.mulf %reduce_sum3A_570, %mul3A_575 : f32
        %mul3A_577 = arith.constant 0.00130208337 : f32
        %mul3A_578 = arith.mulf %reduce_sum3A_574, %mul3A_577 : f32
        %mul3A_579 = arith.mulf %mul3A_576, %mul3A_576 : f32
        %sub3A_580 = arith.subf %mul3A_578, %mul3A_579 : f32
        %add3A_581 = arith.constant 9.99999996E-13 : f32
        %add3A_582 = arith.addf %sub3A_580, %add3A_581 : f32
        %broadcast_in_dim3A_583 = vector.broadcast %add3A_582 : f32 to vector<16xf32>
        %bitcast_convert_type3A_584 = tpu.bitcast %broadcast_in_dim3A_583 : vector<16xf32> -> vector<16xi32>
        %broadcast_in_dim3A_585 = arith.constant 1597463007 : i32
        %broadcast_in_dim3A_586 = vector.broadcast %broadcast_in_dim3A_585 : i32 to vector<16xi32>
        %broadcast_in_dim3A_587 = arith.constant 1 : i32
        %broadcast_in_dim3A_588 = vector.broadcast %broadcast_in_dim3A_587 : i32 to vector<16xi32>
        %shift_right_logical3A_589 = arith.shrui %bitcast_convert_type3A_584, %broadcast_in_dim3A_588 : vector<16xi32>
        %sub3A_590 = arith.subi %broadcast_in_dim3A_586, %shift_right_logical3A_589 : vector<16xi32>
        %bitcast_convert_type3A_591 = tpu.bitcast %sub3A_590 : vector<16xi32> -> vector<16xf32>
        %mul3A_592 = arith.constant 5.000000e-01 : f32
        %mul3A_593 = vector.broadcast %mul3A_592 : f32 to vector<16xf32>
        %mul3A_594 = arith.mulf %broadcast_in_dim3A_583, %mul3A_593 : vector<16xf32>
        %mul3A_595 = arith.mulf %mul3A_594, %bitcast_convert_type3A_591 : vector<16xf32>
        %mul3A_596 = arith.mulf %mul3A_595, %bitcast_convert_type3A_591 : vector<16xf32>
        %sub3A_597 = arith.constant 1.500000e+00 : f32
        %sub3A_598 = vector.broadcast %sub3A_597 : f32 to vector<16xf32>
        %sub3A_599 = arith.subf %sub3A_598, %mul3A_596 : vector<16xf32>
        %mul3A_600 = arith.mulf %bitcast_convert_type3A_591, %sub3A_599 : vector<16xf32>
        %mul3A_601 = arith.mulf %mul3A_594, %mul3A_600 : vector<16xf32>
        %mul3A_602 = arith.mulf %mul3A_601, %mul3A_600 : vector<16xf32>
        %sub3A_603 = arith.constant 1.500000e+00 : f32
        %sub3A_604 = vector.broadcast %sub3A_603 : f32 to vector<16xf32>
        %sub3A_605 = arith.subf %sub3A_604, %mul3A_602 : vector<16xf32>
        %mul3A_606 = arith.mulf %mul3A_600, %sub3A_605 : vector<16xf32>
        %mul3A_607 = arith.mulf %mul3A_594, %mul3A_606 : vector<16xf32>
        %mul3A_608 = arith.mulf %mul3A_607, %mul3A_606 : vector<16xf32>
        %sub3A_609 = arith.constant 1.500000e+00 : f32
        %sub3A_610 = vector.broadcast %sub3A_609 : f32 to vector<16xf32>
        %sub3A_611 = arith.subf %sub3A_610, %mul3A_608 : vector<16xf32>
        %mul3A_612 = arith.mulf %mul3A_606, %sub3A_611 : vector<16xf32>
        %broadcast_in_dim3A_613 = vector.broadcast %mul3A_576 : f32 to vector<16xf32>
        %reduce_sum3A_614 = arith.constant true
        %reduce_sum3A_615 = vector.broadcast %reduce_sum3A_614 : i1 to vector<16xi1>
        %reduce_sum3A_616 = tpu.scan <sum>, %parallel_loop3A_382#5 masked %reduce_sum3A_615 : vector<16xf32>, vector<16xi1> -> vector<16xf32>
        %reduce_sum3A_617 = vector.extract %reduce_sum3A_616[15] : f32 from vector<16xf32>
        %reduce_sum3A_618 = arith.constant true
        %reduce_sum3A_619 = vector.broadcast %reduce_sum3A_618 : i1 to vector<16xi1>
        %reduce_sum3A_620 = tpu.scan <sum>, %parallel_loop3A_382#13 masked %reduce_sum3A_619 : vector<16xf32>, vector<16xi1> -> vector<16xf32>
        %reduce_sum3A_621 = vector.extract %reduce_sum3A_620[15] : f32 from vector<16xf32>
        %mul3A_622 = arith.constant 0.00130208337 : f32
        %mul3A_623 = arith.mulf %reduce_sum3A_617, %mul3A_622 : f32
        %mul3A_624 = arith.constant 0.00130208337 : f32
        %mul3A_625 = arith.mulf %reduce_sum3A_621, %mul3A_624 : f32
        %mul3A_626 = arith.mulf %mul3A_623, %mul3A_623 : f32
        %sub3A_627 = arith.subf %mul3A_625, %mul3A_626 : f32
        %add3A_628 = arith.constant 9.99999996E-13 : f32
        %add3A_629 = arith.addf %sub3A_627, %add3A_628 : f32
        %broadcast_in_dim3A_630 = vector.broadcast %add3A_629 : f32 to vector<16xf32>
        %bitcast_convert_type3A_631 = tpu.bitcast %broadcast_in_dim3A_630 : vector<16xf32> -> vector<16xi32>
        %broadcast_in_dim3A_632 = arith.constant 1597463007 : i32
        %broadcast_in_dim3A_633 = vector.broadcast %broadcast_in_dim3A_632 : i32 to vector<16xi32>
        %broadcast_in_dim3A_634 = arith.constant 1 : i32
        %broadcast_in_dim3A_635 = vector.broadcast %broadcast_in_dim3A_634 : i32 to vector<16xi32>
        %shift_right_logical3A_636 = arith.shrui %bitcast_convert_type3A_631, %broadcast_in_dim3A_635 : vector<16xi32>
        %sub3A_637 = arith.subi %broadcast_in_dim3A_633, %shift_right_logical3A_636 : vector<16xi32>
        %bitcast_convert_type3A_638 = tpu.bitcast %sub3A_637 : vector<16xi32> -> vector<16xf32>
        %mul3A_639 = arith.constant 5.000000e-01 : f32
        %mul3A_640 = vector.broadcast %mul3A_639 : f32 to vector<16xf32>
        %mul3A_641 = arith.mulf %broadcast_in_dim3A_630, %mul3A_640 : vector<16xf32>
        %mul3A_642 = arith.mulf %mul3A_641, %bitcast_convert_type3A_638 : vector<16xf32>
        %mul3A_643 = arith.mulf %mul3A_642, %bitcast_convert_type3A_638 : vector<16xf32>
        %sub3A_644 = arith.constant 1.500000e+00 : f32
        %sub3A_645 = vector.broadcast %sub3A_644 : f32 to vector<16xf32>
        %sub3A_646 = arith.subf %sub3A_645, %mul3A_643 : vector<16xf32>
        %mul3A_647 = arith.mulf %bitcast_convert_type3A_638, %sub3A_646 : vector<16xf32>
        %mul3A_648 = arith.mulf %mul3A_641, %mul3A_647 : vector<16xf32>
        %mul3A_649 = arith.mulf %mul3A_648, %mul3A_647 : vector<16xf32>
        %sub3A_650 = arith.constant 1.500000e+00 : f32
        %sub3A_651 = vector.broadcast %sub3A_650 : f32 to vector<16xf32>
        %sub3A_652 = arith.subf %sub3A_651, %mul3A_649 : vector<16xf32>
        %mul3A_653 = arith.mulf %mul3A_647, %sub3A_652 : vector<16xf32>
        %mul3A_654 = arith.mulf %mul3A_641, %mul3A_653 : vector<16xf32>
        %mul3A_655 = arith.mulf %mul3A_654, %mul3A_653 : vector<16xf32>
        %sub3A_656 = arith.constant 1.500000e+00 : f32
        %sub3A_657 = vector.broadcast %sub3A_656 : f32 to vector<16xf32>
        %sub3A_658 = arith.subf %sub3A_657, %mul3A_655 : vector<16xf32>
        %mul3A_659 = arith.mulf %mul3A_653, %sub3A_658 : vector<16xf32>
        %broadcast_in_dim3A_660 = vector.broadcast %mul3A_623 : f32 to vector<16xf32>
        %reduce_sum3A_661 = arith.constant true
        %reduce_sum3A_662 = vector.broadcast %reduce_sum3A_661 : i1 to vector<16xi1>
        %reduce_sum3A_663 = tpu.scan <sum>, %parallel_loop3A_382#6 masked %reduce_sum3A_662 : vector<16xf32>, vector<16xi1> -> vector<16xf32>
        %reduce_sum3A_664 = vector.extract %reduce_sum3A_663[15] : f32 from vector<16xf32>
        %reduce_sum3A_665 = arith.constant true
        %reduce_sum3A_666 = vector.broadcast %reduce_sum3A_665 : i1 to vector<16xi1>
        %reduce_sum3A_667 = tpu.scan <sum>, %parallel_loop3A_382#14 masked %reduce_sum3A_666 : vector<16xf32>, vector<16xi1> -> vector<16xf32>
        %reduce_sum3A_668 = vector.extract %reduce_sum3A_667[15] : f32 from vector<16xf32>
        %mul3A_669 = arith.constant 0.00130208337 : f32
        %mul3A_670 = arith.mulf %reduce_sum3A_664, %mul3A_669 : f32
        %mul3A_671 = arith.constant 0.00130208337 : f32
        %mul3A_672 = arith.mulf %reduce_sum3A_668, %mul3A_671 : f32
        %mul3A_673 = arith.mulf %mul3A_670, %mul3A_670 : f32
        %sub3A_674 = arith.subf %mul3A_672, %mul3A_673 : f32
        %add3A_675 = arith.constant 9.99999996E-13 : f32
        %add3A_676 = arith.addf %sub3A_674, %add3A_675 : f32
        %broadcast_in_dim3A_677 = vector.broadcast %add3A_676 : f32 to vector<16xf32>
        %bitcast_convert_type3A_678 = tpu.bitcast %broadcast_in_dim3A_677 : vector<16xf32> -> vector<16xi32>
        %broadcast_in_dim3A_679 = arith.constant 1597463007 : i32
        %broadcast_in_dim3A_680 = vector.broadcast %broadcast_in_dim3A_679 : i32 to vector<16xi32>
        %broadcast_in_dim3A_681 = arith.constant 1 : i32
        %broadcast_in_dim3A_682 = vector.broadcast %broadcast_in_dim3A_681 : i32 to vector<16xi32>
        %shift_right_logical3A_683 = arith.shrui %bitcast_convert_type3A_678, %broadcast_in_dim3A_682 : vector<16xi32>
        %sub3A_684 = arith.subi %broadcast_in_dim3A_680, %shift_right_logical3A_683 : vector<16xi32>
        %bitcast_convert_type3A_685 = tpu.bitcast %sub3A_684 : vector<16xi32> -> vector<16xf32>
        %mul3A_686 = arith.constant 5.000000e-01 : f32
        %mul3A_687 = vector.broadcast %mul3A_686 : f32 to vector<16xf32>
        %mul3A_688 = arith.mulf %broadcast_in_dim3A_677, %mul3A_687 : vector<16xf32>
        %mul3A_689 = arith.mulf %mul3A_688, %bitcast_convert_type3A_685 : vector<16xf32>
        %mul3A_690 = arith.mulf %mul3A_689, %bitcast_convert_type3A_685 : vector<16xf32>
        %sub3A_691 = arith.constant 1.500000e+00 : f32
        %sub3A_692 = vector.broadcast %sub3A_691 : f32 to vector<16xf32>
        %sub3A_693 = arith.subf %sub3A_692, %mul3A_690 : vector<16xf32>
        %mul3A_694 = arith.mulf %bitcast_convert_type3A_685, %sub3A_693 : vector<16xf32>
        %mul3A_695 = arith.mulf %mul3A_688, %mul3A_694 : vector<16xf32>
        %mul3A_696 = arith.mulf %mul3A_695, %mul3A_694 : vector<16xf32>
        %sub3A_697 = arith.constant 1.500000e+00 : f32
        %sub3A_698 = vector.broadcast %sub3A_697 : f32 to vector<16xf32>
        %sub3A_699 = arith.subf %sub3A_698, %mul3A_696 : vector<16xf32>
        %mul3A_700 = arith.mulf %mul3A_694, %sub3A_699 : vector<16xf32>
        %mul3A_701 = arith.mulf %mul3A_688, %mul3A_700 : vector<16xf32>
        %mul3A_702 = arith.mulf %mul3A_701, %mul3A_700 : vector<16xf32>
        %sub3A_703 = arith.constant 1.500000e+00 : f32
        %sub3A_704 = vector.broadcast %sub3A_703 : f32 to vector<16xf32>
        %sub3A_705 = arith.subf %sub3A_704, %mul3A_702 : vector<16xf32>
        %mul3A_706 = arith.mulf %mul3A_700, %sub3A_705 : vector<16xf32>
        %broadcast_in_dim3A_707 = vector.broadcast %mul3A_670 : f32 to vector<16xf32>
        %reduce_sum3A_708 = arith.constant true
        %reduce_sum3A_709 = vector.broadcast %reduce_sum3A_708 : i1 to vector<16xi1>
        %reduce_sum3A_710 = tpu.scan <sum>, %parallel_loop3A_382#7 masked %reduce_sum3A_709 : vector<16xf32>, vector<16xi1> -> vector<16xf32>
        %reduce_sum3A_711 = vector.extract %reduce_sum3A_710[15] : f32 from vector<16xf32>
        %reduce_sum3A_712 = arith.constant true
        %reduce_sum3A_713 = vector.broadcast %reduce_sum3A_712 : i1 to vector<16xi1>
        %reduce_sum3A_714 = tpu.scan <sum>, %parallel_loop3A_382#15 masked %reduce_sum3A_713 : vector<16xf32>, vector<16xi1> -> vector<16xf32>
        %reduce_sum3A_715 = vector.extract %reduce_sum3A_714[15] : f32 from vector<16xf32>
        %mul3A_716 = arith.constant 0.00130208337 : f32
        %mul3A_717 = arith.mulf %reduce_sum3A_711, %mul3A_716 : f32
        %mul3A_718 = arith.constant 0.00130208337 : f32
        %mul3A_719 = arith.mulf %reduce_sum3A_715, %mul3A_718 : f32
        %mul3A_720 = arith.mulf %mul3A_717, %mul3A_717 : f32
        %sub3A_721 = arith.subf %mul3A_719, %mul3A_720 : f32
        %add3A_722 = arith.constant 9.99999996E-13 : f32
        %add3A_723 = arith.addf %sub3A_721, %add3A_722 : f32
        %broadcast_in_dim3A_724 = vector.broadcast %add3A_723 : f32 to vector<16xf32>
        %bitcast_convert_type3A_725 = tpu.bitcast %broadcast_in_dim3A_724 : vector<16xf32> -> vector<16xi32>
        %broadcast_in_dim3A_726 = arith.constant 1597463007 : i32
        %broadcast_in_dim3A_727 = vector.broadcast %broadcast_in_dim3A_726 : i32 to vector<16xi32>
        %broadcast_in_dim3A_728 = arith.constant 1 : i32
        %broadcast_in_dim3A_729 = vector.broadcast %broadcast_in_dim3A_728 : i32 to vector<16xi32>
        %shift_right_logical3A_730 = arith.shrui %bitcast_convert_type3A_725, %broadcast_in_dim3A_729 : vector<16xi32>
        %sub3A_731 = arith.subi %broadcast_in_dim3A_727, %shift_right_logical3A_730 : vector<16xi32>
        %bitcast_convert_type3A_732 = tpu.bitcast %sub3A_731 : vector<16xi32> -> vector<16xf32>
        %mul3A_733 = arith.constant 5.000000e-01 : f32
        %mul3A_734 = vector.broadcast %mul3A_733 : f32 to vector<16xf32>
        %mul3A_735 = arith.mulf %broadcast_in_dim3A_724, %mul3A_734 : vector<16xf32>
        %mul3A_736 = arith.mulf %mul3A_735, %bitcast_convert_type3A_732 : vector<16xf32>
        %mul3A_737 = arith.mulf %mul3A_736, %bitcast_convert_type3A_732 : vector<16xf32>
        %sub3A_738 = arith.constant 1.500000e+00 : f32
        %sub3A_739 = vector.broadcast %sub3A_738 : f32 to vector<16xf32>
        %sub3A_740 = arith.subf %sub3A_739, %mul3A_737 : vector<16xf32>
        %mul3A_741 = arith.mulf %bitcast_convert_type3A_732, %sub3A_740 : vector<16xf32>
        %mul3A_742 = arith.mulf %mul3A_735, %mul3A_741 : vector<16xf32>
        %mul3A_743 = arith.mulf %mul3A_742, %mul3A_741 : vector<16xf32>
        %sub3A_744 = arith.constant 1.500000e+00 : f32
        %sub3A_745 = vector.broadcast %sub3A_744 : f32 to vector<16xf32>
        %sub3A_746 = arith.subf %sub3A_745, %mul3A_743 : vector<16xf32>
        %mul3A_747 = arith.mulf %mul3A_741, %sub3A_746 : vector<16xf32>
        %mul3A_748 = arith.mulf %mul3A_735, %mul3A_747 : vector<16xf32>
        %mul3A_749 = arith.mulf %mul3A_748, %mul3A_747 : vector<16xf32>
        %sub3A_750 = arith.constant 1.500000e+00 : f32
        %sub3A_751 = vector.broadcast %sub3A_750 : f32 to vector<16xf32>
        %sub3A_752 = arith.subf %sub3A_751, %mul3A_749 : vector<16xf32>
        %mul3A_753 = arith.mulf %mul3A_747, %sub3A_752 : vector<16xf32>
        %broadcast_in_dim3A_754 = vector.broadcast %mul3A_717 : f32 to vector<16xf32>
        %parallel_loop3A_755 = arith.constant 0 : i32
        %parallel_loop3A_756 = arith.constant 48 : i32
        %parallel_loop3A_757 = arith.constant 1 : i32
        scf.for %parallel_loop3A_759 = %parallel_loop3A_755 to %parallel_loop3A_756 step %parallel_loop3A_757  : i32 {
          %parallel_loop3A_760 = arith.constant 16 : i32
          %parallel_loop3A_761 = arith.muli %parallel_loop3A_759, %parallel_loop3A_760 : i32
          %parallel_loop3A_762 = arith.index_cast %parallel_loop3A_761 : i32 to index
          %parallel_loop3A_763 = tpu.vector_load %arg13[%parallel_loop3A_762] {strides = array<i32>} : memref<768xf32, #tpu.memory_space<vmem>>, vector<16xf32>,
          %parallel_loop3A_764 = arith.index_cast %parallel_loop3A_761 : i32 to index
          %parallel_loop3A_765 = tpu.vector_load %arg14[%parallel_loop3A_764] {strides = array<i32>} : memref<768xf32, #tpu.memory_space<vmem>>, vector<16xf32>,
          %parallel_loop3A_766 = arith.constant 0 : i32
          %parallel_loop3A_767 = arith.addi %mul3A_261, %parallel_loop3A_766 : i32
          %parallel_loop3A_768 = arith.index_cast %rem3A_199 : i32 to index
          %parallel_loop3A_769 = arith.index_cast %parallel_loop3A_767 : i32 to index
          %parallel_loop3A_770 = arith.index_cast %parallel_loop3A_761 : i32 to index
          %parallel_loop3A_771 = tpu.vector_load %arg15[%parallel_loop3A_768, %parallel_loop3A_769, %parallel_loop3A_770] {strides = array<i32>} : memref<6x16x768xf32, #tpu.memory_space<vmem>>, vector<16xf32>,
          %parallel_loop3A_772 = arith.subf %parallel_loop3A_771, %broadcast_in_dim3A_425 : vector<16xf32>
          %parallel_loop3A_773 = arith.mulf %parallel_loop3A_772, %mul3A_424 : vector<16xf32>
          %parallel_loop3A_774 = arith.mulf %parallel_loop3A_773, %parallel_loop3A_763 : vector<16xf32>
          %parallel_loop3A_775 = arith.addf %parallel_loop3A_774, %parallel_loop3A_765 : vector<16xf32>
          %parallel_loop3A_776 = arith.constant 0 : i32
          %parallel_loop3A_777 = arith.addi %mul3A_261, %parallel_loop3A_776 : i32
          %parallel_loop3A_778 = arith.index_cast %rem3A_199 : i32 to index
          %parallel_loop3A_779 = arith.index_cast %parallel_loop3A_777 : i32 to index
          %parallel_loop3A_780 = arith.index_cast %parallel_loop3A_761 : i32 to index
          %parallel_loop3A_781 = tpu.vector_load %arg15[%parallel_loop3A_778, %parallel_loop3A_779, %parallel_loop3A_780] {strides = array<i32>} : memref<6x16x768xf32, #tpu.memory_space<vmem>>, vector<16xf32>,
          tpu.vector_store %arg15[%parallel_loop3A_778, %parallel_loop3A_779, %parallel_loop3A_780], %parallel_loop3A_775 {strides = array<i32>} : memref<6x16x768xf32, #tpu.memory_space<vmem>>, vector<16xf32>,
          %parallel_loop3A_782 = arith.constant 1 : i32
          %parallel_loop3A_783 = arith.addi %mul3A_261, %parallel_loop3A_782 : i32
          %parallel_loop3A_784 = arith.index_cast %rem3A_199 : i32 to index
          %parallel_loop3A_785 = arith.index_cast %parallel_loop3A_783 : i32 to index
          %parallel_loop3A_786 = arith.index_cast %parallel_loop3A_761 : i32 to index
          %parallel_loop3A_787 = tpu.vector_load %arg15[%parallel_loop3A_784, %parallel_loop3A_785, %parallel_loop3A_786] {strides = array<i32>} : memref<6x16x768xf32, #tpu.memory_space<vmem>>, vector<16xf32>,
          %parallel_loop3A_788 = arith.subf %parallel_loop3A_787, %broadcast_in_dim3A_472 : vector<16xf32>
          %parallel_loop3A_789 = arith.mulf %parallel_loop3A_788, %mul3A_471 : vector<16xf32>
          %parallel_loop3A_790 = arith.mulf %parallel_loop3A_789, %parallel_loop3A_763 : vector<16xf32>
          %parallel_loop3A_791 = arith.addf %parallel_loop3A_790, %parallel_loop3A_765 : vector<16xf32>
          %parallel_loop3A_792 = arith.constant 1 : i32
          %parallel_loop3A_793 = arith.addi %mul3A_261, %parallel_loop3A_792 : i32
          %parallel_loop3A_794 = arith.index_cast %rem3A_199 : i32 to index
          %parallel_loop3A_795 = arith.index_cast %parallel_loop3A_793 : i32 to index
          %parallel_loop3A_796 = arith.index_cast %parallel_loop3A_761 : i32 to index
          %parallel_loop3A_797 = tpu.vector_load %arg15[%parallel_loop3A_794, %parallel_loop3A_795, %parallel_loop3A_796] {strides = array<i32>} : memref<6x16x768xf32, #tpu.memory_space<vmem>>, vector<16xf32>,
          tpu.vector_store %arg15[%parallel_loop3A_794, %parallel_loop3A_795, %parallel_loop3A_796], %parallel_loop3A_791 {strides = array<i32>} : memref<6x16x768xf32, #tpu.memory_space<vmem>>, vector<16xf32>,
          %parallel_loop3A_798 = arith.constant 2 : i32
          %parallel_loop3A_799 = arith.addi %mul3A_261, %parallel_loop3A_798 : i32
          %parallel_loop3A_800 = arith.index_cast %rem3A_199 : i32 to index
          %parallel_loop3A_801 = arith.index_cast %parallel_loop3A_799 : i32 to index
          %parallel_loop3A_802 = arith.index_cast %parallel_loop3A_761 : i32 to index
          %parallel_loop3A_803 = tpu.vector_load %arg15[%parallel_loop3A_800, %parallel_loop3A_801, %parallel_loop3A_802] {strides = array<i32>} : memref<6x16x768xf32, #tpu.memory_space<vmem>>, vector<16xf32>,
          %parallel_loop3A_804 = arith.subf %parallel_loop3A_803, %broadcast_in_dim3A_519 : vector<16xf32>
          %parallel_loop3A_805 = arith.mulf %parallel_loop3A_804, %mul3A_518 : vector<16xf32>
          %parallel_loop3A_806 = arith.mulf %parallel_loop3A_805, %parallel_loop3A_763 : vector<16xf32>
          %parallel_loop3A_807 = arith.addf %parallel_loop3A_806, %parallel_loop3A_765 : vector<16xf32>
          %parallel_loop3A_808 = arith.constant 2 : i32
          %parallel_loop3A_809 = arith.addi %mul3A_261, %parallel_loop3A_808 : i32
          %parallel_loop3A_810 = arith.index_cast %rem3A_199 : i32 to index
          %parallel_loop3A_811 = arith.index_cast %parallel_loop3A_809 : i32 to index
          %parallel_loop3A_812 = arith.index_cast %parallel_loop3A_761 : i32 to index
          %parallel_loop3A_813 = tpu.vector_load %arg15[%parallel_loop3A_810, %parallel_loop3A_811, %parallel_loop3A_812] {strides = array<i32>} : memref<6x16x768xf32, #tpu.memory_space<vmem>>, vector<16xf32>,
          tpu.vector_store %arg15[%parallel_loop3A_810, %parallel_loop3A_811, %parallel_loop3A_812], %parallel_loop3A_807 {strides = array<i32>} : memref<6x16x768xf32, #tpu.memory_space<vmem>>, vector<16xf32>,
          %parallel_loop3A_814 = arith.constant 3 : i32
          %parallel_loop3A_815 = arith.addi %mul3A_261, %parallel_loop3A_814 : i32
          %parallel_loop3A_816 = arith.index_cast %rem3A_199 : i32 to index
          %parallel_loop3A_817 = arith.index_cast %parallel_loop3A_815 : i32 to index
          %parallel_loop3A_818 = arith.index_cast %parallel_loop3A_761 : i32 to index
          %parallel_loop3A_819 = tpu.vector_load %arg15[%parallel_loop3A_816, %parallel_loop3A_817, %parallel_loop3A_818] {strides = array<i32>} : memref<6x16x768xf32, #tpu.memory_space<vmem>>, vector<16xf32>,
          %parallel_loop3A_820 = arith.subf %parallel_loop3A_819, %broadcast_in_dim3A_566 : vector<16xf32>
          %parallel_loop3A_821 = arith.mulf %parallel_loop3A_820, %mul3A_565 : vector<16xf32>
          %parallel_loop3A_822 = arith.mulf %parallel_loop3A_821, %parallel_loop3A_763 : vector<16xf32>
          %parallel_loop3A_823 = arith.addf %parallel_loop3A_822, %parallel_loop3A_765 : vector<16xf32>
          %parallel_loop3A_824 = arith.constant 3 : i32
          %parallel_loop3A_825 = arith.addi %mul3A_261, %parallel_loop3A_824 : i32
          %parallel_loop3A_826 = arith.index_cast %rem3A_199 : i32 to index
          %parallel_loop3A_827 = arith.index_cast %parallel_loop3A_825 : i32 to index
          %parallel_loop3A_828 = arith.index_cast %parallel_loop3A_761 : i32 to index
          %parallel_loop3A_829 = tpu.vector_load %arg15[%parallel_loop3A_826, %parallel_loop3A_827, %parallel_loop3A_828] {strides = array<i32>} : memref<6x16x768xf32, #tpu.memory_space<vmem>>, vector<16xf32>,
          tpu.vector_store %arg15[%parallel_loop3A_826, %parallel_loop3A_827, %parallel_loop3A_828], %parallel_loop3A_823 {strides = array<i32>} : memref<6x16x768xf32, #tpu.memory_space<vmem>>, vector<16xf32>,
          %parallel_loop3A_830 = arith.constant 4 : i32
          %parallel_loop3A_831 = arith.addi %mul3A_261, %parallel_loop3A_830 : i32
          %parallel_loop3A_832 = arith.index_cast %rem3A_199 : i32 to index
          %parallel_loop3A_833 = arith.index_cast %parallel_loop3A_831 : i32 to index
          %parallel_loop3A_834 = arith.index_cast %parallel_loop3A_761 : i32 to index
          %parallel_loop3A_835 = tpu.vector_load %arg15[%parallel_loop3A_832, %parallel_loop3A_833, %parallel_loop3A_834] {strides = array<i32>} : memref<6x16x768xf32, #tpu.memory_space<vmem>>, vector<16xf32>,
          %parallel_loop3A_836 = arith.subf %parallel_loop3A_835, %broadcast_in_dim3A_613 : vector<16xf32>
          %parallel_loop3A_837 = arith.mulf %parallel_loop3A_836, %mul3A_612 : vector<16xf32>
          %parallel_loop3A_838 = arith.mulf %parallel_loop3A_837, %parallel_loop3A_763 : vector<16xf32>
          %parallel_loop3A_839 = arith.addf %parallel_loop3A_838, %parallel_loop3A_765 : vector<16xf32>
          %parallel_loop3A_840 = arith.constant 4 : i32
          %parallel_loop3A_841 = arith.addi %mul3A_261, %parallel_loop3A_840 : i32
          %parallel_loop3A_842 = arith.index_cast %rem3A_199 : i32 to index
          %parallel_loop3A_843 = arith.index_cast %parallel_loop3A_841 : i32 to index
          %parallel_loop3A_844 = arith.index_cast %parallel_loop3A_761 : i32 to index
          %parallel_loop3A_845 = tpu.vector_load %arg15[%parallel_loop3A_842, %parallel_loop3A_843, %parallel_loop3A_844] {strides = array<i32>} : memref<6x16x768xf32, #tpu.memory_space<vmem>>, vector<16xf32>,
          tpu.vector_store %arg15[%parallel_loop3A_842, %parallel_loop3A_843, %parallel_loop3A_844], %parallel_loop3A_839 {strides = array<i32>} : memref<6x16x768xf32, #tpu.memory_space<vmem>>, vector<16xf32>,
          %parallel_loop3A_846 = arith.constant 5 : i32
          %parallel_loop3A_847 = arith.addi %mul3A_261, %parallel_loop3A_846 : i32
          %parallel_loop3A_848 = arith.index_cast %rem3A_199 : i32 to index
          %parallel_loop3A_849 = arith.index_cast %parallel_loop3A_847 : i32 to index
          %parallel_loop3A_850 = arith.index_cast %parallel_loop3A_761 : i32 to index
          %parallel_loop3A_851 = tpu.vector_load %arg15[%parallel_loop3A_848, %parallel_loop3A_849, %parallel_loop3A_850] {strides = array<i32>} : memref<6x16x768xf32, #tpu.memory_space<vmem>>, vector<16xf32>,
          %parallel_loop3A_852 = arith.subf %parallel_loop3A_851, %broadcast_in_dim3A_660 : vector<16xf32>
          %parallel_loop3A_853 = arith.mulf %parallel_loop3A_852, %mul3A_659 : vector<16xf32>
          %parallel_loop3A_854 = arith.mulf %parallel_loop3A_853, %parallel_loop3A_763 : vector<16xf32>
          %parallel_loop3A_855 = arith.addf %parallel_loop3A_854, %parallel_loop3A_765 : vector<16xf32>
          %parallel_loop3A_856 = arith.constant 5 : i32
          %parallel_loop3A_857 = arith.addi %mul3A_261, %parallel_loop3A_856 : i32
          %parallel_loop3A_858 = arith.index_cast %rem3A_199 : i32 to index
          %parallel_loop3A_859 = arith.index_cast %parallel_loop3A_857 : i32 to index
          %parallel_loop3A_860 = arith.index_cast %parallel_loop3A_761 : i32 to index
          %parallel_loop3A_861 = tpu.vector_load %arg15[%parallel_loop3A_858, %parallel_loop3A_859, %parallel_loop3A_860] {strides = array<i32>} : memref<6x16x768xf32, #tpu.memory_space<vmem>>, vector<16xf32>,
          tpu.vector_store %arg15[%parallel_loop3A_858, %parallel_loop3A_859, %parallel_loop3A_860], %parallel_loop3A_855 {strides = array<i32>} : memref<6x16x768xf32, #tpu.memory_space<vmem>>, vector<16xf32>,
          %parallel_loop3A_862 = arith.constant 6 : i32
          %parallel_loop3A_863 = arith.addi %mul3A_261, %parallel_loop3A_862 : i32
          %parallel_loop3A_864 = arith.index_cast %rem3A_199 : i32 to index
          %parallel_loop3A_865 = arith.index_cast %parallel_loop3A_863 : i32 to index
          %parallel_loop3A_866 = arith.index_cast %parallel_loop3A_761 : i32 to index
          %parallel_loop3A_867 = tpu.vector_load %arg15[%parallel_loop3A_864, %parallel_loop3A_865, %parallel_loop3A_866] {strides = array<i32>} : memref<6x16x768xf32, #tpu.memory_space<vmem>>, vector<16xf32>,
          %parallel_loop3A_868 = arith.subf %parallel_loop3A_867, %broadcast_in_dim3A_707 : vector<16xf32>
          %parallel_loop3A_869 = arith.mulf %parallel_loop3A_868, %mul3A_706 : vector<16xf32>
          %parallel_loop3A_870 = arith.mulf %parallel_loop3A_869, %parallel_loop3A_763 : vector<16xf32>
          %parallel_loop3A_871 = arith.addf %parallel_loop3A_870, %parallel_loop3A_765 : vector<16xf32>
          %parallel_loop3A_872 = arith.constant 6 : i32
          %parallel_loop3A_873 = arith.addi %mul3A_261, %parallel_loop3A_872 : i32
          %parallel_loop3A_874 = arith.index_cast %rem3A_199 : i32 to index
          %parallel_loop3A_875 = arith.index_cast %parallel_loop3A_873 : i32 to index
          %parallel_loop3A_876 = arith.index_cast %parallel_loop3A_761 : i32 to index
          %parallel_loop3A_877 = tpu.vector_load %arg15[%parallel_loop3A_874, %parallel_loop3A_875, %parallel_loop3A_876] {strides = array<i32>} : memref<6x16x768xf32, #tpu.memory_space<vmem>>, vector<16xf32>,
          tpu.vector_store %arg15[%parallel_loop3A_874, %parallel_loop3A_875, %parallel_loop3A_876], %parallel_loop3A_871 {strides = array<i32>} : memref<6x16x768xf32, #tpu.memory_space<vmem>>, vector<16xf32>,
          %parallel_loop3A_878 = arith.constant 7 : i32
          %parallel_loop3A_879 = arith.addi %mul3A_261, %parallel_loop3A_878 : i32
          %parallel_loop3A_880 = arith.index_cast %rem3A_199 : i32 to index
          %parallel_loop3A_881 = arith.index_cast %parallel_loop3A_879 : i32 to index
          %parallel_loop3A_882 = arith.index_cast %parallel_loop3A_761 : i32 to index
          %parallel_loop3A_883 = tpu.vector_load %arg15[%parallel_loop3A_880, %parallel_loop3A_881, %parallel_loop3A_882] {strides = array<i32>} : memref<6x16x768xf32, #tpu.memory_space<vmem>>, vector<16xf32>,
          %parallel_loop3A_884 = arith.subf %parallel_loop3A_883, %broadcast_in_dim3A_754 : vector<16xf32>
          %parallel_loop3A_885 = arith.mulf %parallel_loop3A_884, %mul3A_753 : vector<16xf32>
          %parallel_loop3A_886 = arith.mulf %parallel_loop3A_885, %parallel_loop3A_763 : vector<16xf32>
          %parallel_loop3A_887 = arith.addf %parallel_loop3A_886, %parallel_loop3A_765 : vector<16xf32>
          %parallel_loop3A_888 = arith.constant 7 : i32
          %parallel_loop3A_889 = arith.addi %mul3A_261, %parallel_loop3A_888 : i32
          %parallel_loop3A_890 = arith.index_cast %rem3A_199 : i32 to index
          %parallel_loop3A_891 = arith.index_cast %parallel_loop3A_889 : i32 to index
          %parallel_loop3A_892 = arith.index_cast %parallel_loop3A_761 : i32 to index
          %parallel_loop3A_893 = tpu.vector_load %arg15[%parallel_loop3A_890, %parallel_loop3A_891, %parallel_loop3A_892] {strides = array<i32>} : memref<6x16x768xf32, #tpu.memory_space<vmem>>, vector<16xf32>,
          tpu.vector_store %arg15[%parallel_loop3A_890, %parallel_loop3A_891, %parallel_loop3A_892], %parallel_loop3A_887 {strides = array<i32>} : memref<6x16x768xf32, #tpu.memory_space<vmem>>, vector<16xf32>,
        } {sc.loop_unroll_factor = 1 : i64, sc.parallel_access}
        %scan3A_758 = arith.constant 0 : i32
        scf.yield %scan3A_758 : i32
      }
      %scan3A_240 = arith.constant 2 : i32
      %dma_start3A_241 = arith.constant 0 : i32
      %dma_start3A_242 = arith.constant 0 : i32
      %dma_start3A_243 = tpu.memref_slice %arg15[%rem3A_199, %dma_start3A_241, %dma_start3A_242] : memref<6x16x768xf32, #tpu.memory_space<vmem>> -> memref<1x16x768xf32, #tpu.memory_space<vmem>>
      %dma_start3A_244 = tpu.memref_squeeze %dma_start3A_243 : memref<1x16x768xf32, #tpu.memory_space<vmem>> -> memref<16x768xf32, #tpu.memory_space<vmem>>
      %dma_start3A_245 = arith.constant 0 : i32
      %dma_start3A_246 = tpu.memref_slice %arg9[%scan3A_197, %mul3A_2, %dma_start3A_245] : memref<128x512x768xf32, #tpu.memory_space<hbm>> -> memref<1x16x768xf32, #tpu.memory_space<hbm>>
      %dma_start3A_247 = tpu.memref_squeeze %dma_start3A_246 : memref<1x16x768xf32, #tpu.memory_space<hbm>> -> memref<16x768xf32, #tpu.memory_space<hbm>>
      %dma_start3A_248 = tpu.memref_slice %arg17[%rem3A_199] : memref<6x!tpu.dma_semaphore, #tpu.memory_space<semaphore_mem>> -> memref<1x!tpu.dma_semaphore, #tpu.memory_space<semaphore_mem>>
      %dma_start3A_249 = tpu.memref_squeeze %dma_start3A_248 : memref<1x!tpu.dma_semaphore, #tpu.memory_space<semaphore_mem>> -> memref<!tpu.dma_semaphore, #tpu.memory_space<semaphore_mem>>
      %dma_start3A_250 = arith.constant 0 : i32
      %dma_start3A_251 = tpu.memref_slice %arg9[%scan3A_197, %mul3A_2, %dma_start3A_250] : memref<128x512x768xf32, #tpu.memory_space<hbm>> -> memref<1x16x768xf32, #tpu.memory_space<hbm>>
      %dma_start3A_252 = tpu.memref_squeeze %dma_start3A_251 : memref<1x16x768xf32, #tpu.memory_space<hbm>> -> memref<16x768xf32, #tpu.memory_space<hbm>>
      %dma_start3A_253 = arith.constant 0 : i32
      %dma_start3A_254 = arith.constant 0 : i32
      %dma_start3A_255 = tpu.memref_slice %arg15[%rem3A_199, %dma_start3A_253, %dma_start3A_254] : memref<6x16x768xf32, #tpu.memory_space<vmem>> -> memref<1x16x768xf32, #tpu.memory_space<vmem>>
      %dma_start3A_256 = tpu.memref_squeeze %dma_start3A_255 : memref<1x16x768xf32, #tpu.memory_space<vmem>> -> memref<16x768xf32, #tpu.memory_space<vmem>>
      tpu.enqueue_dma source(%dma_start3A_256 : memref<16x768xf32, #tpu.memory_space<vmem>>) target(%dma_start3A_252 : memref<16x768xf32, #tpu.memory_space<hbm>>) target_semaphore(%dma_start3A_249 : memref<!tpu.dma_semaphore, #tpu.memory_space<semaphore_mem>>)
      %scan3A_257 = arith.constant 0 : i32
      scf.yield %scan3A_257 : i32
    }
    %scan3A_83 = arith.constant 128 : i32
    %dma_wait3A = arith.constant 2 : i32
    %dma_wait3A_84 = arith.constant 122 : i32
    %dma_wait3A_85 = arith.constant 2 : i32
    %dma_wait3A_86 = arith.constant 0 : i32
    %dma_wait3A_87 = arith.constant 0 : i32
    %dma_wait3A_88 = tpu.memref_slice %arg15[%dma_wait3A, %dma_wait3A_86, %dma_wait3A_87] : memref<6x16x768xf32, #tpu.memory_space<vmem>> -> memref<1x16x768xf32, #tpu.memory_space<vmem>>
    %dma_wait3A_89 = tpu.memref_squeeze %dma_wait3A_88 : memref<1x16x768xf32, #tpu.memory_space<vmem>> -> memref<16x768xf32, #tpu.memory_space<vmem>>
    %dma_wait3A_90 = arith.constant 0 : i32
    %dma_wait3A_91 = tpu.memref_slice %arg9[%dma_wait3A_84, %mul3A_2, %dma_wait3A_90] : memref<128x512x768xf32, #tpu.memory_space<hbm>> -> memref<1x16x768xf32, #tpu.memory_space<hbm>>
    %dma_wait3A_92 = tpu.memref_squeeze %dma_wait3A_91 : memref<1x16x768xf32, #tpu.memory_space<hbm>> -> memref<16x768xf32, #tpu.memory_space<hbm>>
    %dma_wait3A_93 = tpu.memref_slice %arg17[%dma_wait3A_85] : memref<6x!tpu.dma_semaphore, #tpu.memory_space<semaphore_mem>> -> memref<1x!tpu.dma_semaphore, #tpu.memory_space<semaphore_mem>>
    %dma_wait3A_94 = tpu.memref_squeeze %dma_wait3A_93 : memref<1x!tpu.dma_semaphore, #tpu.memory_space<semaphore_mem>> -> memref<!tpu.dma_semaphore, #tpu.memory_space<semaphore_mem>>
    %dma_wait3A_95 = arith.constant 0 : i32
    %dma_wait3A_96 = tpu.memref_slice %arg9[%dma_wait3A_84, %mul3A_2, %dma_wait3A_95] : memref<128x512x768xf32, #tpu.memory_space<hbm>> -> memref<1x16x768xf32, #tpu.memory_space<hbm>>
    %dma_wait3A_97 = tpu.memref_squeeze %dma_wait3A_96 : memref<1x16x768xf32, #tpu.memory_space<hbm>> -> memref<16x768xf32, #tpu.memory_space<hbm>>
    %dma_wait3A_98 = arith.constant 0 : i32
    %dma_wait3A_99 = arith.constant 0 : i32
    %dma_wait3A_100 = tpu.memref_slice %arg15[%dma_wait3A, %dma_wait3A_98, %dma_wait3A_99] : memref<6x16x768xf32, #tpu.memory_space<vmem>> -> memref<1x16x768xf32, #tpu.memory_space<vmem>>
    %dma_wait3A_101 = tpu.memref_squeeze %dma_wait3A_100 : memref<1x16x768xf32, #tpu.memory_space<vmem>> -> memref<16x768xf32, #tpu.memory_space<vmem>>
    tpu.wait_dma2 semaphore(%dma_wait3A_94 : memref<!tpu.dma_semaphore, #tpu.memory_space<semaphore_mem>>) src(%dma_wait3A_101 : memref<16x768xf32, #tpu.memory_space<vmem>>) dst(%dma_wait3A_97 : memref<16x768xf32, #tpu.memory_space<hbm>>)
    %dma_wait3A_102 = arith.constant 3 : i32
    %dma_wait3A_103 = arith.constant 123 : i32
    %dma_wait3A_104 = arith.constant 3 : i32
    %dma_wait3A_105 = arith.constant 0 : i32
    %dma_wait3A_106 = arith.constant 0 : i32
    %dma_wait3A_107 = tpu.memref_slice %arg15[%dma_wait3A_102, %dma_wait3A_105, %dma_wait3A_106] : memref<6x16x768xf32, #tpu.memory_space<vmem>> -> memref<1x16x768xf32, #tpu.memory_space<vmem>>
    %dma_wait3A_108 = tpu.memref_squeeze %dma_wait3A_107 : memref<1x16x768xf32, #tpu.memory_space<vmem>> -> memref<16x768xf32, #tpu.memory_space<vmem>>
    %dma_wait3A_109 = arith.constant 0 : i32
    %dma_wait3A_110 = tpu.memref_slice %arg9[%dma_wait3A_103, %mul3A_2, %dma_wait3A_109] : memref<128x512x768xf32, #tpu.memory_space<hbm>> -> memref<1x16x768xf32, #tpu.memory_space<hbm>>
    %dma_wait3A_111 = tpu.memref_squeeze %dma_wait3A_110 : memref<1x16x768xf32, #tpu.memory_space<hbm>> -> memref<16x768xf32, #tpu.memory_space<hbm>>
    %dma_wait3A_112 = tpu.memref_slice %arg17[%dma_wait3A_104] : memref<6x!tpu.dma_semaphore, #tpu.memory_space<semaphore_mem>> -> memref<1x!tpu.dma_semaphore, #tpu.memory_space<semaphore_mem>>
    %dma_wait3A_113 = tpu.memref_squeeze %dma_wait3A_112 : memref<1x!tpu.dma_semaphore, #tpu.memory_space<semaphore_mem>> -> memref<!tpu.dma_semaphore, #tpu.memory_space<semaphore_mem>>
    %dma_wait3A_114 = arith.constant 0 : i32
    %dma_wait3A_115 = tpu.memref_slice %arg9[%dma_wait3A_103, %mul3A_2, %dma_wait3A_114] : memref<128x512x768xf32, #tpu.memory_space<hbm>> -> memref<1x16x768xf32, #tpu.memory_space<hbm>>
    %dma_wait3A_116 = tpu.memref_squeeze %dma_wait3A_115 : memref<1x16x768xf32, #tpu.memory_space<hbm>> -> memref<16x768xf32, #tpu.memory_space<hbm>>
    %dma_wait3A_117 = arith.constant 0 : i32
    %dma_wait3A_118 = arith.constant 0 : i32
    %dma_wait3A_119 = tpu.memref_slice %arg15[%dma_wait3A_102, %dma_wait3A_117, %dma_wait3A_118] : memref<6x16x768xf32, #tpu.memory_space<vmem>> -> memref<1x16x768xf32, #tpu.memory_space<vmem>>
    %dma_wait3A_120 = tpu.memref_squeeze %dma_wait3A_119 : memref<1x16x768xf32, #tpu.memory_space<vmem>> -> memref<16x768xf32, #tpu.memory_space<vmem>>
    tpu.wait_dma2 semaphore(%dma_wait3A_113 : memref<!tpu.dma_semaphore, #tpu.memory_space<semaphore_mem>>) src(%dma_wait3A_120 : memref<16x768xf32, #tpu.memory_space<vmem>>) dst(%dma_wait3A_116 : memref<16x768xf32, #tpu.memory_space<hbm>>)
    %dma_wait3A_121 = arith.constant 4 : i32
    %dma_wait3A_122 = arith.constant 124 : i32
    %dma_wait3A_123 = arith.constant 4 : i32
    %dma_wait3A_124 = arith.constant 0 : i32
    %dma_wait3A_125 = arith.constant 0 : i32
    %dma_wait3A_126 = tpu.memref_slice %arg15[%dma_wait3A_121, %dma_wait3A_124, %dma_wait3A_125] : memref<6x16x768xf32, #tpu.memory_space<vmem>> -> memref<1x16x768xf32, #tpu.memory_space<vmem>>
    %dma_wait3A_127 = tpu.memref_squeeze %dma_wait3A_126 : memref<1x16x768xf32, #tpu.memory_space<vmem>> -> memref<16x768xf32, #tpu.memory_space<vmem>>
    %dma_wait3A_128 = arith.constant 0 : i32
    %dma_wait3A_129 = tpu.memref_slice %arg9[%dma_wait3A_122, %mul3A_2, %dma_wait3A_128] : memref<128x512x768xf32, #tpu.memory_space<hbm>> -> memref<1x16x768xf32, #tpu.memory_space<hbm>>
    %dma_wait3A_130 = tpu.memref_squeeze %dma_wait3A_129 : memref<1x16x768xf32, #tpu.memory_space<hbm>> -> memref<16x768xf32, #tpu.memory_space<hbm>>
    %dma_wait3A_131 = tpu.memref_slice %arg17[%dma_wait3A_123] : memref<6x!tpu.dma_semaphore, #tpu.memory_space<semaphore_mem>> -> memref<1x!tpu.dma_semaphore, #tpu.memory_space<semaphore_mem>>
    %dma_wait3A_132 = tpu.memref_squeeze %dma_wait3A_131 : memref<1x!tpu.dma_semaphore, #tpu.memory_space<semaphore_mem>> -> memref<!tpu.dma_semaphore, #tpu.memory_space<semaphore_mem>>
    %dma_wait3A_133 = arith.constant 0 : i32
    %dma_wait3A_134 = tpu.memref_slice %arg9[%dma_wait3A_122, %mul3A_2, %dma_wait3A_133] : memref<128x512x768xf32, #tpu.memory_space<hbm>> -> memref<1x16x768xf32, #tpu.memory_space<hbm>>
    %dma_wait3A_135 = tpu.memref_squeeze %dma_wait3A_134 : memref<1x16x768xf32, #tpu.memory_space<hbm>> -> memref<16x768xf32, #tpu.memory_space<hbm>>
    %dma_wait3A_136 = arith.constant 0 : i32
    %dma_wait3A_137 = arith.constant 0 : i32
    %dma_wait3A_138 = tpu.memref_slice %arg15[%dma_wait3A_121, %dma_wait3A_136, %dma_wait3A_137] : memref<6x16x768xf32, #tpu.memory_space<vmem>> -> memref<1x16x768xf32, #tpu.memory_space<vmem>>
    %dma_wait3A_139 = tpu.memref_squeeze %dma_wait3A_138 : memref<1x16x768xf32, #tpu.memory_space<vmem>> -> memref<16x768xf32, #tpu.memory_space<vmem>>
    tpu.wait_dma2 semaphore(%dma_wait3A_132 : memref<!tpu.dma_semaphore, #tpu.memory_space<semaphore_mem>>) src(%dma_wait3A_139 : memref<16x768xf32, #tpu.memory_space<vmem>>) dst(%dma_wait3A_135 : memref<16x768xf32, #tpu.memory_space<hbm>>)
    %dma_wait3A_140 = arith.constant 5 : i32
    %dma_wait3A_141 = arith.constant 125 : i32
    %dma_wait3A_142 = arith.constant 5 : i32
    %dma_wait3A_143 = arith.constant 0 : i32
    %dma_wait3A_144 = arith.constant 0 : i32
    %dma_wait3A_145 = tpu.memref_slice %arg15[%dma_wait3A_140, %dma_wait3A_143, %dma_wait3A_144] : memref<6x16x768xf32, #tpu.memory_space<vmem>> -> memref<1x16x768xf32, #tpu.memory_space<vmem>>
    %dma_wait3A_146 = tpu.memref_squeeze %dma_wait3A_145 : memref<1x16x768xf32, #tpu.memory_space<vmem>> -> memref<16x768xf32, #tpu.memory_space<vmem>>
    %dma_wait3A_147 = arith.constant 0 : i32
    %dma_wait3A_148 = tpu.memref_slice %arg9[%dma_wait3A_141, %mul3A_2, %dma_wait3A_147] : memref<128x512x768xf32, #tpu.memory_space<hbm>> -> memref<1x16x768xf32, #tpu.memory_space<hbm>>
    %dma_wait3A_149 = tpu.memref_squeeze %dma_wait3A_148 : memref<1x16x768xf32, #tpu.memory_space<hbm>> -> memref<16x768xf32, #tpu.memory_space<hbm>>
    %dma_wait3A_150 = tpu.memref_slice %arg17[%dma_wait3A_142] : memref<6x!tpu.dma_semaphore, #tpu.memory_space<semaphore_mem>> -> memref<1x!tpu.dma_semaphore, #tpu.memory_space<semaphore_mem>>
    %dma_wait3A_151 = tpu.memref_squeeze %dma_wait3A_150 : memref<1x!tpu.dma_semaphore, #tpu.memory_space<semaphore_mem>> -> memref<!tpu.dma_semaphore, #tpu.memory_space<semaphore_mem>>
    %dma_wait3A_152 = arith.constant 0 : i32
    %dma_wait3A_153 = tpu.memref_slice %arg9[%dma_wait3A_141, %mul3A_2, %dma_wait3A_152] : memref<128x512x768xf32, #tpu.memory_space<hbm>> -> memref<1x16x768xf32, #tpu.memory_space<hbm>>
    %dma_wait3A_154 = tpu.memref_squeeze %dma_wait3A_153 : memref<1x16x768xf32, #tpu.memory_space<hbm>> -> memref<16x768xf32, #tpu.memory_space<hbm>>
    %dma_wait3A_155 = arith.constant 0 : i32
    %dma_wait3A_156 = arith.constant 0 : i32
    %dma_wait3A_157 = tpu.memref_slice %arg15[%dma_wait3A_140, %dma_wait3A_155, %dma_wait3A_156] : memref<6x16x768xf32, #tpu.memory_space<vmem>> -> memref<1x16x768xf32, #tpu.memory_space<vmem>>
    %dma_wait3A_158 = tpu.memref_squeeze %dma_wait3A_157 : memref<1x16x768xf32, #tpu.memory_space<vmem>> -> memref<16x768xf32, #tpu.memory_space<vmem>>
    tpu.wait_dma2 semaphore(%dma_wait3A_151 : memref<!tpu.dma_semaphore, #tpu.memory_space<semaphore_mem>>) src(%dma_wait3A_158 : memref<16x768xf32, #tpu.memory_space<vmem>>) dst(%dma_wait3A_154 : memref<16x768xf32, #tpu.memory_space<hbm>>)
    %dma_wait3A_159 = arith.constant 0 : i32
    %dma_wait3A_160 = arith.constant 126 : i32
    %dma_wait3A_161 = arith.constant 0 : i32
    %dma_wait3A_162 = arith.constant 0 : i32
    %dma_wait3A_163 = arith.constant 0 : i32
    %dma_wait3A_164 = tpu.memref_slice %arg15[%dma_wait3A_159, %dma_wait3A_162, %dma_wait3A_163] : memref<6x16x768xf32, #tpu.memory_space<vmem>> -> memref<1x16x768xf32, #tpu.memory_space<vmem>>
    %dma_wait3A_165 = tpu.memref_squeeze %dma_wait3A_164 : memref<1x16x768xf32, #tpu.memory_space<vmem>> -> memref<16x768xf32, #tpu.memory_space<vmem>>
    %dma_wait3A_166 = arith.constant 0 : i32
    %dma_wait3A_167 = tpu.memref_slice %arg9[%dma_wait3A_160, %mul3A_2, %dma_wait3A_166] : memref<128x512x768xf32, #tpu.memory_space<hbm>> -> memref<1x16x768xf32, #tpu.memory_space<hbm>>
    %dma_wait3A_168 = tpu.memref_squeeze %dma_wait3A_167 : memref<1x16x768xf32, #tpu.memory_space<hbm>> -> memref<16x768xf32, #tpu.memory_space<hbm>>
    %dma_wait3A_169 = tpu.memref_slice %arg17[%dma_wait3A_161] : memref<6x!tpu.dma_semaphore, #tpu.memory_space<semaphore_mem>> -> memref<1x!tpu.dma_semaphore, #tpu.memory_space<semaphore_mem>>
    %dma_wait3A_170 = tpu.memref_squeeze %dma_wait3A_169 : memref<1x!tpu.dma_semaphore, #tpu.memory_space<semaphore_mem>> -> memref<!tpu.dma_semaphore, #tpu.memory_space<semaphore_mem>>
    %dma_wait3A_171 = arith.constant 0 : i32
    %dma_wait3A_172 = tpu.memref_slice %arg9[%dma_wait3A_160, %mul3A_2, %dma_wait3A_171] : memref<128x512x768xf32, #tpu.memory_space<hbm>> -> memref<1x16x768xf32, #tpu.memory_space<hbm>>
    %dma_wait3A_173 = tpu.memref_squeeze %dma_wait3A_172 : memref<1x16x768xf32, #tpu.memory_space<hbm>> -> memref<16x768xf32, #tpu.memory_space<hbm>>
    %dma_wait3A_174 = arith.constant 0 : i32
    %dma_wait3A_175 = arith.constant 0 : i32
    %dma_wait3A_176 = tpu.memref_slice %arg15[%dma_wait3A_159, %dma_wait3A_174, %dma_wait3A_175] : memref<6x16x768xf32, #tpu.memory_space<vmem>> -> memref<1x16x768xf32, #tpu.memory_space<vmem>>
    %dma_wait3A_177 = tpu.memref_squeeze %dma_wait3A_176 : memref<1x16x768xf32, #tpu.memory_space<vmem>> -> memref<16x768xf32, #tpu.memory_space<vmem>>
    tpu.wait_dma2 semaphore(%dma_wait3A_170 : memref<!tpu.dma_semaphore, #tpu.memory_space<semaphore_mem>>) src(%dma_wait3A_177 : memref<16x768xf32, #tpu.memory_space<vmem>>) dst(%dma_wait3A_173 : memref<16x768xf32, #tpu.memory_space<hbm>>)
    %dma_wait3A_178 = arith.constant 1 : i32
    %dma_wait3A_179 = arith.constant 127 : i32
    %dma_wait3A_180 = arith.constant 1 : i32
    %dma_wait3A_181 = arith.constant 0 : i32
    %dma_wait3A_182 = arith.constant 0 : i32
    %dma_wait3A_183 = tpu.memref_slice %arg15[%dma_wait3A_178, %dma_wait3A_181, %dma_wait3A_182] : memref<6x16x768xf32, #tpu.memory_space<vmem>> -> memref<1x16x768xf32, #tpu.memory_space<vmem>>
    %dma_wait3A_184 = tpu.memref_squeeze %dma_wait3A_183 : memref<1x16x768xf32, #tpu.memory_space<vmem>> -> memref<16x768xf32, #tpu.memory_space<vmem>>
    %dma_wait3A_185 = arith.constant 0 : i32
    %dma_wait3A_186 = tpu.memref_slice %arg9[%dma_wait3A_179, %mul3A_2, %dma_wait3A_185] : memref<128x512x768xf32, #tpu.memory_space<hbm>> -> memref<1x16x768xf32, #tpu.memory_space<hbm>>
    %dma_wait3A_187 = tpu.memref_squeeze %dma_wait3A_186 : memref<1x16x768xf32, #tpu.memory_space<hbm>> -> memref<16x768xf32, #tpu.memory_space<hbm>>
    %dma_wait3A_188 = tpu.memref_slice %arg17[%dma_wait3A_180] : memref<6x!tpu.dma_semaphore, #tpu.memory_space<semaphore_mem>> -> memref<1x!tpu.dma_semaphore, #tpu.memory_space<semaphore_mem>>
    %dma_wait3A_189 = tpu.memref_squeeze %dma_wait3A_188 : memref<1x!tpu.dma_semaphore, #tpu.memory_space<semaphore_mem>> -> memref<!tpu.dma_semaphore, #tpu.memory_space<semaphore_mem>>
    %dma_wait3A_190 = arith.constant 0 : i32
    %dma_wait3A_191 = tpu.memref_slice %arg9[%dma_wait3A_179, %mul3A_2, %dma_wait3A_190] : memref<128x512x768xf32, #tpu.memory_space<hbm>> -> memref<1x16x768xf32, #tpu.memory_space<hbm>>
    %dma_wait3A_192 = tpu.memref_squeeze %dma_wait3A_191 : memref<1x16x768xf32, #tpu.memory_space<hbm>> -> memref<16x768xf32, #tpu.memory_space<hbm>>
    %dma_wait3A_193 = arith.constant 0 : i32
    %dma_wait3A_194 = arith.constant 0 : i32
    %dma_wait3A_195 = tpu.memref_slice %arg15[%dma_wait3A_178, %dma_wait3A_193, %dma_wait3A_194] : memref<6x16x768xf32, #tpu.memory_space<vmem>> -> memref<1x16x768xf32, #tpu.memory_space<vmem>>
    %dma_wait3A_196 = tpu.memref_squeeze %dma_wait3A_195 : memref<1x16x768xf32, #tpu.memory_space<vmem>> -> memref<16x768xf32, #tpu.memory_space<vmem>>
    tpu.wait_dma2 semaphore(%dma_wait3A_189 : memref<!tpu.dma_semaphore, #tpu.memory_space<semaphore_mem>>) src(%dma_wait3A_196 : memref<16x768xf32, #tpu.memory_space<vmem>>) dst(%dma_wait3A_192 : memref<16x768xf32, #tpu.memory_space<hbm>>)
    return
  }
}

</mosaic_0001>

<sc_bundles>
// kernel: kernel.3.cloned.1.call-start
scs
__scs_entry_jumppad:
0x0: {  	(pc) =	sbr.rel $0x88, $3  }
0x1: {  	(tag) =	ssettag $0x0;
	lr =	simm.s32 $0x1  }
0x2: {  	[smem:$0x3F9A] =	sst lr;
	_ =	strace $0xD0000000  }
0x3: {  	_ = 	snop  }
0x4: {  	_ = 	snop  }
0x5: {  	_ = 	snop  }
0x6: {  	_ = 	snop  }
0x7: {  	_ = 	snop  }
__scs_overlays_trampoline_lowered:
0x8: {  	[smem:$0x3FA9] =	sst s0  }
0x9: {  	[smem:$0x3FAA] =	sst s1  }
0xa: {  	[smem:$0x3FAB] =	sst s2  }
0xb: {  	[smem:$0x3FAC] =	sst s3  }
0xc: {  	[smem:$0x3FAD] =	sst s4  }
0xd: {  	[smem:$0x3FAE] =	sst s5  }
0xe: {  	[smem:$0x3FAF] =	sst s6  }
0xf: {  	[smem:$0x3FB0] =	sst s7  }
0x10: {  	[smem:$0x3FB1] =	sst s8  }
0x11: {  	[smem:$0x3FB2] =	sst s9;
	s0 =	simm.s32 @!p0 $0x0  }
0x12: {  	s1 =	sld [smem:$0x3F98];
	s0 =	simm.s32 @p0 $0x1  }
0x13: {  	[smem:$0x3FB3] =	sst s0;
	s0 =	simm.s32 @!p1 $0x0  }
0x14: {  	s2 =	sld [smem:$0x3F97];
	s0 =	simm.s32 @p1 $0x1  }
0x15: {  	[smem:$0x3FB4] =	sst s0;
	s0 =	simm.s32 @!p2 $0x0  }
0x16: {  	s3 =	sld [smem:$0x3FDB];
	s0 =	simm.s32 @p2 $0x1  }
0x17: {  	s4 =	simm.s32 $0x1BF5;
	[smem:$0x3FB6] =	sst s0  }
0x18: {  	s0 =	sld [smem:$0x3F99];
	_ =	swait.ge [sflag:s4], $0x0  }
0x19: {  	s7 =	sld [smem:$0x3F9A]  }
0x1a: {  	s8 =	sadd.s32 $0xFFFFE003, lr  }
0x1b: {  	s9 =	sadd.s32 $0xFFFFFEF7, lr;
	s5 =	simm.s32 $0xFFFFFFFF;
	p2 =	slt.u32 s8, $0xFFFFF086  }
0x1c: {  	p1 =	slt.u32 s9, $0xF7A;
	s5 =	simm.s32 @!p2 $0x0  }
0x1d: {  	s5 =	simm.s32 @p1 $0x1;
	p0 =	seq.s32 s7, s2  }
0x1e: {  	s7 =	smul.u32 @!p0 $0xF7A, s2;
	p2 =	seq.s32 @!p0 s5, $0x0  }
0x1f: {  	s9 =	smul.u32 $0xF7A, s1;
	s8 =	simm.s32 @!p0 $0x1BF5;
	p2 =	por !p2, p0  }
0x20: {  	[sflag:s8] =	ssyncset.s32 @!p0 $0xFFFFF086;
	s6 =	sadd.s32 @!p0 s3, s7;
	s7 =	simm.s32 @!p0 $0x108  }
0x21: {  	s3 =	sadd.s32 s3, s9;
	s6 =	sadd.s32 @!p0 $0x88, s6;
	s7 =	simm.s32 @p2 $0x1082  }
0x22: {  	[simem:s7], [sflag:s8] =	dma.local @!p0 [hbm:s6], $0xF7A  }
0x23: {  	s9 =	sor.u32 $0xD0000000, s2;
	s6 =	simm.s32 $0x108;
	_ =	swait.ge @!p0 [sflag:s8], $0x0  }
0x24: {  	s3 =	sadd.s32 $0x88, s3;
	s6 =	simm.s32 @!p1 $0x1082;
	[sflag:s4] =	ssyncset.s32 $0xFFFFF086  }
0x25: {  	[simem:s6], [sflag:s4] =	dma.local [hbm:s3], $0xF7A  }
0x26: {  	[smem:$0x3F9A] =	sst s1;
	(tag) =	ssettag s2;
	_ =	strace s9  }
0x27: {  	s1 =	sld [smem:$0x3FAA]  }
0x28: {  	s2 =	sld [smem:$0x3FAB]  }
0x29: {  	s4 =	sld [smem:$0x3FAD]  }
0x2a: {  	p0 =	seq.s32 s5, $0x0;
	s5 =	sld [smem:$0x3FAE]  }
0x2b: {  	s6 =	sld [smem:$0x3FAF]  }
0x2c: {  	s7 =	sld [smem:$0x3FB0]  }
0x2d: {  	s3 =	simm.s32 $0x108;
	s8 =	sld [smem:$0x3FB1]  }
0x2e: {  	s3 =	simm.s32 @!p0 $0x1082;
	s9 =	sld [smem:$0x3FB2]  }
0x2f: {  	lr =	sadd.s32 s0, s3;
	s0 =	sld [smem:$0x3FA9]  }
0x30: {  	s3 =	sld [smem:$0x3FAC]  }
0x31: {  	[smem:$0x3FB5] =	sst s10  }
0x32: {  	s10 =	sld [smem:$0x3FB3];
	_ =	sdelay $0x3  }
0x33: {  	p0 =	seq.s32 s10, $0x1;
	s10 =	sld [smem:$0x3FB5];
	_ =	sdelay $0x3  }
0x34: {  	[smem:$0x3FB5] =	sst s10  }
0x35: {  	s10 =	sld [smem:$0x3FB4];
	_ =	sdelay $0x3  }
0x36: {  	p1 =	seq.s32 s10, $0x1;
	s10 =	sld [smem:$0x3FB5];
	_ =	sdelay $0x3  }
0x37: {  	[smem:$0x3FB5] =	sst s10  }
0x38: {  	s10 =	sld [smem:$0x3FB6]  }
0x39: {  	_ = 	snop;
	(pc) =	sbr.ind lr, $3  }
0x3a: {  	_ = 	snop  }
0x3b: {  	_ = 	snop  }
0x3c: {  	p2 =	seq.s32 s10, $0x1;
	s10 =	sld [smem:$0x3FB5]  }
0x3d: {  	_ =	shalt  }
0x3e: {  	_ =	shalt  }
0x3f: {  	_ =	shalt  }
0x40: {  	_ =	shalt  }
0x41: {  	_ =	shalt  }
0x42: {  	_ =	shalt  }
0x43: {  	_ =	shalt  }
0x44: {  	_ =	shalt  }
0x45: {  	_ =	shalt  }
0x46: {  	_ =	shalt  }
0x47: {  	_ =	shalt  }
0x48: {  	_ =	shalt  }
0x49: {  	_ =	shalt  }
0x4a: {  	_ =	shalt  }
0x4b: {  	_ =	shalt  }
0x4c: {  	_ =	shalt  }
0x4d: {  	_ =	shalt  }
0x4e: {  	_ =	shalt  }
0x4f: {  	_ =	shalt  }
0x50: {  	_ =	shalt  }
0x51: {  	_ =	shalt  }
0x52: {  	_ =	shalt  }
0x53: {  	_ =	shalt  }
0x54: {  	_ =	shalt  }
0x55: {  	_ =	shalt  }
0x56: {  	_ =	shalt  }
0x57: {  	_ =	shalt  }
0x58: {  	_ =	shalt  }
0x59: {  	_ =	shalt  }
0x5a: {  	_ =	shalt  }
0x5b: {  	_ =	shalt  }
0x5c: {  	_ =	shalt  }
0x5d: {  	_ =	shalt  }
0x5e: {  	_ =	shalt  }
0x5f: {  	_ =	shalt  }
0x60: {  	_ =	shalt  }
0x61: {  	_ =	shalt  }
0x62: {  	_ =	shalt  }
0x63: {  	_ =	shalt  }
0x64: {  	_ =	shalt  }
0x65: {  	_ =	shalt  }
0x66: {  	_ =	shalt  }
0x67: {  	_ =	shalt  }
0x68: {  	_ =	shalt  }
0x69: {  	_ =	shalt  }
0x6a: {  	_ =	shalt  }
0x6b: {  	_ =	shalt  }
0x6c: {  	_ =	shalt  }
0x6d: {  	_ =	shalt  }
0x6e: {  	_ =	shalt  }
0x6f: {  	_ =	shalt  }
0x70: {  	_ =	shalt  }
0x71: {  	_ =	shalt  }
0x72: {  	_ =	shalt  }
0x73: {  	_ =	shalt  }
0x74: {  	_ =	shalt  }
0x75: {  	_ =	shalt  }
0x76: {  	_ =	shalt  }
0x77: {  	_ =	shalt  }
0x78: {  	_ =	shalt  }
0x79: {  	_ =	shalt  }
0x7a: {  	_ =	shalt  }
0x7b: {  	_ =	shalt  }
0x7c: {  	_ =	shalt  }
0x7d: {  	_ =	shalt  }
0x7e: {  	_ =	shalt  }
0x7f: {  	_ =	shalt  }
0x80: {  	_ =	shalt  }
0x81: {  	_ =	shalt  }
0x82: {  	_ =	shalt  }
0x83: {  	_ =	shalt  }
0x84: {  	_ =	shalt  }
0x85: {  	_ =	shalt  }
0x86: {  	_ =	shalt  }
0x87: {  	_ =	shalt  }
.Lfunc_end0:
.L_simem_size_0:
called_computation_lowered:
.L_overlay_start_0:
0x88: {  	s2 =	sld [smem:$0x3FD9]  }
0x89: {  	s3 =	sld [smem:$0x3FFE];
	_ =	sdelay $0x1  }
0x8a: {  	s1 =	srdreg.scid  }
0x8b: {  	s0 =	sand.u32 $0x1, s1  }
0x8c: {  	s17 =	sshll.u32 s0, $0xA;
	s2 =	sadd.s32 s3, s2  }
0x8d: {  	s2 =	sadd.s32 s2, s17  }
0x8e: {  	[smem:$0x3FC1] =	sst s2  }
0x8f: {  	_ = 	snop  }
0x90: {  	s2 =	sld [smem:$0x3FC7]  }
0x91: {  	s18 =	sld [smem:$0x3FC6]  }
0x92: {  	s4 =	sld [smem:$0x3FC5]  }
0x93: {  	s5 =	sld [smem:$0x3FC4]  }
0x94: {  	s6 =	sld [smem:$0x3FC3]  }
0x95: {  	s7 =	sld [smem:$0x3FD0];
	(tm) =	ssettm $0x1  }
0x96: {  	s8 =	sld [smem:$0x3FFB];
	_ =	sdelay $0x3  }
0x97: {  	_ =	strace s8  }
0x98: {  	s8 =	sld [smem:$0x3FFC];
	_ =	sdelay $0x3  }
0x99: {  	_ =	strace s8  }
0x9a: {  	s8 =	sld [smem:$0x3FFD];
	_ =	sdelay $0x3  }
0x9b: {  	_ =	strace s8  }
0x9c: {  	_ =	strace $0x8FFFFFFF  }
0x9d: {  	s19 =	sld [smem:$0x3FDB];
	_ =	sdelay $0x1  }
0x9e: {  	s9 =	simm.s32 $_scs_section_size  }
0x9f: {  	s10 =	simm.s32 $_size__tile_overlayer_lowered;
	s11 =	simm.s32 $_tile_overlayer_lowered  }
0xa0: {  	s22 =	simm.s32 $0x1BFF;
	s21 =	sshll.u32 s11, $0x1;
	s8 =	sadd.s32 s9, s19  }
0xa1: {  	s12 =	simm.s32 $0x0;
	s20 =	sshll.u32 s10, $0x1;
	s10 =	sadd.s32 s21, s8  }
0xa2: {  	[timem:s12], [sflag:s22] =	dma.local [hbm:s10], s20  }
0xa3: {  	_ =	swait.ge [sflag:s22], s20  }
0xa4: {  	s9 =	ssub.s32 $0x0, s20;
	[sflag:s22] =	ssyncset.done $0x0  }
0xa5: {  	[sflag:s22] =	ssyncadd.s32 s9;
	_ =	sdelay $0x1  }
0xa6: {  	s23 =	simm.s32 $0x1B8B  }
0xa7: {  	_ =	swait.ge [sflag:s23], $0x1  }
0xa8: {  	[sflag:s23] =	ssyncset.done $0x0  }
0xa9: {  	s25 =	simm.s32 $0x1B8E;
	s24 =	sld [smem:$0x3FFE];
	[sflag:s23] =	ssyncadd.s32 $0xFFFFFFFF  }
0xaa: {  	s26 =	simm.s32 $execute0_lowered;
	[smem:$0x3FD2] =	sst s25  }
0xab: {  	s10 =	sshll.u32 s26, $0x1;
	_ =	strace $0x80000046;
	[dreg:$0x1] =	wrdreg $0xFFFFFFFF  }
0xac: {  	s28 =	simm.s32 $_size_execute0_lowered;
	s8 =	sadd.s32 s8, s10;
	[dreg:$0x0] =	wrdreg $0x0  }
0xad: {  	s10 =	sshll.u32 s28, $0x1;
	[dreg:$0x2] =	wrdreg s8  }
0xae: {  	[dreg:$0x3] =	wrdreg s10  }
0xaf: {  	[dreg:$0x4] =	wrdreg $0xC0  }
0xb0: {  	_ =	task [dreg:s12], $0x5FFFF  }
0xb1: {  	[dreg:$0x1] =	wrdreg $0xFFFFFFFF  }
0xb2: {  	[dreg:$0x0] =	wrdreg $0x60  }
0xb3: {  	[dreg:$0x2] =	wrdreg s24  }
0xb4: {  	[dreg:$0x3] =	wrdreg s2  }
0xb5: {  	[dreg:$0x4] =	wrdreg s18  }
0xb6: {  	[dreg:$0x5] =	wrdreg s4  }
0xb7: {  	[dreg:$0x6] =	wrdreg s5  }
0xb8: {  	[dreg:$0x7] =	wrdreg s6  }
0xb9: {  	[dreg:$0x8] =	wrdreg s7  }
0xba: {  	[dreg:$0x9] =	wrdreg $0x9  }
0xbb: {  	_ =	task.clear_ibuf [dreg:s12], $0xAFFFF;
	_ =	strace $0x90000046  }
0xbc: {  	s29 =	simm.s32 $0x9;
	_ =	strace $0x80000048  }
0xbd: {  	_ =	swait.ge [sflag:s29], $0x1  }
0xbe: {  	[sflag:s29] =	ssyncadd.s32 $0xFFFFFFFF  }
0xbf: {  	_ =	strace $0x90000048  }
0xc0: {  	_ =	sfence  }
0xc1: {  	s30 =	sld [smem:$0x0];
	_ =	sdelay $0x2  }
0xc2: {  	s31 =	sshll.u32 s1, $0xD;
	s1 =	sshrl.u32 s1, $0x2  }
0xc3: {  	s3 =	sand.u32 $0x4000, s31;
	s1 =	sadd.s32 s1, s30  }
0xc4: {  	s0 =	sor.u32 s3, s0;
	s1 =	sshll.u32 s1, $0x11  }
0xc5: {  	s0 =	sor.u32 s1, s0  }
0xc6: {  	s0 =	sadd.s32 $0x8F2B, s0  }
0xc7: {  	[sflag:s0] =	ssyncadd.remote.s32 $0x1  }
0xc8: {  	_ =	sfence.sel $0xFFFF  }
0xc9: {  	[dreg:$0x0] =	wrdreg $0xFFFFFFFF;
	(pc) =	sbr.abs _section_cstart, $3  }
0xca: {  	[dreg:$0x1] =	wrdreg $0xFFFFFFFF  }
0xcb: {  	_ =	task.clear_ibuf [dreg:s12], $0x2FFFF;
	_ =	strace $0x9FFFFFFF  }
0xcc: {  	(tm) =	ssettm $0x7FFFFFFF  }
0xcd: {  	_ =	shalt  }
tec
execute0_lowered:
.L_overlay_start_1:
0x0: {  	(tag) =	ssettag $0x1  }
0x1: {  	s1 =	rddreg [dreg:$0x0]  }
0x2: {  	s0 =	rddreg [dreg:$0x1]  }
0x3: {  	s2 =	rddreg [dreg:$0x2];
	s3 =	srdreg.scid  }
0x4: {  	s7 =	rddreg [dreg:$0x3];
	s4 =	stileid.u32;
	s3 =	sand.u32 $0x1, s3  }
0x5: {  	s8 =	simm.s32 $0x0;
	s4 =	sshll.u32 s4, $0x5;
	s5 =	sshll.u32 s3, $0x4  }
0x6: {  	[smem:$0x7FF] =	sst s8;
	s4 =	sor.u32 s5, s4  }
0x7: {  	s10 =	sadd.s32 $0x400, s1;
	[dreg:$0x11] =	wrdreg s4  }
0x8: {  	s11 =	sadd.s32 $0x2400, s1;
	_ =	strace $0x80000047;
	[dreg:$0x12] =	wrdreg s10  }
0x9: {  	s24 =	sadd.s32 $0x20, s7;
	[dreg:$0x13] =	wrdreg s11  }
0xa: {  	s29 =	simm.s32 $0x6E00;
	s25 =	sadd.s32 $0x40, s7;
	[dreg:$0x1c] =	wrdreg s24  }
0xb: {  	s26 =	sadd.s32 $0x60, s7;
	s28 =	sadd.s32 $0x80, s7;
	[dreg:$0x1d] =	wrdreg s25  }
0xc: {  	s30 =	sadd.s32 $0xA0, s7;
	s3 =	ssub.s32 $0x2, s3;
	[dreg:$0x1e] =	wrdreg s26  }
0xd: {  	s13 =	sshrl.u32 s3, $0x1;
	s4 =	sshrl.u32 s4, $0x3;
	[dreg:$0x1f] =	wrdreg s28  }
0xe: {  	s14 =	ssub.s32 s3, s13;
	s17 =	sadd.s32 s10, s4;
	[smem:$0x7FD] =	sst s30  }
0xf: {  	s9 =	smul.u32 $0x1800, s4;
	s18 =	sadd.s32 s11, s4;
	[dreg:$0x15] =	wrdreg s17  }
0x10: {  	s19 =	sor.u32 $0x40, s4;
	s1 =	smax.u32 s14, $0x1;
	[dreg:$0x16] =	wrdreg s18  }
0x11: {  	s20 =	sor.u32 $0x80, s4;
	s21 =	sadd.s32 s10, s19;
	[dreg:$0x1b] =	wrdreg s1  }
0x12: {  	s31 =	simm.s32 $0x7600;
	s22 =	sadd.s32 s10, s20;
	[dreg:$0x17] =	wrdreg s21  }
0x13: {  	s23 =	sadd.s32 s11, s20;
	s6 =	sshrl.u32 s9, $0x3;
	[dreg:$0x19] =	wrdreg s22  }
0x14: {  	v0 =	vlaneseq.u32;
	s15 =	sadd.s32 $0x100, s0;
	[dreg:$0x1a] =	wrdreg s23;
	s2 =	sadd.s32 s2, s6  }
0x15: {  	vm0 =	vmmov $0xffff;
	s16 =	sadd.s32 $0x200, s0;
	v2 =	vshrl.u32 v0, $0x3;
	[dreg:$0x14] =	wrdreg s2;
	s2 =	sadd.s32 s11, s19  }
0x16: {  	v1 =	vand.u32 $0x7, v0;
	v3 =	vor.u32 $0x8, v0;
	v2 =	vmul.u32 $0x8, v2;
	s3 =	simm.s32 $0x0;
	s11 =	simm.s32 $0x19;
	[dreg:$0x18] =	wrdreg s2  }
.LBB2_1:
0x17: {  	[smem:$0x7FC] =	sst s3  }
0x18: {  	s1 =	rddreg [dreg:$0x4];
	s2 =	simm.s32 $0x6800  }
0x19: {  	[tilespmem:s2], [sflag:$0x19] =	stream.linear.gather [hbm4b:s1+s8], $0x300, $0x38;
	[tilespmem:$0x18E00] =	vst v63  }
0x1a: {  	s10 =	simm.s32 $0x6B00;
	_ =	swait.ge [sflag:s11], $0x300  }
0x1b: {  	s13 =	simm.s32 $0x800;
	s14 =	simm.s32 $0x3800;
	[sflag:s11] =	ssyncset.done $0x0  }
0x1c: {  	s19 =	simm.s32 $0x7200;
	s22 =	simm.s32 $0x7A00;
	[sflag:s11] =	ssyncadd.s32 $0xFFFFFD00  }
0x1d: {  	s24 =	simm.s32 $0x7E00;
	s26 =	simm.s32 $0x8200;
	s7 =	rddreg [dreg:$0x5]  }
0x1e: {  	[tilespmem:s10], [sflag:$0x19] =	stream.linear.gather [hbm4b:s7+s8], $0x300, $0x38;
	[tilespmem:$0x18E00] =	vst v63  }
0x1f: {  	s5 =	simm.s32 $0xFFFFFD01;
	s3 =	simm.s32 $0x2;
	_ =	swait.ge [sflag:s11], $0x300  }
0x20: {  	s4 =	simm.s32 $0xFFFFFD02;
	p0 =	por $0x1, $0x1;
	[sflag:s11] =	ssyncset.done $0x0  }
0x21: {  	s6 =	simm.s32 $0x1;
	s12 =	rddreg [dreg:$0x14];
	[sflag:s11] =	ssyncadd.s32 $0xFFFFFD00  }
0x22: {  	[tilespmem:s13], [sflag:$0x19] =	stream.linear.gather [hbm4b:s12+s8], $0x3000, $0x38;
	[tilespmem:$0x18E00] =	vst v63  }
0x23: {  	s1 =	simm.s32 $0x4;
	s2 =	simm.s32 $0x3;
	_ =	swait.ge [sflag:s11], $0x3000  }
0x24: {  	s5 =	smov.u32 @p0 s6;
	s4 =	smov.u32 @p0 s3;
	[sflag:s11] =	ssyncset.done $0x0  }
0x25: {  	s3 =	smulhi.u32 $0xAAAAAAAB, s4;
	s7 =	simm.s32 $0xFFFFFD00;
	[sflag:s11] =	ssyncadd.s32 $0xFFFFD000  }
0x26: {  	[tilespmem:s14], [sflag:$0x19] =	stream.linear.gather [hbm4b:s12+s8], $0x3000, $0x38;
	[tilespmem:$0x18E00] =	vst v63  }
0x27: {  	s10 =	simm.s32 $0xFFFFFD03;
	s6 =	smin.u32 s8, s7;
	_ =	swait.ge [sflag:s11], $0x3000  }
0x28: {  	s10 =	smov.u32 @p0 s2;
	p0 =	por $0x0, $0x0;
	s18 =	rddreg [dreg:$0x1c]  }
0x29: {  	s2 =	smulhi.u32 $0xAAAAAAAB, s10;
	[sflag:s11] =	ssyncset.done $0x0;
	s20 =	rddreg [dreg:$0x1d]  }
0x2a: {  	s13 =	simm.s32 $0x3800;
	s21 =	rddreg [dreg:$0x1e];
	[sflag:s11] =	ssyncadd.s32 $0xFFFFD000  }
0x2b: {  	s7 =	smulhi.u32 $0xAAAAAAAB, s6;
	s13 =	simm.s32 @!p0 $0x800;
	s17 =	rddreg [dreg:$0x3]  }
0x2c: {  	[tilespmem:s29], [sflag:$0x19] =	stream.linear.gather [hbm4b:s17+s8], $0x100, $0x38;
	[tilespmem:$0x18E00] =	vst v63  }
0x2d: {  	s12 =	sshrl.u32 s3, $0x5;
	s14 =	sshrl.u32 s3, $0x8;
	s23 =	rddreg [dreg:$0x1f]  }
0x2e: {  	[tilespmem:s19], [sflag:$0x19] =	stream.linear.gather [hbm4b:s18+s8], $0x100, $0x38;
	[tilespmem:$0x18E00] =	vst v63  }
0x2f: {  	s28 =	smul.u32 $0x30, s12;
	s25 =	sld [smem:$0x7FD];
	s19 =	sshrl.u32 s7, $0x5  }
0x30: {  	s17 =	sshrl.u32 s2, $0x5;
	s18 =	sshrl.u32 s2, $0x8;
	s30 =	smul.u32 $0x30, s19  }
0x31: {  	[tilespmem:s31], [sflag:$0x19] =	stream.linear.gather [hbm4b:s20+s8], $0x100, $0x38;
	[tilespmem:$0x18E00] =	vst v63  }
0x32: {  	s19 =	ssub.s32 s4, s28;
	s18 =	smul.u32 $0x6000, s18;
	s20 =	sshrl.u32 s7, $0x8  }
0x33: {  	s2 =	sshll.u32 s2, $0x2;
	s12 =	sshll.u32 s19, $0x4;
	s20 =	smul.u32 $0x6000, s20  }
0x34: {  	[tilespmem:s22], [sflag:$0x19] =	stream.linear.gather [hbm4b:s21+s8], $0x100, $0x38;
	[tilespmem:$0x18E00] =	vst v63  }
0x35: {  	s21 =	smulhi.u32 $0xAAAAAAAB, s5;
	s22 =	sshll.u32 s3, $0x2;
	s3 =	simm.s32 $0x80  }
0x36: {  	[tilespmem:s24], [sflag:$0x19] =	stream.linear.gather [hbm4b:s23+s8], $0x100, $0x38;
	[tilespmem:$0x18E00] =	vst v63  }
0x37: {  	s3 =	simm.s32 @!p0 $0x0;
	s23 =	sshll.u32 s7, $0x2;
	s28 =	sshrl.u32 s21, $0x8  }
0x38: {  	s24 =	sshrl.u32 s21, $0x5;
	s4 =	sshll.u32 s21, $0x2;
	s21 =	smul.u32 $0x6000, s28  }
0x39: {  	[tilespmem:s26], [sflag:$0x19] =	stream.linear.gather [hbm4b:s25+s8], $0x100, $0x38;
	[tilespmem:$0x18E00] =	vst v63  }
0x3a: {  	s28 =	sshll.u32 s19, $0x7;
	s19 =	sand.u32 $0x380, s23;
	s25 =	smul.u32 $0x6000, s14  }
0x3b: {  	s26 =	smul.u32 $0x30, s24;
	s24 =	ssub.s32 s6, s30;
	s14 =	sshra.s32 s20, $0x2  }
0x3c: {  	s20 =	sand.u32 $0x1C00, s28;
	_ =	swait.ge [sflag:s11], $0x600;
	s28 =	sshll.u32 s24, $0x7  }
0x3d: {  	[sflag:s11] =	ssyncset.done $0x0;
	s30 =	sshra.s32 s25, $0x2;
	s7 =	ssub.s32 s5, s26  }
0x3e: {  	s26 =	sshra.s32 s18, $0x2;
	s25 =	sadd.s32 s30, s13;
	s30 =	smul.u32 $0x30, s17  }
0x3f: {  	s5 =	sand.u32 $0x380, s22;
	s18 =	sadd.s32 s14, s13;
	s23 =	sand.u32 $0x1C00, s28  }
0x40: {  	[sflag:s11] =	ssyncadd.s32 $0xFFFFFA00;
	s6 =	sadd.s32 s26, s13;
	s22 =	ssub.s32 s10, s30  }
0x41: {  	s26 =	sshra.s32 s21, $0x2;
	s21 =	sshll.u32 s24, $0x4;
	s30 =	sshll.u32 s22, $0x4  }
0x42: {  	s17 =	sadd.s32 s26, s13;
	s14 =	sadd.s32 s20, s25;
	s13 =	sand.u32 $0x70, s30  }
.LBB2_2:
0x43: {  	s10 =	sor.u32 s3, s23;
	s24 =	sshll.u32 s7, $0x7;
	s22 =	sshll.u32 s22, $0x7  }
0x44: {  	s7 =	sshll.u32 s7, $0x4;
	s4 =	sand.u32 $0x380, s4;
	s24 =	sand.u32 $0x1C00, s24  }
0x45: {  	s18 =	sadd.s32 s23, s18;
	s20 =	sor.u32 s3, s20;
	s17 =	sadd.s32 s24, s17  }
0x46: {  	s21 =	sand.u32 $0x40, s21;
	s18 =	sor.u32 s19, s18;
	s19 =	sor.u32 s3, s24  }
0x47: {  	s10 =	sor.u32 s21, s10;
	s18 =	sor.u32 s21, s18;
	s4 =	sor.u32 s4, s17  }
0x48: {  	p0 =	slt.u32 s1, $0x5FC;
	s7 =	sand.u32 $0x50, s7;
	v4 =	vld [tilespmem:s10+$0x6E00];
	s10 =	sand.u32 $0x1C00, s22  }
0x49: {  	s2 =	sand.u32 $0x380, s2;
	v5 =	vld [tilespmem:s18+$0x0];
	s6 =	sadd.s32 s10, s6;
	s3 =	sor.u32 s3, s10  }
0x4a: {  	s5 =	sor.u32 s5, s14;
	s10 =	sand.u32 $0x60, s12;
	s2 =	sor.u32 s2, s6  }
0x4b: {  	s5 =	sor.u32 s10, s5;
	s6 =	sor.u32 s10, s20;
	s10 =	sor.u32 s13, s2  }
0x4c: {  	s4 =	sor.u32 s7, s4;
	s3 =	sor.u32 s13, s3;
	s2 =	sor.u32 s7, s19;
	v6 =	vld [tilespmem:s5+$0x0]  }
0x4d: {  	v7 =	vld [tilespmem:s6+$0x6E00];
	s6 =	smov.u32 s1  }
0x4e: {  	s1 =	sadd.s32 $0x4, s1;
	s7 =	sadd.s32 $0x3, s6  }
0x4f: {  	s13 =	sadd.s32 $0xFFFFFD03, s6;
	v4 =	vadd.f32 v4, v5;
	v5 =	vld [tilespmem:s3+$0x6E00];
	s14 =	sadd.s32 $0xFFFFFD01, s6;
	s3 =	sadd.s32 $0x2, s6  }
0x50: {  	s12 =	sadd.s32 $0xFFFFFD02, s6;
	p1 =	slt.u32 s6, $0x300;
	s19 =	sadd.s32 $0x1, s6;
	v8 =	vld [tilespmem:s2+$0x6E00]  }
0x51: {  	s2 =	sadd.s32 $0xFFFFFD00, s6;
	s14 =	smov.u32 @p1 s19;
	s12 =	smov.u32 @p1 s3;
	[tilespmem:s18+$0x0] =	vst v4;
	v4 =	vld [tilespmem:s10+$0x0]  }
0x52: {  	s13 =	smov.u32 @p1 s7;
	s17 =	smin.u32 s6, s2;
	s2 =	smulhi.u32 $0xAAAAAAAB, s12;
	v9 =	vld [tilespmem:s4+$0x0]  }
0x53: {  	s21 =	simm.s32 $0x3800;
	p1 =	sgt.u32 s6, $0x2FF;
	s3 =	smulhi.u32 $0xAAAAAAAB, s13;
	v6 =	vadd.f32 v7, v6  }
0x54: {  	s21 =	simm.s32 @!p1 $0x800;
	s6 =	smulhi.u32 $0xAAAAAAAB, s17  }
0x55: {  	s7 =	sshrl.u32 s2, $0x5;
	s18 =	sshrl.u32 s3, $0x5;
	s19 =	sshrl.u32 s3, $0x8;
	[tilespmem:s5+$0x0] =	vst v6  }
0x56: {  	s23 =	sshll.u32 s2, $0x2;
	s20 =	sshrl.u32 s6, $0x5;
	s5 =	sshrl.u32 s2, $0x8;
	v4 =	vadd.f32 v5, v4  }
0x57: {  	s22 =	sshrl.u32 s6, $0x8;
	s24 =	sshll.u32 s6, $0x2;
	s6 =	smulhi.u32 $0xAAAAAAAB, s14;
	v5 =	vadd.f32 v8, v9  }
0x58: {  	s7 =	smul.u32 $0x30, s7;
	s2 =	sshll.u32 s3, $0x2;
	s3 =	simm.s32 $0x80;
	[tilespmem:s10+$0x0] =	vst v4  }
0x59: {  	s22 =	smul.u32 $0x6000, s22;
	s3 =	simm.s32 @!p1 $0x0;
	[tilespmem:s4+$0x0] =	vst v5  }
0x5a: {  	s25 =	sshrl.u32 s6, $0x8;
	s5 =	smul.u32 $0x6000, s5;
	s10 =	sshrl.u32 s6, $0x5  }
0x5b: {  	s4 =	sshll.u32 s6, $0x2;
	s6 =	ssub.s32 s12, s7;
	s7 =	smul.u32 $0x6000, s19  }
0x5c: {  	s5 =	sshra.s32 s5, $0x2;
	s19 =	smul.u32 $0x6000, s25;
	s12 =	sshll.u32 s6, $0x4  }
0x5d: {  	s20 =	smul.u32 $0x30, s20;
	s25 =	sadd.s32 s5, s21;
	s7 =	sshra.s32 s7, $0x2  }
0x5e: {  	s5 =	sand.u32 $0x380, s23;
	s23 =	smul.u32 $0x30, s18;
	s26 =	sshll.u32 s6, $0x7  }
0x5f: {  	s22 =	sshra.s32 s22, $0x2;
	s6 =	sadd.s32 s7, s21;
	s7 =	smul.u32 $0x30, s10  }
.Ltmp0:
0x60: {  	s18 =	sadd.s32 s22, s21;
	s10 =	sshra.s32 s19, $0x2;
	(pc) =	sbr.rel @p0 .LBB2_2-.Ltmp0, $4  }
0x61: {  	s28 =	ssub.s32 s17, s20;
	s20 =	sand.u32 $0x1C00, s26;
	s19 =	sand.u32 $0x380, s24  }
0x62: {  	s22 =	ssub.s32 s13, s23;
	s17 =	sadd.s32 s10, s21;
	s7 =	ssub.s32 s14, s7  }
0x63: {  	s13 =	sshll.u32 s22, $0x4;
	s10 =	sshll.u32 s28, $0x7;
	s14 =	sadd.s32 s20, s25  }
0x64: {  	s21 =	sshll.u32 s28, $0x4;
	s13 =	sand.u32 $0x70, s13;
	s23 =	sand.u32 $0x1C00, s10  }
0x65: {  	s1 =	sadd.s32 s23, s18;
	s10 =	sor.u32 s3, s23  }
0x66: {  	s23 =	sshll.u32 s7, $0x7;
	s24 =	sshll.u32 s22, $0x7;
	s25 =	sshll.u32 s7, $0x4  }
0x67: {  	s20 =	sor.u32 s3, s20;
	s21 =	sand.u32 $0x40, s21;
	s12 =	sand.u32 $0x60, s12  }
0x68: {  	s5 =	sor.u32 s5, s14;
	s2 =	sand.u32 $0x380, s2;
	s10 =	sor.u32 s21, s10  }
0x69: {  	s4 =	sand.u32 $0x380, s4;
	s1 =	sor.u32 s19, s1;
	s20 =	sor.u32 s12, s20;
	v4 =	vld [tilespmem:s10+$0x6E00]  }
0x6a: {  	s19 =	sand.u32 $0x1C00, s24;
	s18 =	sand.u32 $0x1C00, s23;
	s12 =	sor.u32 s12, s5;
	v5 =	vld [tilespmem:s20+$0x6E00]  }
0x6b: {  	s7 =	sand.u32 $0x50, s25;
	s26 =	sor.u32 s3, s19;
	s1 =	sor.u32 s21, s1;
	v9 =	vld [tilespmem:s12+$0x0]  }
0x6c: {  	s28 =	sor.u32 s3, s18;
	s6 =	sadd.s32 s19, s6;
	s10 =	sor.u32 s13, s26;
	v8 =	vld [tilespmem:s1+$0x0]  }
0x6d: {  	s17 =	sadd.s32 s18, s17;
	s3 =	sor.u32 s7, s28;
	s2 =	sor.u32 s2, s6;
	v6 =	vld [tilespmem:s10+$0x6E00]  }
0x6e: {  	s4 =	sor.u32 s4, s17;
	v7 =	vld [tilespmem:s3+$0x6E00];
	s2 =	sor.u32 s13, s2  }
0x6f: {  	s4 =	sor.u32 s7, s4;
	v10 =	vld [tilespmem:s2+$0x0]  }
0x70: {  	v11 =	vld [tilespmem:s4+$0x0];
	_ =	sdelay $0x1  }
0x71: {  	v4 =	vadd.f32 v4, v8  }
0x72: {  	v5 =	vadd.f32 v5, v9  }
0x73: {  	[tilespmem:s1+$0x0] =	vst v4;
	v4 =	vadd.f32 v6, v10  }
0x74: {  	[tilespmem:s12+$0x0] =	vst v5;
	v5 =	vadd.f32 v7, v11  }
0x75: {  	[tilespmem:s2+$0x0] =	vst v4  }
0x76: {  	[tilespmem:s4+$0x0] =	vst v5  }
0x77: {  	s30 =	simm.s32 $0x0;
	s1 =	rddreg [dreg:$0x15]  }
0x78: {  	[tilespmem:s30], [sflag:$0x19] =	stream.linear.gather [hbm4b:s1+s30], $0x10, $0x38;
	[tilespmem:$0x18E00] =	vst v63  }
0x79: {  	_ =	swait.ge [sflag:s11], $0x10  }
0x7a: {  	[sflag:s11] =	ssyncset.done $0x0  }
0x7b: {  	s17 =	simm.s32 $0x400;
	s14 =	rddreg [dreg:$0x16];
	[sflag:s11] =	ssyncadd.s32 $0xFFFFFFF0  }
0x7c: {  	[tilespmem:s17], [sflag:$0x19] =	stream.linear.gather [hbm4b:s14+s30], $0x10, $0x38;
	[tilespmem:$0x18E00] =	vst v63  }
0x7d: {  	_ =	swait.ge [sflag:s11], $0x10  }
0x7e: {  	[sflag:s11] =	ssyncset.done $0x0  }
0x7f: {  	[sflag:s11] =	ssyncadd.s32 $0xFFFFFFF0  }
0x80: {  	v4 =	vld [tilespmem:$0x0];
	_ =	sdelay $0x4  }
0x81: {  	v5 =	vshrl.u32 v4, $0x3  }
0x82: {  	v5 =	vmul.u32 $0x30, v5  }
0x83: {  	v4 =	vand.u32 $0x7, v4  }
0x84: {  	v4 =	vor.u32 v4, v5  }
0x85: {  	v5 =	vperm.xlane v4, v1;
	_ =	sdelay $0x1  }
0x86: {  	v5 =	vadd.s32 v2, v5;
	_ =	sdelay $0x3  }
0x87: {  	v4 =	vperm.xlane v4, v3  }
0x88: {  	[tilespmem:s29], [sflag:$0x1] =	stream.indirect_vreg.gather [hbm4b:s0+s30], $0x80, v5, vm0, $0xb8;
	[tilespmem:$0x18E00] =	vst v63  }
0x89: {  	v4 =	vadd.s32 v2, v4  }
0x8a: {  	[tilespmem:s31], [sflag:$0x1] =	stream.indirect_vreg.gather [hbm4b:s15+s30], $0x80, v5, vm0, $0xb8;
	[tilespmem:$0x18E00] =	vst v63  }
0x8b: {  	s18 =	simm.s32 $0x7E00  }
0x8c: {  	[tilespmem:s18], [sflag:$0x1] =	stream.indirect_vreg.gather [hbm4b:s16+s30], $0x80, v5, vm0, $0xb8;
	[tilespmem:$0x18E00] =	vst v63  }
0x8d: {  	s19 =	simm.s32 $0x8600  }
0x8e: {  	[tilespmem:s19], [sflag:$0x1] =	stream.indirect_vreg.gather [hbm4b:s0+s30], $0x80, v4, vm0, $0xb8;
	[tilespmem:$0x18E00] =	vst v63  }
0x8f: {  	s20 =	simm.s32 $0x8E00  }
0x90: {  	[tilespmem:s20], [sflag:$0x1] =	stream.indirect_vreg.gather [hbm4b:s15+s30], $0x80, v4, vm0, $0xb8;
	[tilespmem:$0x18E00] =	vst v63  }
0x91: {  	s21 =	simm.s32 $0x9600  }
0x92: {  	[tilespmem:s21], [sflag:$0x1] =	stream.indirect_vreg.gather [hbm4b:s16+s30], $0x80, v4, vm0, $0xb8;
	[tilespmem:$0x18E00] =	vst v63  }
0x93: {  	s23 =	simm.s32 $0x80;
	s22 =	rddreg [dreg:$0x17]  }
0x94: {  	[tilespmem:s23], [sflag:$0xE] =	stream.linear.gather [hbm4b:s22+s30], $0x10, $0x38;
	[tilespmem:$0x18E00] =	vst v63  }
0x95: {  	s25 =	simm.s32 $0x480;
	s24 =	rddreg [dreg:$0x18]  }
0x96: {  	[tilespmem:s25], [sflag:$0x14] =	stream.linear.gather [hbm4b:s24+s30], $0x10, $0x38;
	[tilespmem:$0x18E00] =	vst v63  }
0x97: {  	s28 =	simm.s32 $0x100;
	s26 =	rddreg [dreg:$0x19]  }
0x98: {  	[tilespmem:s28], [sflag:$0xF] =	stream.linear.gather [hbm4b:s26+s30], $0x10, $0x38;
	[tilespmem:$0x18E00] =	vst v63  }
0x99: {  	s29 =	rddreg [dreg:$0x1a];
	s31 =	simm.s32 $0x500  }
0x9a: {  	[tilespmem:s31], [sflag:$0x15] =	stream.linear.gather [hbm4b:s29+s30], $0x10, $0x38;
	[tilespmem:$0x18E00] =	vst v63  }
.LBB2_4:
0x9b: {  	p0 =	seq.s32 s30, $0x7F  }
.Ltmp1:
0x9c: {  	_ = 	snop;
	(pc) =	sbr.rel @p0 .LBB2_6-.Ltmp1, $2  }
0x9d: {  	_ =	sdelay $0x2  }
0x9e: {  	s1 =	smul.u32 $0xAB, s30;
	s13 =	sadd.s32 $0x1, s30  }
0x9f: {  	_ = 	snop  }
0xa0: {  	s2 =	sadd.s32 $0xAB, s1  }
0xa1: {  	s2 =	sshrl.u32 s2, $0xA  }
0xa2: {  	s2 =	sand.u32 $0x3F, s2  }
0xa3: {  	s2 =	smul.u32 $0x6, s2;
	_ =	sdelay $0x1  }
0xa4: {  	s2 =	ssub.s32 s13, s2  }
0xa5: {  	s2 =	sand.u32 $0xFF, s2  }
0xa6: {  	s3 =	sadd.s32 $0xD, s2  }
0xa7: {  	_ =	swait.ge [sflag:s3], $0x10  }
0xa8: {  	[sflag:s3] =	ssyncset.done $0x0  }
0xa9: {  	s24 =	sadd.s32 $0x13, s2;
	[sflag:s3] =	ssyncadd.s32 $0xFFFFFFF0  }
0xaa: {  	_ =	swait.ge [sflag:s24], $0x10  }
0xab: {  	p0 =	slt.u32 s30, $0x5;
	[sflag:s24] =	ssyncset.done $0x0  }
0xac: {  	s3 =	sadd.s32 @!p0 $0x7, s2;
	[sflag:s24] =	ssyncadd.s32 $0xFFFFFFF0  }
0xad: {  	_ =	swait.ge @!p0 [sflag:s3], $0x3000  }
0xae: {  	[sflag:s3] =	ssyncset.done @!p0 $0x0  }
0xaf: {  	s25 =	sshll.u32 s2, $0x7;
	[sflag:s3] =	ssyncadd.s32 @!p0 $0xFFFFD000  }
0xb0: {  	v4 =	vld [tilespmem:s25+$0x0];
	_ =	sdelay $0x4  }
0xb1: {  	v5 =	vshrl.u32 v4, $0x3  }
0xb2: {  	v5 =	vmul.u32 $0x30, v5  }
0xb3: {  	v4 =	vand.u32 $0x7, v4  }
0xb4: {  	v4 =	vor.u32 v4, v5  }
0xb5: {  	v5 =	vperm.xlane v4, v1;
	_ =	sdelay $0x1  }
0xb6: {  	v5 =	vadd.s32 v2, v5  }
0xb7: {  	s26 =	smul.u32 $0xC000, s2;
	_ =	sdelay $0x1  }
0xb8: {  	s3 =	sshrl.u32 s26, $0x2  }
0xb9: {  	s2 =	sadd.s32 $0x1, s2;
	s4 =	sadd.s32 $0x6E00, s3;
	v4 =	vperm.xlane v4, v3  }
0xba: {  	[tilespmem:s4], [sflag:s2] =	stream.indirect_vreg.gather [hbm4b:s0+s8], $0x80, v5, vm0, $0xb8;
	[tilespmem:$0x18E00] =	vst v63  }
0xbb: {  	s28 =	sadd.s32 $0x7600, s3;
	v4 =	vadd.s32 v2, v4  }
0xbc: {  	[tilespmem:s28], [sflag:s2] =	stream.indirect_vreg.gather [hbm4b:s15+s8], $0x80, v5, vm0, $0xb8;
	[tilespmem:$0x18E00] =	vst v63  }
0xbd: {  	p0 =	sgt.u32 s30, $0x7C;
	s29 =	sadd.s32 $0x7E00, s3  }
0xbe: {  	[tilespmem:s29], [sflag:s2] =	stream.indirect_vreg.gather [hbm4b:s16+s8], $0x80, v5, vm0, $0xb8;
	[tilespmem:$0x18E00] =	vst v63  }
0xbf: {  	s31 =	sadd.s32 $0x8600, s3;
	s4 =	sadd.s32 @!p0 $0x3, s30  }
0xc0: {  	[tilespmem:s31], [sflag:s2] =	stream.indirect_vreg.gather [hbm4b:s0+s8], $0x80, v4, vm0, $0xb8;
	[tilespmem:$0x18E00] =	vst v63  }
0xc1: {  	s5 =	sadd.s32 $0x8E00, s3;
	s6 =	smul.u32 @!p0 $0xAB, s4  }
0xc2: {  	[tilespmem:s5], [sflag:s2] =	stream.indirect_vreg.gather [hbm4b:s15+s8], $0x80, v4, vm0, $0xb8;
	[tilespmem:$0x18E00] =	vst v63  }
0xc3: {  	s5 =	sshrl.u32 @!p0 s6, $0xA  }
0xc4: {  	s5 =	sand.u32 @!p0 $0x3F, s5  }
0xc5: {  	s3 =	sadd.s32 $0x9600, s3;
	s5 =	smul.u32 @!p0 $0x6, s5  }
0xc6: {  	[tilespmem:s3], [sflag:s2] =	stream.indirect_vreg.gather [hbm4b:s16+s8], $0x80, v4, vm0, $0xb8;
	[tilespmem:$0x18E00] =	vst v63  }
0xc7: {  	s3 =	sshll.u32 @!p0 s4, $0x9;
	s2 =	ssub.s32 @!p0 s4, s5;
	s4 =	rddreg [dreg:$0x11]  }
0xc8: {  	s7 =	simm.s32 @!p0 $0x0;
	s3 =	sor.u32 @!p0 s4, s3  }
0xc9: {  	s6 =	rddreg [dreg:$0x12];
	s2 =	sand.u32 @!p0 $0xFF, s2;
	s3 =	sshrl.u32 @!p0 s3, $0x3  }
0xca: {  	s4 =	sshll.u32 @!p0 s2, $0x7;
	s5 =	sadd.s32 @!p0 $0xD, s2;
	s6 =	sadd.s32 @!p0 s6, s3  }
0xcb: {  	[tilespmem:s4], [sflag:s5] =	stream.linear.gather @!p0 [hbm4b:s6+s7], $0x10, $0x38;
	[tilespmem:$0x18E00] =	vst v63  }
0xcc: {  	s5 =	rddreg [dreg:$0x13]  }
0xcd: {  	s2 =	sadd.s32 @!p0 $0x13, s2;
	s4 =	sor.u32 @!p0 $0x400, s4;
	s3 =	sadd.s32 @!p0 s5, s3  }
0xce: {  	[tilespmem:s4], [sflag:s2] =	stream.linear.gather @!p0 [hbm4b:s3+s7], $0x10, $0x38;
	[tilespmem:$0x18E00] =	vst v63  }
.LBB2_6:
0xcf: {  	_ = 	snop  }
0xd0: {  	s1 =	sshrl.u32 s1, $0xA  }
0xd1: {  	s1 =	sand.u32 $0x3F, s1  }
0xd2: {  	s1 =	smul.u32 $0x6, s1;
	_ =	sdelay $0x1  }
0xd3: {  	s1 =	ssub.s32 s30, s1  }
0xd4: {  	s14 =	sand.u32 $0xFF, s1  }
0xd5: {  	s1 =	sadd.s32 $0x1, s14  }
0xd6: {  	_ =	swait.ge [sflag:s1], $0x3000  }
0xd7: {  	[sflag:s1] =	ssyncset.done $0x0  }
0xd8: {  	s29 =	sshll.u32 s14, $0x7;
	[sflag:s1] =	ssyncadd.s32 $0xFFFFD000  }
0xd9: {  	v4 =	vld [tilespmem:s29+$0x400];
	_ =	sdelay $0x1  }
0xda: {  	s31 =	smul.u32 $0xC000, s14;
	_ =	sdelay $0x1  }
0xdb: {  	s18 =	simm.s32 $0x0;
	s1 =	sshrl.u32 s31, $0x2  }
0xdc: {  	p1 =	por $0x1, $0x1;
	s19 =	simm.s32 $0x0;
	s17 =	sadd.s32 $0x6E00, s1;
	v4 =	vxor.u32 $0x80000000, v4  }
.LBB2_7:
0xdd: {  	s1 =	sshll.u32 s19, $0x3  }
0xde: {  	v5 =	vmov s1;
	s2 =	sor.u32 $0x1, s1  }
0xdf: {  	s20 =	sor.u32 $0x2, s1;
	vm1 =	veq.s32 v5, v0;
	v5 =	vmov s2  }
0xe0: {  	s21 =	sor.u32 $0x3, s1;
	v6 =	vnsel vm1, $0x80000000, v4;
	vm1 =	veq.s32 v5, v0;
	v5 =	vmov s20  }
0xe1: {  	s22 =	sor.u32 $0x4, s1;
	(xrf0) =	vmax.scan.msk.u32 $0xffff, v6;
	v6 =	vnsel vm1, $0x80000000, v4;
	vm1 =	veq.s32 v5, v0;
	v5 =	vmov s21  }
0xe2: {  	s23 =	sor.u32 $0x5, s1;
	(xrf0) =	vmax.scan.msk.u32 $0xffff, v6;
	v6 =	vnsel vm1, $0x80000000, v4;
	vm1 =	veq.s32 v5, v0;
	v5 =	vmov s22  }
0xe3: {  	(xrf0) =	vmax.scan.msk.u32 $0xffff, v6;
	v6 =	vnsel vm1, $0x80000000, v4;
	vm1 =	veq.s32 v5, v0;
	v5 =	vmov s23  }
0xe4: {  	(xrf0) =	vmax.scan.msk.u32 $0xffff, v6;
	v6 =	vnsel vm1, $0x80000000, v4;
	vm1 =	veq.s32 v5, v0  }
0xe5: {  	v5 =	vnsel vm1, $0x80000000, v4  }
0xe6: {  	s1 =	sor.u32 $0x6, s1;
	(xrf0) =	vmax.scan.msk.u32 $0xffff, v6  }
0xe7: {  	v6 =	vmov s1;
	(xrf0) =	vmax.scan.msk.u32 $0xffff, v5  }
0xe8: {  	vm1 =	veq.s32 v6, v0;
	v5, _, _ =	vpop (xrf0)  }
0xe9: {  	v6 =	vnsel vm1, $0x80000000, v4;
	v7, _, _ =	vpop (xrf0);
	(v2sf) =	vpush v5, $0xF  }
0xea: {  	v5, _, _ =	vpop (xrf0);
	(v2sf) =	vpush v7, $0xF  }
0xeb: {  	(xrf0) =	vmax.scan.msk.u32 $0xffff, v6;
	(v2sf) =	vpush v5, $0xF;
	v5, _, _ =	vpop (xrf0)  }
0xec: {  	v6, _, _ =	vpop (xrf0);
	(v2sf) =	vpush v5, $0xF  }
0xed: {  	s24 =	sshllo.u32 s19, $0x3;
	v5, _, _ =	vpop (xrf0);
	(v2sf) =	vpush v6, $0xF  }
0xee: {  	(v2sf) =	vpush v5, $0xF;
	v5 =	vmov s24  }
0xef: {  	vm1 =	veq.s32 v5, v0  }
0xf0: {  	v5 =	vnsel vm1, $0x80000000, v4  }
0xf1: {  	v6, _, _ =	vpop (xrf0);
	(xrf0) =	vmax.scan.msk.u32 $0xffff, v5  }
0xf2: {  	(v2sf) =	vpush v6, $0xF;
	_ =	sdelay $0x4  }
0xf3: {  	v5, _, _ =	vpop (xrf0)  }
0xf4: {  	s25 =	spop (v2sf);
	(v2sf) =	vpush v5, $0xF  }
0xf5: {  	s4 =	smul.u32 $0x1800, s19;
	_ =	sdelay $0x1  }
0xf6: {  	s10 =	sadd.s32 s4, s17;
	s26 =	spop (v2sf);
	s1 =	smul.u32 $0xC000, s25  }
0xf7: {  	[dreg:$0x8] =	wrdreg s10;
	s3 =	spop (v2sf)  }
0xf8: {  	s2 =	smul.u32 $0xC000, s26;
	s5 =	spop (v2sf);
	s1 =	sshra.s32 s1, $0x2  }
0xf9: {  	s3 =	smul.u32 $0xC000, s3;
	s6 =	spop (v2sf);
	s1 =	sadd.s32 s4, s1  }
0xfa: {  	s2 =	sshra.s32 s2, $0x2;
	s5 =	smul.u32 $0xC000, s5;
	s7 =	spop (v2sf)  }
0xfb: {  	s1 =	sadd.s32 $0x800, s1;
	s2 =	sadd.s32 s4, s2;
	s12 =	smul.u32 $0xC000, s6  }
0xfc: {  	s11 =	sshra.s32 s3, $0x2;
	[dreg:$0x9] =	wrdreg s1;
	s10 =	spop (v2sf)  }
0xfd: {  	s2 =	sadd.s32 $0x800, s2;
	s20 =	smul.u32 $0xC000, s7;
	s7 =	rddreg [dreg:$0x8]  }
0xfe: {  	s1 =	sadd.s32 s4, s11;
	[dreg:$0xa] =	wrdreg s2;
	s2 =	sshra.s32 s5, $0x2  }
0xff: {  	s1 =	sadd.s32 $0x800, s1;
	s25 =	smul.u32 $0xC000, s10;
	s10 =	rddreg [dreg:$0x9]  }
0x100: {  	s22 =	sshra.s32 s12, $0x2;
	s2 =	sadd.s32 s4, s2;
	[dreg:$0xb] =	wrdreg s1  }
0x101: {  	s23 =	sadd.s32 s4, s22;
	s24 =	sshra.s32 s20, $0x2;
	s21 =	sadd.s32 $0x800, s2  }
0x102: {  	s1 =	sadd.s32 $0x800, s23;
	s2 =	sadd.s32 s4, s24;
	s26 =	spop (v2sf)  }
0x103: {  	s3 =	sshra.s32 s25, $0x2;
	[dreg:$0xc] =	wrdreg s21;
	s6 =	smul.u32 $0xC000, s26  }
0x104: {  	[dreg:$0xd] =	wrdreg s1;
	s2 =	sadd.s32 $0x800, s2;
	s1 =	sadd.s32 s4, s3  }
0x105: {  	[dreg:$0xe] =	wrdreg s2;
	s1 =	sadd.s32 $0x800, s1;
	s2 =	sshra.s32 s6, $0x2  }
0x106: {  	[dreg:$0xf] =	wrdreg s1;
	s11 =	sadd.s32 s4, s2;
	s2 =	sand.u32 $0x1C00, s18  }
0x107: {  	s1 =	sand.u32 $0x70, s18;
	s4 =	sadd.s32 $0x800, s11;
	s3 =	sadd.s32 s2, s7  }
0x108: {  	s12 =	sadd.s32 s2, s10;
	[dreg:$0x10] =	wrdreg s4;
	s20 =	sadd.s32 s1, s3  }
0x109: {  	s3 =	sadd.s32 s1, s12;
	v5 =	vld [tilespmem:s20+$0x0]  }
0x10a: {  	v6 =	vld [tilespmem:s3+$0x0];
	_ =	sdelay $0x4  }
0x10b: {  	s21 =	rddreg [dreg:$0xa];
	v5 =	vadd.f32 v6, v5  }
0x10c: {  	s3 =	sadd.s32 s2, s21  }
0x10d: {  	s3 =	sadd.s32 s1, s3;
	v6 =	vld [tilespmem:s20+$0x80];
	[tilespmem:s20+$0x0] =	vst v5  }
0x10e: {  	v7 =	vld [tilespmem:s3+$0x80]  }
0x10f: {  	s22 =	rddreg [dreg:$0x8];
	s24 =	simm.s32 $0x80  }
0x110: {  	s23 =	rddreg [dreg:$0x9];
	s25 =	simm.s32 $0x10;
	s31 =	sand.u32 $0x1C00, s24  }
0x111: {  	s28 =	sand.u32 $0x70, s25;
	s6 =	sadd.s32 s31, s23;
	s3 =	sadd.s32 s31, s22  }
0x112: {  	s21 =	sadd.s32 s28, s3;
	s3 =	sadd.s32 s28, s6  }
0x113: {  	s26 =	rddreg [dreg:$0xb];
	v9 =	vld [tilespmem:s3+$0x0];
	v7 =	vadd.f32 v7, v6  }
0x114: {  	s7 =	sadd.s32 s2, s26;
	v6 =	vld [tilespmem:s21+$0x0]  }
0x115: {  	v8 =	vld [tilespmem:s20+$0x100];
	s10 =	sadd.s32 s1, s7;
	[tilespmem:s20+$0x80] =	vst v7  }
0x116: {  	v10 =	vld [tilespmem:s10+$0x100];
	_ =	sdelay $0x2  }
0x117: {  	s11 =	rddreg [dreg:$0xa];
	v9 =	vadd.f32 v9, v6  }
0x118: {  	s3 =	sadd.s32 s31, s11  }
0x119: {  	s3 =	sadd.s32 s28, s3;
	s12 =	rddreg [dreg:$0xc];
	[tilespmem:s21+$0x0] =	vst v9;
	v8 =	vadd.f32 v10, v8;
	v10 =	vld [tilespmem:s21+$0x80]  }
0x11a: {  	s4 =	sadd.s32 s2, s12;
	v11 =	vld [tilespmem:s3+$0x80]  }
0x11b: {  	v6 =	vld [tilespmem:s20+$0x180];
	s22 =	sadd.s32 s1, s4;
	[tilespmem:s20+$0x100] =	vst v8  }
0x11c: {  	s6 =	simm.s32 $0x100;
	v12 =	vld [tilespmem:s22+$0x180]  }
0x11d: {  	s23 =	rddreg [dreg:$0x8];
	s7 =	simm.s32 $0x20;
	s26 =	sand.u32 $0x1C00, s6  }
0x11e: {  	s24 =	rddreg [dreg:$0x9];
	s25 =	sand.u32 $0x70, s7;
	s4 =	sadd.s32 s26, s23  }
0x11f: {  	v13 =	vld [tilespmem:s21+$0x100];
	s10 =	rddreg [dreg:$0xb];
	s3 =	sadd.s32 s26, s24;
	s22 =	sadd.s32 s25, s4;
	v10 =	vadd.f32 v11, v10  }
0x120: {  	s3 =	sadd.s32 s25, s3;
	s12 =	sadd.s32 s31, s10;
	v11 =	vld [tilespmem:s22+$0x0]  }
0x121: {  	s23 =	sadd.s32 s28, s12;
	s11 =	rddreg [dreg:$0xd];
	[tilespmem:s21+$0x80] =	vst v10;
	v12 =	vadd.f32 v12, v6;
	v6 =	vld [tilespmem:s3+$0x0]  }
0x122: {  	s24 =	sadd.s32 s2, s11;
	v15 =	vld [tilespmem:s23+$0x100]  }
0x123: {  	v14 =	vld [tilespmem:s20+$0x200];
	s4 =	sadd.s32 s1, s24;
	[tilespmem:s20+$0x180] =	vst v12  }
0x124: {  	v16 =	vld [tilespmem:s4+$0x200];
	_ =	sdelay $0x1  }
0x125: {  	s5 =	rddreg [dreg:$0xa];
	v11 =	vadd.f32 v6, v11  }
0x126: {  	v18 =	vld [tilespmem:s22+$0x80];
	s6 =	rddreg [dreg:$0xc];
	s3 =	sadd.s32 s26, s5;
	v13 =	vadd.f32 v15, v13  }
0x127: {  	v19 =	vmul.f32 v5, v5;
	s3 =	sadd.s32 s25, s3;
	s4 =	sadd.s32 s31, s6;
	v15 =	vld [tilespmem:s21+$0x180];
	[tilespmem:s22+$0x0] =	vst v11  }
0x128: {  	s7 =	rddreg [dreg:$0xe];
	s10 =	sadd.s32 s28, s4;
	v6 =	vimm.f32 $0.0e+00;
	[tilespmem:s21+$0x100] =	vst v13;
	v14 =	vadd.f32 v16, v14;
	v16 =	vld [tilespmem:s3+$0x80]  }
0x129: {  	v21 =	vmul.f32 v7, v7;
	s23 =	rddreg [dreg:$0x8];
	s11 =	sadd.s32 s2, s7;
	s7 =	simm.s32 $0x180;
	v5 =	vadd.f32 v5, v6;
	v19 =	vadd.f32 v19, v6;
	v20 =	vld [tilespmem:s10+$0x180]  }
0x12a: {  	v17 =	vld [tilespmem:s20+$0x280];
	v24 =	vmul.f32 v8, v8;
	s12 =	sadd.s32 s1, s11;
	v7 =	vadd.f32 v7, v6;
	v8 =	vadd.f32 v8, v6;
	s10 =	simm.s32 $0x30;
	s3 =	sand.u32 $0x1C00, s7;
	[tilespmem:s20+$0x200] =	vst v14  }
0x12b: {  	s24 =	rddreg [dreg:$0x9];
	v21 =	vadd.f32 v21, v6;
	v5 =	vadd.f32 v9, v5;
	v9 =	vmul.f32 v9, v9;
	s4 =	sand.u32 $0x70, s10;
	s5 =	sadd.s32 s3, s23;
	v22 =	vld [tilespmem:s12+$0x280]  }
0x12c: {  	v25 =	vld [tilespmem:s21+$0x200];
	v7 =	vadd.f32 v10, v7;
	v8 =	vadd.f32 v13, v8;
	s24 =	sadd.s32 s3, s24;
	s23 =	sadd.s32 s4, s5  }
0x12d: {  	s11 =	rddreg [dreg:$0xb];
	s5 =	sadd.s32 s4, s24;
	v9 =	vadd.f32 v9, v19;
	v26 =	vld [tilespmem:s23+$0x0];
	v16 =	vadd.f32 v16, v18  }
0x12e: {  	v27 =	vmul.f32 v10, v10;
	s7 =	sadd.s32 s26, s11;
	v19 =	vadd.f32 v24, v6;
	s12 =	rddreg [dreg:$0xd];
	v24 =	vld [tilespmem:s5+$0x0];
	v15 =	vadd.f32 v20, v15  }
0x12f: {  	v13 =	vmul.f32 v13, v13;
	s11 =	sadd.s32 s25, s7;
	v30 =	vadd.f32 v14, v6;
	v14 =	vmul.f32 v14, v14;
	s12 =	sadd.s32 s31, s12;
	v18 =	vld [tilespmem:s22+$0x100];
	[tilespmem:s22+$0x80] =	vst v16  }
0x130: {  	v21 =	vadd.f32 v27, v21;
	v20 =	vmul.f32 v12, v12;
	s24 =	sadd.s32 s28, s12;
	[tilespmem:s21+$0x180] =	vst v15;
	v10 =	vadd.f32 v22, v17;
	v17 =	vld [tilespmem:s11+$0x100]  }
0x131: {  	v31 =	vadd.f32 v13, v19;
	v32 =	vadd.f32 v14, v6;
	v28 =	vld [tilespmem:s24+$0x200]  }
0x132: {  	s6 =	rddreg [dreg:$0xf];
	v12 =	vadd.f32 v12, v6;
	v20 =	vadd.f32 v20, v6;
	v22 =	vmul.f32 v11, v11  }
0x133: {  	v23 =	vld [tilespmem:s20+$0x300];
	s6 =	sadd.s32 s2, s6;
	v7 =	vadd.f32 v16, v7;
	v11 =	vadd.f32 v11, v5  }
0x134: {  	v33 =	vld [tilespmem:s23+$0x80];
	s7 =	sadd.s32 s1, s6;
	v14 =	vmul.f32 v15, v15;
	v26 =	vadd.f32 v24, v26;
	[tilespmem:s20+$0x280] =	vst v10;
	v9 =	vadd.f32 v22, v9  }
0x135: {  	v27 =	vld [tilespmem:s7+$0x300];
	v13 =	vadd.f32 v17, v18;
	v17 =	vadd.f32 v15, v12;
	v12 =	vmul.f32 v10, v10  }
0x136: {  	s10 =	rddreg [dreg:$0xa];
	v16 =	vmul.f32 v16, v16;
	v5 =	vld [tilespmem:s20+$0x380];
	v19 =	vadd.f32 v10, v6;
	v25 =	vadd.f32 v28, v25  }
0x137: {  	s29 =	rddreg [dreg:$0x9];
	s6 =	sadd.s32 s3, s10;
	v24 =	vld [tilespmem:s22+$0x180];
	v18 =	vadd.f32 v14, v20;
	v10 =	vmul.f32 v26, v26;
	v15 =	vadd.f32 v12, v6  }
0x138: {  	s6 =	sadd.s32 s4, s6;
	s11 =	rddreg [dreg:$0xc];
	v22 =	vld [tilespmem:s21+$0x280];
	[tilespmem:s23+$0x0] =	vst v26;
	v12 =	vadd.f32 v16, v21;
	v16 =	vadd.f32 v26, v11  }
0x139: {  	p0 =	por p1, p1;
	s12 =	rddreg [dreg:$0xe];
	s5 =	sadd.s32 s26, s11;
	v34 =	vld [tilespmem:s6+$0x80];
	[tilespmem:s22+$0x100] =	vst v13;
	v11 =	vmul.f32 v13, v13;
	v14 =	vadd.f32 v13, v8;
	v20 =	vadd.f32 v10, v9  }
0x13a: {  	s5 =	sadd.s32 s25, s5;
	s24 =	rddreg [dreg:$0x10];
	s7 =	sadd.s32 s31, s12;
	[tilespmem:s21+$0x200] =	vst v25;
	v10 =	vmul.f32 v25, v25;
	v13 =	vadd.f32 v25, v30;
	v25 =	vld [tilespmem:s22+$0x200];
	v35 =	vadd.f32 v27, v23  }
0x13b: {  	s11 =	rddreg [dreg:$0x8];
	s6 =	sadd.s32 s28, s7;
	s2 =	sadd.s32 s2, s24;
	v29 =	vld [tilespmem:s5+$0x180]  }
0x13c: {  	s12 =	simm.s32 $0x200;
	s7 =	rddreg [dreg:$0xb];
	s1 =	sadd.s32 s1, s2;
	v27 =	vld [tilespmem:s6+$0x280];
	[tilespmem:s20+$0x300] =	vst v35  }
0x13d: {  	s24 =	simm.s32 $0x40;
	s5 =	rddreg [dreg:$0xf];
	v8 =	vadd.f32 v11, v31;
	v11 =	vmul.f32 v35, v35;
	v28 =	vld [tilespmem:s1+$0x380];
	s1 =	sand.u32 $0x1C00, s12  }
0x13e: {  	s2 =	sand.u32 $0x70, s24;
	v30 =	vld [tilespmem:s23+$0x100];
	s6 =	rddreg [dreg:$0xd];
	v26 =	vadd.f32 v34, v33;
	v10 =	vadd.f32 v10, v32;
	s10 =	sadd.s32 s1, s11  }
0x13f: {  	v21 =	vimm.f32 $0.0e+00;
	v23 =	vld [tilespmem:s21+$0x300];
	v9 =	vadd.f32 v35, v6;
	v11 =	vadd.f32 v11, v6;
	s24 =	sadd.s32 s2, s10;
	s10 =	sadd.s32 s1, s29;
	s29 =	simm.s32 $0x50  }
.LBB2_8:
0x140: {  	v31 =	vld [tilespmem:s24+$0x0];
	s10 =	sadd.s32 s2, s10;
	s7 =	sadd.s32 s3, s7;
	v24 =	vadd.f32 v29, v24  }
0x141: {  	p1 =	sne.s32 s29, $0x2F0;
	s11 =	sadd.s32 s26, s6;
	s7 =	sadd.s32 s4, s7;
	v29 =	vld [tilespmem:s10+$0x0];
	[tilespmem:s23+$0x80] =	vst v26;
	v22 =	vadd.f32 v27, v22  }
0x142: {  	s6 =	smov.u32 s3;
	s5 =	sadd.s32 s31, s5;
	v32 =	vmul.f32 v26, v26;
	v7 =	vadd.f32 v26, v7;
	v5 =	vadd.f32 v28, v5;
	s10 =	sadd.s32 s25, s11;
	v26 =	vld [tilespmem:s7+$0x100];
	[tilespmem:s22+$0x180] =	vst v24  }
0x143: {  	s3 =	smov.u32 s1;
	s11 =	sadd.s32 s28, s5;
	s5 =	rddreg [dreg:$0xa];
	v27 =	vld [tilespmem:s10+$0x200];
	[tilespmem:s21+$0x280] =	vst v22  }
0x144: {  	s7 =	smov.u32 s28;
	s28 =	smov.u32 s25;
	s25 =	smov.u32 s4;
	v17 =	vadd.f32 v24, v17;
	v24 =	vmul.f32 v24, v24;
	v28 =	vmul.f32 v22, v22;
	v34 =	vld [tilespmem:s11+$0x300];
	[tilespmem:s20+$0x380] =	vst v5  }
0x145: {  	s4 =	smov.u32 s2;
	v6 =	vadd.f32 v5, v6;
	v33 =	vmul.f32 v5, v5;
	v19 =	vadd.f32 v22, v19;
	s20 =	smov.u32 s21;
	v5 =	vld [tilespmem:s21+$0x380];
	s21 =	smov.u32 s22  }
0x146: {  	s5 =	sadd.s32 s3, s5;
	s10 =	rddreg [dreg:$0xc];
	v15 =	vadd.f32 v28, v15;
	v28 =	vadd.f32 v29, v31;
	s22 =	smov.u32 s23;
	v22 =	vld [tilespmem:s21+$0x280]  }
0x147: {  	s5 =	sadd.s32 s4, s5;
	v18 =	vadd.f32 v24, v18;
	s11 =	rddreg [dreg:$0xe];
	s23 =	smov.u32 s24;
	v26 =	vadd.f32 v26, v30;
	v24 =	vld [tilespmem:s22+$0x180]  }
0x148: {  	s1 =	sadd.s32 s6, s10;
	s10 =	rddreg [dreg:$0x8];
	s2 =	sadd.s32 s26, s11;
	v30 =	vld [tilespmem:s23+$0x80];
	[tilespmem:s23+$0x0] =	vst v28;
	v25 =	vadd.f32 v27, v25  }
0x149: {  	s24 =	rddreg [dreg:$0x10];
	s1 =	sadd.s32 s25, s1;
	s2 =	sadd.s32 s28, s2;
	v31 =	vld [tilespmem:s5+$0x80];
	[tilespmem:s22+$0x100] =	vst v26;
	v23 =	vadd.f32 v34, v23  }
0x14a: {  	s11 =	sadd.s32 s31, s24;
	s31 =	smov.u32 s26;
	s26 =	smov.u32 s6;
	v16 =	vadd.f32 v28, v16;
	v28 =	vmul.f32 v28, v28;
	v29 =	vld [tilespmem:s1+$0x180];
	[tilespmem:s21+$0x200] =	vst v25  }
.Ltmp2:
0x14b: {  	v12 =	vadd.f32 v32, v12;
	s6 =	rddreg [dreg:$0xd];
	s24 =	sadd.s32 s7, s11;
	v14 =	vadd.f32 v26, v14;
	v26 =	vmul.f32 v26, v26;
	v27 =	vld [tilespmem:s2+$0x280];
	[tilespmem:s20+$0x300] =	vst v23;
	(pc) =	sbr.rel @p1 .LBB2_8-.Ltmp2, $4  }
0x14c: {  	s12 =	sadd.s32 $0x80, s12;
	s11 =	rddreg [dreg:$0x9];
	v20 =	vadd.f32 v28, v20;
	v13 =	vadd.f32 v25, v13;
	v25 =	vmul.f32 v25, v25;
	v28 =	vld [tilespmem:s24+$0x380]  }
0x14d: {  	s7 =	rddreg [dreg:$0xb];
	s1 =	sand.u32 $0x1C00, s12;
	v8 =	vadd.f32 v26, v8;
	v9 =	vadd.f32 v23, v9;
	v26 =	vmul.f32 v23, v23;
	v23 =	vld [tilespmem:s21+$0x300]  }
0x14e: {  	v21 =	vadd.f32 v33, v21;
	s5 =	rddreg [dreg:$0xf];
	s10 =	sadd.s32 s1, s10;
	s2 =	sand.u32 $0x70, s29;
	v10 =	vadd.f32 v25, v10;
	v25 =	vld [tilespmem:s22+$0x200]  }
0x14f: {  	s29 =	sadd.s32 $0x10, s29;
	s24 =	sadd.s32 s2, s10;
	s10 =	sadd.s32 s1, s11;
	v11 =	vadd.f32 v26, v11;
	v26 =	vadd.f32 v31, v30;
	v30 =	vld [tilespmem:s23+$0x100]  }
0x150: {  	v31 =	vld [tilespmem:s24+$0x0];
	s10 =	sadd.s32 s2, s10  }
0x151: {  	v32 =	vld [tilespmem:s10+$0x0];
	_ =	sdelay $0x4  }
0x152: {  	s12 =	rddreg [dreg:$0xa];
	v31 =	vadd.f32 v32, v31  }
0x153: {  	s10 =	sadd.s32 s1, s12  }
0x154: {  	v47 =	vld [tilespmem:s24+$0x80];
	s10 =	sadd.s32 s2, s10;
	[tilespmem:s24+$0x0] =	vst v31  }
0x155: {  	v33 =	vld [tilespmem:s10+$0x80];
	_ =	sdelay $0x1  }
0x156: {  	s7 =	sadd.s32 s3, s7  }
0x157: {  	[tilespmem:s23+$0x80] =	vst v26;
	s7 =	sadd.s32 s4, s7  }
0x158: {  	v34 =	vld [tilespmem:s7+$0x100]  }
0x159: {  	s29 =	rddreg [dreg:$0xb];
	v32 =	vadd.f32 v33, v47  }
0x15a: {  	s10 =	sadd.s32 s1, s29  }
0x15b: {  	v48 =	vld [tilespmem:s24+$0x100];
	v24 =	vadd.f32 v29, v24;
	s7 =	sadd.s32 s2, s10;
	[tilespmem:s24+$0x80] =	vst v32  }
0x15c: {  	s6 =	sadd.s32 s26, s6;
	v35 =	vld [tilespmem:s7+$0x100]  }
0x15d: {  	s6 =	sadd.s32 s25, s6;
	s11 =	rddreg [dreg:$0xc];
	[tilespmem:s22+$0x180] =	vst v24;
	v29 =	vadd.f32 v34, v30  }
0x15e: {  	s12 =	sadd.s32 s3, s11;
	v49 =	vld [tilespmem:s6+$0x200]  }
0x15f: {  	v30 =	vld [tilespmem:s23+$0x180];
	[tilespmem:s23+$0x100] =	vst v29;
	s7 =	sadd.s32 s4, s12  }
0x160: {  	v36 =	vld [tilespmem:s7+$0x180]  }
0x161: {  	s29 =	rddreg [dreg:$0xc];
	v33 =	vadd.f32 v35, v48  }
0x162: {  	v22 =	vadd.f32 v27, v22;
	v27 =	vld [tilespmem:s24+$0x180];
	s11 =	sadd.s32 s1, s29  }
0x163: {  	v51 =	vld [tilespmem:s22+$0x280];
	s6 =	sadd.s32 s2, s11;
	[tilespmem:s24+$0x100] =	vst v33  }
0x164: {  	s5 =	sadd.s32 s31, s5;
	v25 =	vadd.f32 v49, v25;
	s12 =	rddreg [dreg:$0xe];
	v50 =	vld [tilespmem:s6+$0x180]  }
0x165: {  	v52 =	vld [tilespmem:s23+$0x200];
	s5 =	sadd.s32 s28, s5;
	[tilespmem:s21+$0x280] =	vst v22;
	s29 =	rddreg [dreg:$0xd];
	s11 =	sadd.s32 s26, s12;
	v30 =	vadd.f32 v36, v30  }
0x166: {  	v5 =	vadd.f32 v28, v5;
	v7 =	vadd.f32 v26, v7;
	v26 =	vmul.f32 v26, v26;
	v37 =	vld [tilespmem:s5+$0x300];
	[tilespmem:s22+$0x200] =	vst v25;
	s12 =	sadd.s32 s3, s29;
	s5 =	sadd.s32 s25, s11  }
0x167: {  	v28 =	vmul.f32 v24, v24;
	v17 =	vadd.f32 v24, v17;
	v19 =	vadd.f32 v22, v19;
	s11 =	sadd.s32 s4, s12;
	v38 =	vld [tilespmem:s5+$0x280];
	[tilespmem:s23+$0x180] =	vst v30  }
0x168: {  	v24 =	vmul.f32 v22, v22;
	v6 =	vadd.f32 v5, v6;
	v12 =	vadd.f32 v26, v12;
	v53 =	vld [tilespmem:s11+$0x200]  }
0x169: {  	v54 =	vld [tilespmem:s24+$0x200];
	v18 =	vadd.f32 v28, v18;
	v22 =	vmul.f32 v31, v31;
	s29 =	rddreg [dreg:$0xd];
	v27 =	vadd.f32 v50, v27  }
0x16a: {  	v26 =	vld [tilespmem:s23+$0x280];
	v28 =	vmul.f32 v5, v5;
	v15 =	vadd.f32 v24, v15;
	v16 =	vadd.f32 v31, v16;
	s12 =	sadd.s32 s1, s29  }
0x16b: {  	v24 =	vld [tilespmem:s21+$0x380];
	v23 =	vadd.f32 v37, v23;
	v20 =	vadd.f32 v22, v20;
	s10 =	rddreg [dreg:$0x10];
	s5 =	sadd.s32 s2, s12;
	[tilespmem:s24+$0x180] =	vst v27  }
0x16c: {  	v21 =	vadd.f32 v28, v21;
	(xrf2) =	vadd.scan.msk.f32 $0xffff, v16;
	s29 =	rddreg [dreg:$0xf];
	s11 =	sadd.s32 s31, s10;
	v28 =	vadd.f32 v38, v51;
	v22 =	vld [tilespmem:s5+$0x200]  }
0x16d: {  	v16 =	vld [tilespmem:s22+$0x300];
	[tilespmem:s21+$0x300] =	vst v23;
	(xrf2) =	vadd.scan.msk.f32 $0xffff, v20;
	v20 =	vmul.f32 v29, v29;
	s7 =	sadd.s32 s28, s11;
	s12 =	rddreg [dreg:$0xe];
	s28 =	sadd.s32 s26, s29;
	v55 =	vadd.f32 v53, v52  }
0x16e: {  	v14 =	vadd.f32 v29, v14;
	v13 =	vadd.f32 v25, v13;
	v29 =	vmul.f32 v32, v32;
	v31 =	vld [tilespmem:s7+$0x380];
	[tilespmem:s22+$0x280] =	vst v28;
	s29 =	sadd.s32 s3, s12;
	s5 =	sadd.s32 s25, s28  }
0x16f: {  	v20 =	vadd.f32 v20, v8;
	v7 =	vadd.f32 v32, v7;
	s6 =	sadd.s32 s4, s29;
	[tilespmem:s23+$0x200] =	vst v55;
	v56 =	vld [tilespmem:s5+$0x300]  }
0x170: {  	v8 =	vmul.f32 v23, v23;
	v25 =	vmul.f32 v25, v25;
	v12 =	vadd.f32 v29, v12;
	v57 =	vld [tilespmem:s6+$0x280]  }
0x171: {  	v9 =	vadd.f32 v23, v9;
	(xrf2) =	vadd.scan.msk.f32 $0xffff, v7;
	s31 =	rddreg [dreg:$0xe];
	v22 =	vadd.f32 v22, v54  }
0x172: {  	v7 =	vadd.f32 v8, v11;
	v10 =	vadd.f32 v25, v10;
	(xrf2) =	vadd.scan.msk.f32 $0xffff, v12;
	s7 =	sadd.s32 s1, s31  }
0x173: {  	v29 =	vld [tilespmem:s24+$0x280];
	v14 =	vadd.f32 v33, v14;
	v12 =	vadd.f32 v30, v17;
	v17 =	vmul.f32 v30, v30;
	s5 =	sadd.s32 s2, s7;
	[tilespmem:s24+$0x200] =	vst v22  }
0x174: {  	s10 =	rddreg [dreg:$0x10];
	v8 =	vadd.f32 v31, v24;
	v16 =	vadd.f32 v56, v16;
	v11 =	vld [tilespmem:s5+$0x280]  }
0x175: {  	v23 =	vld [tilespmem:s22+$0x380];
	v17 =	vadd.f32 v17, v18;
	s12 =	sadd.s32 s26, s10;
	v24 =	vmul.f32 v33, v33;
	s11 =	rddreg [dreg:$0xf];
	v25 =	vadd.f32 v57, v26  }
0x176: {  	v18 =	vadd.f32 v28, v19;
	v19 =	vld [tilespmem:s23+$0x300];
	v12 =	vadd.f32 v27, v12;
	v30 =	vmul.f32 v8, v8;
	[tilespmem:s22+$0x300] =	vst v16;
	s5 =	sadd.s32 s25, s12;
	s25 =	sadd.s32 s3, s11  }
0x177: {  	(xrf2) =	vadd.scan.msk.f32 $0xffff, v14;
	v13 =	vadd.f32 v55, v13;
	v20 =	vadd.f32 v24, v20;
	[tilespmem:s23+$0x280] =	vst v25;
	v24 =	vld [tilespmem:s5+$0x380];
	s28 =	sadd.s32 s4, s25  }
0x178: {  	v14 =	vadd.f32 v30, v21;
	v21 =	vmul.f32 v55, v55;
	v26 =	vmul.f32 v28, v28;
	v28, _, _ =	vpop (xrf2);
	v31 =	vld [tilespmem:s28+$0x300]  }
0x179: {  	(xrf2) =	vadd.scan.msk.f32 $0xffff, v20;
	(v2sf) =	vpush v28, $0xF;
	v28, _, _ =	vpop (xrf2);
	s26 =	rddreg [dreg:$0xf];
	v11 =	vadd.f32 v11, v29  }
0x17a: {  	v10 =	vadd.f32 v21, v10;
	(v2sf) =	vpush v28, $0xF;
	s29 =	sadd.s32 s1, s26  }
0x17b: {  	v15 =	vadd.f32 v26, v15;
	v26 =	vld [tilespmem:s24+$0x300];
	v20 =	vadd.f32 v16, v9;
	v16 =	vmul.f32 v16, v16;
	s5 =	sadd.s32 s2, s29;
	[tilespmem:s24+$0x280] =	vst v11  }
0x17c: {  	v21, _, _ =	vpop (xrf2);
	(xrf2) =	vadd.scan.msk.f32 $0xffff, v12;
	v12 =	vadd.f32 v25, v18;
	v9 =	vadd.f32 v24, v23;
	v23 =	vmul.f32 v27, v27;
	v28 =	vld [tilespmem:s5+$0x300]  }
0x17d: {  	s31 =	rddreg [dreg:$0x10];
	v7 =	vadd.f32 v16, v7;
	v16 =	vmul.f32 v25, v25;
	v19 =	vadd.f32 v31, v19  }
0x17e: {  	(v2sf) =	vpush v21, $0xF;
	v21, _, _ =	vpop (xrf2);
	s7 =	sadd.s32 s3, s31;
	v17 =	vadd.f32 v23, v17  }
0x17f: {  	(v2sf) =	vpush v21, $0xF;
	s3 =	sadd.s32 s4, s7;
	v15 =	vadd.f32 v16, v15;
	v16 =	vmul.f32 v22, v22;
	v24 =	vld [tilespmem:s23+$0x380];
	[tilespmem:s23+$0x300] =	vst v19  }
0x180: {  	v6 =	vadd.f32 v8, v6;
	v13 =	vadd.f32 v22, v13;
	v23 =	vld [tilespmem:s3+$0x380];
	(xrf2) =	vadd.scan.msk.f32 $0xffff, v17  }
0x181: {  	v16 =	vadd.f32 v16, v10;
	v10, _, _ =	vpop (xrf2);
	s10 =	rddreg [dreg:$0x10];
	v21 =	vmul.f32 v9, v9;
	v26 =	vadd.f32 v28, v26  }
0x182: {  	(v2sf) =	vpush v10, $0xF;
	s11 =	sadd.s32 s1, s10;
	v17 =	vadd.f32 v19, v20;
	v19 =	vmul.f32 v19, v19  }
0x183: {  	v18 =	vld [tilespmem:s24+$0x380];
	v14 =	vadd.f32 v21, v14;
	s1 =	sadd.s32 s2, s11;
	v21 =	vmul.f32 v11, v11;
	v11 =	vadd.f32 v11, v12;
	v12, _, _ =	vpop (xrf2);
	[tilespmem:s24+$0x300] =	vst v26  }
0x184: {  	(xrf2) =	vadd.scan.msk.f32 $0xffff, v13;
	(v2sf) =	vpush v12, $0xF;
	v7 =	vadd.f32 v19, v7;
	v13 =	vmul.f32 v26, v26;
	v20 =	vld [tilespmem:s1+$0x380]  }
0x185: {  	v6 =	vadd.f32 v9, v6;
	v10 =	vadd.f32 v23, v24  }
0x186: {  	(xrf2) =	vadd.scan.msk.f32 $0xffff, v16;
	v12 =	vadd.f32 v21, v15;
	v7 =	vadd.f32 v13, v7  }
0x187: {  	(xrf2) =	vadd.scan.msk.f32 $0xffff, v11;
	v15 =	vadd.f32 v26, v17;
	v16 =	vmul.f32 v10, v10  }
0x188: {  	s12 =	spop (v2sf);
	(xrf2) =	vadd.scan.msk.f32 $0xffff, v12;
	v6 =	vadd.f32 v10, v6  }
0x189: {  	s25 =	spop (v2sf);
	s1 =	smul.f32 $1.302083370e-03, s12;
	(xrf2) =	vadd.scan.msk.f32 $0xffff, v15;
	v12 =	vadd.f32 v16, v14;
	v14, _, _ =	vpop (xrf2);
	v11 =	vadd.f32 v20, v18  }
0x18a: {  	s2 =	smul.f32 $1.302083370e-03, s25;
	(xrf2) =	vadd.scan.msk.f32 $0xffff, v7;
	(v2sf) =	vpush v14, $0xF;
	v7, _, _ =	vpop (xrf2)  }
0x18b: {  	s26 =	smul.f32 s1, s1;
	(v2sf) =	vpush v7, $0xF;
	v6 =	vadd.f32 v11, v6  }
0x18c: {  	v13 =	vmul.f32 v11, v11  }
0x18d: {  	s28 =	spop (v2sf);
	s3 =	ssub.f32 s2, s26;
	(xrf2) =	vadd.scan.msk.f32 $0xffff, v6  }
0x18e: {  	s29 =	spop (v2sf);
	s2 =	smul.f32 $1.302083370e-03, s28;
	v12 =	vadd.f32 v13, v12  }
0x18f: {  	s4 =	smul.f32 $1.302083370e-03, s29;
	s3 =	sadd.f32 $9.999999960e-13, s3;
	v6, _, _ =	vpop (xrf2)  }
0x190: {  	s31 =	smul.f32 s2, s2;
	(xrf2) =	vadd.scan.msk.f32 $0xffff, v12;
	v7, _, _ =	vpop (xrf2);
	(v2sf) =	vpush v6, $0xF  }
0x191: {  	s6 =	spop (v2sf);
	(v2sf) =	vpush v7, $0xF;
	v7 =	vmov s3  }
0x192: {  	s5 =	ssub.f32 s4, s31;
	s4 =	smul.f32 $1.302083370e-03, s6;
	v12 =	vshrl.u32 v7, $0x1;
	v7 =	vmul.f32 $5.000000000e-01, v7  }
0x193: {  	s7 =	spop (v2sf);
	v6, _, _ =	vpop (xrf2);
	v12 =	vsub.s32 $0x5F3759DF, v12  }
0x194: {  	s10 =	smul.f32 s4, s4;
	s3 =	sadd.f32 $9.999999960e-13, s5;
	(v2sf) =	vpush v6, $0xF;
	v6, _, _ =	vpop (xrf2);
	v14 =	vmul.f32 v12, v7  }
0x195: {  	s5 =	smul.f32 $1.302083370e-03, s7;
	v13, _, _ =	vpop (xrf2);
	(v2sf) =	vpush v6, $0xF  }
0x196: {  	v6, _, _ =	vpop (xrf2);
	(v2sf) =	vpush v13, $0xF;
	v13 =	vmul.f32 v12, v14;
	v14 =	vmov s3  }
0x197: {  	(v2sf) =	vpush v6, $0xF;
	s3 =	ssub.f32 s5, s10;
	v6, _, _ =	vpop (xrf2);
	v15 =	vshrl.u32 v14, $0x1;
	v14 =	vmul.f32 $5.000000000e-01, v14  }
0x198: {  	(v2sf) =	vpush v6, $0xF;
	v6 =	vsub.f32 $1.500000000e+00, v13;
	v13 =	vsub.s32 $0x5F3759DF, v15  }
0x199: {  	s11 =	spop (v2sf);
	s3 =	sadd.f32 $9.999999960e-13, s3;
	v16 =	vmul.f32 v13, v14  }
0x19a: {  	s25 =	smul.f32 $1.302083370e-03, s11;
	s12 =	spop (v2sf);
	v15, _, _ =	vpop (xrf2);
	v6 =	vmul.f32 v12, v6  }
0x19b: {  	s26 =	smul.f32 $1.302083370e-03, s12;
	(v2sf) =	vpush v15, $0xF;
	v12 =	vmul.f32 v13, v16  }
0x19c: {  	s5 =	smul.f32 s25, s25;
	v16 =	vmov s3;
	v15 =	vmul.f32 v6, v7  }
0x19d: {  	v17 =	vshrl.u32 v16, $0x1;
	v16 =	vmul.f32 $5.000000000e-01, v16;
	v12 =	vsub.f32 $1.500000000e+00, v12  }
0x19e: {  	s3 =	ssub.f32 s26, s5;
	v17 =	vsub.s32 $0x5F3759DF, v17;
	v15 =	vmul.f32 v15, v6  }
0x19f: {  	v12 =	vmul.f32 v13, v12;
	v13 =	vmul.f32 v17, v16  }
0x1a0: {  	s3 =	sadd.f32 $9.999999960e-13, s3;
	s28 =	spop (v2sf);
	v15 =	vsub.f32 $1.500000000e+00, v15  }
0x1a1: {  	s29 =	spop (v2sf);
	s26 =	smul.f32 $1.302083370e-03, s28;
	v18 =	vmul.f32 v12, v14;
	v13 =	vmul.f32 v17, v13  }
0x1a2: {  	s7 =	smul.f32 $1.302083370e-03, s29;
	v6 =	vmul.f32 v15, v6  }
0x1a3: {  	s31 =	spop (v2sf);
	s28 =	smul.f32 s26, s26;
	v15 =	vmul.f32 v18, v12;
	v13 =	vsub.f32 $1.500000000e+00, v13;
	v18 =	vmov s3  }
0x1a4: {  	s12 =	spop (v2sf);
	v7 =	vmul.f32 v6, v7;
	v19 =	vshrl.u32 v18, $0x1;
	v18 =	vmul.f32 $5.000000000e-01, v18  }
0x1a5: {  	s3 =	ssub.f32 s7, s28;
	s28 =	smul.f32 $1.302083370e-03, s31;
	v15 =	vsub.f32 $1.500000000e+00, v15;
	v13 =	vmul.f32 v17, v13;
	v17 =	vsub.s32 $0x5F3759DF, v19  }
0x1a6: {  	s10 =	spop (v2sf);
	s6 =	smul.f32 $1.302083370e-03, s12;
	v19 =	vmul.f32 v17, v18  }
0x1a7: {  	s11 =	spop (v2sf);
	v7 =	vmul.f32 v7, v6;
	s31 =	smul.f32 s28, s28;
	v12 =	vmul.f32 v15, v12  }
0x1a8: {  	s3 =	sadd.f32 $9.999999960e-13, s3;
	s29 =	spop (v2sf);
	v15 =	vmul.f32 v13, v16;
	v19 =	vmul.f32 v17, v19  }
0x1a9: {  	s5 =	smul.f32 $1.302083370e-03, s29;
	v7 =	vsub.f32 $1.500000000e+00, v7;
	s6 =	ssub.f32 s6, s31  }
0x1aa: {  	v14 =	vmul.f32 v12, v14;
	v15 =	vmul.f32 v15, v13;
	s12 =	spop (v2sf);
	v19 =	vsub.f32 $1.500000000e+00, v19  }
0x1ab: {  	v20 =	vmov s3;
	s3 =	smul.f32 s5, s5;
	v6 =	vmul.f32 v7, v6;
	s6 =	sadd.f32 $9.999999960e-13, s6  }
0x1ac: {  	s29 =	smul.f32 $1.302083370e-03, s12;
	v7 =	vmul.f32 v14, v12;
	v14 =	vsub.f32 $1.500000000e+00, v15;
	v15 =	vmul.f32 v17, v19  }
0x1ad: {  	s12 =	smul.f32 $1.302083370e-03, s10;
	v17 =	vshrl.u32 v20, $0x1;
	v19 =	vmul.f32 $5.000000000e-01, v20;
	v21 =	vmov s6  }
0x1ae: {  	s31 =	smul.f32 $1.302083370e-03, s11;
	s3 =	ssub.f32 s29, s3;
	v7 =	vsub.f32 $1.500000000e+00, v7;
	v13 =	vmul.f32 v14, v13;
	v14 =	vsub.s32 $0x5F3759DF, v17  }
0x1af: {  	s10 =	smul.f32 s12, s12;
	v23 =	vshrl.u32 v21, $0x1;
	v21 =	vmul.f32 $5.000000000e-01, v21;
	v17 =	vmul.f32 v15, v18  }
0x1b0: {  	v20 =	vmul.f32 v14, v19;
	v23 =	vsub.s32 $0x5F3759DF, v23;
	s3 =	sadd.f32 $9.999999960e-13, s3;
	v7 =	vmul.f32 v7, v12  }
0x1b1: {  	v12 =	vmul.f32 v13, v16;
	s7 =	ssub.f32 s31, s10;
	v26 =	vmul.f32 v23, v21  }
0x1b2: {  	v16 =	vmul.f32 v17, v15;
	v17 =	vmul.f32 v14, v20;
	v20 =	vmov s3  }
0x1b3: {  	s11 =	sadd.f32 $9.999999960e-13, s7;
	v22 =	vshrl.u32 v20, $0x1;
	v20 =	vmul.f32 $5.000000000e-01, v20  }
0x1b4: {  	v26 =	vmul.f32 v23, v26;
	v22 =	vsub.s32 $0x5F3759DF, v22  }
0x1b5: {  	v12 =	vmul.f32 v12, v13;
	v24 =	vmov s11;
	v25 =	vmul.f32 v22, v20  }
0x1b6: {  	v17 =	vsub.f32 $1.500000000e+00, v17;
	v27 =	vshrl.u32 v24, $0x1;
	v24 =	vmul.f32 $5.000000000e-01, v24  }
0x1b7: {  	v16 =	vsub.f32 $1.500000000e+00, v16;
	v27 =	vsub.s32 $0x5F3759DF, v27;
	v25 =	vmul.f32 v22, v25  }
0x1b8: {  	v14 =	vmul.f32 v14, v17;
	v28 =	vmul.f32 v27, v24  }
0x1b9: {  	v16 =	vmul.f32 v16, v15;
	v17 =	vsub.f32 $1.500000000e+00, v25;
	v25 =	vsub.f32 $1.500000000e+00, v26  }
0x1ba: {  	v26 =	vmul.f32 v27, v28;
	v28 =	vmul.f32 v14, v19  }
0x1bb: {  	v17 =	vmul.f32 v22, v17;
	v15 =	vmul.f32 v23, v25  }
0x1bc: {  	s19 =	smul.u32 $0x6000, s19;
	[tilespmem:s20+$0x380] =	vst v5;
	v18 =	vmul.f32 v16, v18;
	v22 =	vsub.f32 $1.500000000e+00, v26;
	v23 =	vmul.f32 v28, v14  }
0x1bd: {  	[tilespmem:s21+$0x380] =	vst v8;
	v25 =	vmul.f32 v17, v20;
	v26 =	vmul.f32 v15, v21  }
0x1be: {  	s20 =	sshra.s32 s19, $0x2;
	s21 =	simm.s32 $0x0;
	[tilespmem:s22+$0x380] =	vst v9;
	v9 =	vmul.f32 v18, v16;
	v22 =	vmul.f32 v27, v22;
	v23 =	vsub.f32 $1.500000000e+00, v23  }
0x1bf: {  	s22 =	sand.u32 $0x1C00, s21;
	s3 =	sadd.s32 s20, s17;
	v8 =	vsub.f32 $1.500000000e+00, v12;
	v25 =	vmul.f32 v25, v17;
	v26 =	vmul.f32 v26, v15  }
0x1c0: {  	[tilespmem:s23+$0x380] =	vst v10;
	s23 =	sand.u32 $0x70, s21;
	v5 =	vmov s1;
	s1 =	sadd.s32 s22, s3;
	v27 =	vmul.f32 v22, v24;
	v14 =	vmul.f32 v23, v14  }
0x1c1: {  	[tilespmem:s24+$0x380] =	vst v11;
	s1 =	sadd.s32 s23, s1;
	v8 =	vmul.f32 v8, v13;
	v12 =	vsub.f32 $1.500000000e+00, v25;
	v18 =	vsub.f32 $1.500000000e+00, v26  }
0x1c2: {  	v9 =	vsub.f32 $1.500000000e+00, v9;
	v23 =	vmul.f32 v27, v22;
	v19 =	vmul.f32 v14, v19;
	v25 =	vld [tilespmem:s1+$0x0]  }
0x1c3: {  	v10 =	vmov s2;
	s29 =	simm.s32 $0x80;
	v29 =	vld [tilespmem:s1+$0x180];
	v17 =	vmul.f32 v12, v17;
	v18 =	vmul.f32 v18, v15  }
0x1c4: {  	s2 =	sand.u32 $0x1C00, s29;
	s31 =	simm.s32 $0x10;
	v9 =	vmul.f32 v9, v16;
	v11 =	vsub.f32 $1.500000000e+00, v23;
	v12 =	vmul.f32 v19, v14  }
0x1c5: {  	s2 =	sadd.s32 s2, s3;
	v26 =	vld [tilespmem:s1+$0x80];
	v15 =	vmov s4;
	s4 =	sand.u32 $0x70, s31;
	v13 =	vmul.f32 v17, v20;
	v19 =	vmul.f32 v18, v21  }
0x1c6: {  	v23 =	vld [tilespmem:s1+$0x380];
	s2 =	sadd.s32 s4, s2;
	v22 =	vmul.f32 v11, v22;
	v11 =	vsub.f32 $1.500000000e+00, v12;
	v12 =	vmov s25  }
0x1c7: {  	v31 =	vld [tilespmem:s2+$0x380];
	v25 =	vsub.f32 v25, v5;
	v16 =	vmul.f32 v13, v17;
	v19 =	vmul.f32 v19, v18  }
0x1c8: {  	s25 =	simm.s32 $0x6800;
	v58 =	vld [tilespmem:s2+$0x0];
	v29 =	vsub.f32 v29, v12;
	v20 =	vmul.f32 v22, v24;
	v11 =	vmul.f32 v11, v14  }
0x1c9: {  	v27 =	vld [tilespmem:s25+$0x0];
	v13 =	vmov s26;
	v25 =	vmul.f32 v25, v6;
	v14 =	vsub.f32 $1.500000000e+00, v16  }
0x1ca: {  	v24 =	vld [tilespmem:s1+$0x100];
	s26 =	simm.s32 $0x6B00;
	v16 =	vsub.f32 $1.500000000e+00, v19;
	v28 =	vmul.f32 v20, v22;
	v20 =	vmov s5  }
0x1cb: {  	v21 =	vld [tilespmem:s26+$0x0];
	v29 =	vmul.f32 v29, v9;
	v23 =	vsub.f32 v23, v20;
	v19 =	vmul.f32 v14, v17  }
0x1cc: {  	v31 =	vsub.f32 v31, v20;
	v14 =	vmul.f32 v16, v18;
	v18 =	vsub.f32 v26, v10;
	v26 =	vld [tilespmem:s1+$0x200]  }
0x1cd: {  	v32 =	vsub.f32 v58, v5;
	v16 =	vsub.f32 $1.500000000e+00, v28;
	v28 =	vld [tilespmem:s1+$0x280];
	v23 =	vmul.f32 v23, v19  }
0x1ce: {  	v30 =	vld [tilespmem:s1+$0x300];
	v17 =	vmov s28;
	v25 =	vmul.f32 v25, v27;
	v29 =	vmul.f32 v29, v27  }
0x1cf: {  	v60 =	vld [tilespmem:s2+$0x100];
	v16 =	vmul.f32 v16, v22;
	v22 =	vsub.f32 v24, v15;
	v23 =	vmul.f32 v23, v27  }
0x1d0: {  	v24 =	vmul.f32 v18, v7;
	v18 =	vmov s12;
	v25 =	vadd.f32 v25, v21  }
0x1d1: {  	v59 =	vld [tilespmem:s2+$0x80];
	v22 =	vmul.f32 v22, v8;
	v26 =	vsub.f32 v26, v13;
	v23 =	vadd.f32 v23, v21  }
0x1d2: {  	s4 =	simm.s32 $0x6810;
	v29 =	vadd.f32 v29, v21;
	v24 =	vmul.f32 v24, v27;
	v28 =	vsub.f32 v28, v17  }
0x1d3: {  	v30 =	vsub.f32 v30, v18;
	v22 =	vmul.f32 v22, v27;
	v26 =	vmul.f32 v26, v11;
	[tilespmem:s1+$0x380] =	vst v23;
	v23 =	vld [tilespmem:s4+$0x0]  }
0x1d4: {  	s5 =	simm.s32 $0x6B10;
	v33 =	vsub.f32 v60, v15;
	[tilespmem:s1+$0x0] =	vst v25;
	v61 =	vadd.f32 v24, v21;
	v24 =	vld [tilespmem:s2+$0x180];
	v28 =	vmul.f32 v28, v14  }
0x1d5: {  	[tilespmem:s1+$0x180] =	vst v29;
	v62 =	vadd.f32 v22, v21;
	v22 =	vld [tilespmem:s5+$0x0];
	v63 =	vmul.f32 v26, v27;
	v26 =	vmul.f32 v30, v16  }
0x1d6: {  	s6 =	simm.s32 $0x100;
	v31 =	vmul.f32 v31, v19;
	v25 =	vld [tilespmem:s2+$0x200];
	[tilespmem:s1+$0x80] =	vst v61;
	v28 =	vmul.f32 v28, v27;
	v30 =	vsub.f32 v59, v10  }
0x1d7: {  	s19 =	simm.s32 $0x20;
	s7 =	sand.u32 $0x1C00, s6;
	v32 =	vmul.f32 v32, v6;
	s12 =	simm.s32 $0x30;
	[tilespmem:s1+$0x100] =	vst v62;
	v27 =	vmul.f32 v26, v27;
	v26 =	vld [tilespmem:s2+$0x280];
	v29 =	vadd.f32 v63, v21  }
.LBB2_10:
0x1d8: {  	p1 =	sne.s32 s12, $0x2F0;
	s10 =	sand.u32 $0x70, s19;
	s7 =	sadd.s32 s7, s3;
	v30 =	vmul.f32 v30, v7;
	v34 =	vld [tilespmem:s2+$0x300];
	v31 =	vmul.f32 v31, v23;
	v28 =	vadd.f32 v28, v21;
	v35 =	vmovc v23  }
0x1d9: {  	s19 =	smov.u32 s12;
	s7 =	sadd.s32 s10, s7;
	v23 =	vmul.f32 v32, v35;
	v32 =	vmul.f32 v33, v8;
	v24 =	vsub.f32 v24, v12;
	[tilespmem:s1+$0x200] =	vst v29  }
0x1da: {  	v27 =	vadd.f32 v27, v21;
	v29 =	vld [tilespmem:s7+$0x380];
	v30 =	vmul.f32 v30, v35;
	v31 =	vadd.f32 v31, v22;
	[tilespmem:s1+$0x280] =	vst v28  }
0x1db: {  	v21 =	vmovc v22;
	v28 =	vld [tilespmem:s7+$0x0];
	v32 =	vmul.f32 v32, v35;
	v24 =	vmul.f32 v24, v9;
	v25 =	vsub.f32 v25, v13  }
0x1dc: {  	v22 =	vadd.f32 v23, v21;
	v33 =	vld [tilespmem:s7+$0x80];
	v26 =	vsub.f32 v26, v17;
	[tilespmem:s2+$0x380] =	vst v31  }
0x1dd: {  	s4 =	sadd.s32 $0x10, s4;
	v36 =	vld [tilespmem:s7+$0x100];
	v31 =	vmul.f32 v24, v35;
	v25 =	vmul.f32 v25, v11;
	v34 =	vsub.f32 v34, v18;
	[tilespmem:s1+$0x300] =	vst v27;
	s1 =	smov.u32 s2;
	s2 =	smov.u32 s7  }
.Ltmp3:
0x1de: {  	v27 =	vadd.f32 v30, v21;
	v32 =	vadd.f32 v32, v21;
	v23 =	vld [tilespmem:s4+$0x0];
	[tilespmem:s1+$0x0] =	vst v22;
	v26 =	vmul.f32 v26, v14;
	(pc) =	sbr.rel @p1 .LBB2_10-.Ltmp3, $4  }
0x1df: {  	s5 =	sadd.s32 $0x10, s5;
	v24 =	vld [tilespmem:s2+$0x180];
	v29 =	vsub.f32 v29, v20;
	v37 =	vmul.f32 v25, v35;
	v34 =	vmul.f32 v34, v16  }
0x1e0: {  	v39 =	vadd.f32 v31, v21;
	v22 =	vld [tilespmem:s5+$0x0];
	v38 =	vsub.f32 v28, v5;
	[tilespmem:s1+$0x80] =	vst v27;
	v28 =	vmul.f32 v26, v35  }
0x1e1: {  	s6 =	sadd.s32 $0x80, s6;
	v30 =	vsub.f32 v33, v10;
	v25 =	vld [tilespmem:s2+$0x200];
	v31 =	vmul.f32 v29, v19;
	[tilespmem:s1+$0x100] =	vst v32;
	v27 =	vmul.f32 v34, v35  }
0x1e2: {  	s12 =	sadd.s32 $0x10, s12;
	s7 =	sand.u32 $0x1C00, s6;
	v29 =	vadd.f32 v37, v21;
	v32 =	vmul.f32 v38, v6;
	v33 =	vsub.f32 v36, v15;
	v26 =	vld [tilespmem:s2+$0x280];
	[tilespmem:s1+$0x180] =	vst v39  }
0x1e3: {  	s6 =	sand.u32 $0x70, s19;
	s3 =	sadd.s32 s7, s3  }
0x1e4: {  	v34 =	vld [tilespmem:s2+$0x300];
	s3 =	sadd.s32 s6, s3  }
0x1e5: {  	v35 =	vld [tilespmem:s3+$0x380]  }
0x1e6: {  	v30 =	vmul.f32 v30, v7;
	v31 =	vmul.f32 v31, v23;
	v28 =	vadd.f32 v28, v21;
	v36 =	vld [tilespmem:s3+$0x0]  }
0x1e7: {  	v41 =	vadd.f32 v27, v21;
	v24 =	vsub.f32 v24, v12;
	v32 =	vmul.f32 v32, v23;
	v43 =	vld [tilespmem:s3+$0x80]  }
0x1e8: {  	v33 =	vmul.f32 v33, v8;
	v30 =	vmul.f32 v30, v23;
	v31 =	vadd.f32 v31, v22;
	v37 =	vld [tilespmem:s3+$0x100]  }
0x1e9: {  	v46 =	vld [tilespmem:s3+$0x180];
	v24 =	vmul.f32 v24, v9;
	v25 =	vsub.f32 v25, v13;
	v32 =	vadd.f32 v32, v22  }
0x1ea: {  	v50 =	vld [tilespmem:s3+$0x200];
	v42 =	vmul.f32 v33, v23;
	v26 =	vsub.f32 v26, v17;
	v30 =	vadd.f32 v30, v22  }
0x1eb: {  	[tilespmem:s1+$0x200] =	vst v29;
	v52 =	vld [tilespmem:s3+$0x300];
	v24 =	vmul.f32 v24, v23;
	v25 =	vmul.f32 v25, v11;
	v44 =	vsub.f32 v34, v18  }
0x1ec: {  	s4 =	sadd.s32 $0x10, s4;
	[tilespmem:s1+$0x280] =	vst v28;
	v27 =	vadd.f32 v42, v22;
	v26 =	vmul.f32 v26, v14;
	v20 =	vsub.f32 v35, v20  }
0x1ed: {  	v45 =	vld [tilespmem:s4+$0x0];
	[tilespmem:s1+$0x300] =	vst v41;
	v25 =	vmul.f32 v25, v23;
	v5 =	vsub.f32 v36, v5;
	v48 =	vadd.f32 v24, v22  }
0x1ee: {  	s31 =	sadd.s32 $0x10, s5;
	[tilespmem:s2+$0x380] =	vst v31;
	v29 =	vmul.f32 v44, v16;
	v10 =	vsub.f32 v43, v10;
	v15 =	vsub.f32 v37, v15  }
0x1ef: {  	v47 =	vld [tilespmem:s31+$0x0];
	[tilespmem:s2+$0x0] =	vst v32;
	v55 =	vsub.f32 v46, v12;
	v58 =	vsub.f32 v50, v13;
	v49 =	vmul.f32 v26, v23  }
0x1f0: {  	[tilespmem:s2+$0x80] =	vst v30;
	v61 =	vsub.f32 v52, v18;
	v19 =	vmul.f32 v20, v19;
	v5 =	vmul.f32 v5, v6;
	v6 =	vld [tilespmem:s3+$0x280]  }
0x1f1: {  	[tilespmem:s2+$0x100] =	vst v27;
	v51 =	vmul.f32 v29, v23;
	v25 =	vadd.f32 v25, v22;
	v7 =	vmul.f32 v10, v7  }
0x1f2: {  	[tilespmem:s2+$0x180] =	vst v48;
	v54 =	vmul.f32 v15, v8;
	v53 =	vadd.f32 v49, v22;
	v5 =	vmul.f32 v5, v45  }
0x1f3: {  	v59 =	vmul.f32 v55, v9;
	[tilespmem:s2+$0x200] =	vst v25;
	v7 =	vmul.f32 v7, v45;
	v57 =	vadd.f32 v51, v22  }
0x1f4: {  	v60 =	vmul.f32 v58, v11;
	v8 =	vmul.f32 v54, v45;
	[tilespmem:s2+$0x280] =	vst v53;
	v5 =	vadd.f32 v5, v47  }
0x1f5: {  	v19 =	vmul.f32 v19, v45;
	[tilespmem:s2+$0x300] =	vst v57;
	v7 =	vadd.f32 v7, v47;
	v6 =	vsub.f32 v6, v17  }
0x1f6: {  	v63 =	vmul.f32 v61, v16;
	v9 =	vmul.f32 v59, v45;
	[tilespmem:s3+$0x0] =	vst v5;
	v5 =	vadd.f32 v8, v47  }
0x1f7: {  	v62 =	vmul.f32 v60, v45;
	v56 =	vadd.f32 v19, v47;
	[tilespmem:s3+$0x80] =	vst v7;
	v6 =	vmul.f32 v6, v14  }
0x1f8: {  	v7 =	vadd.f32 v9, v47;
	[tilespmem:s3+$0x100] =	vst v5;
	v5 =	vmul.f32 v63, v45  }
.Ltmp4:
0x1f9: {  	[tilespmem:s3+$0x380] =	vst v56;
	v8 =	vadd.f32 v62, v47;
	v6 =	vmul.f32 v6, v45;
	(pc) =	sbr.rel @p0 .LBB2_7-.Ltmp4, $4  }
0x1fa: {  	[tilespmem:s3+$0x180] =	vst v7;
	v5 =	vadd.f32 v5, v47  }
0x1fb: {  	[tilespmem:s3+$0x200] =	vst v8;
	v6 =	vadd.f32 v6, v47  }
0x1fc: {  	[tilespmem:s3+$0x300] =	vst v5  }
0x1fd: {  	s19 =	simm.s32 $0x1;
	p1 =	por $0x0, $0x0;
	[tilespmem:s3+$0x280] =	vst v6  }
0x1fe: {  	s1 =	smul.u32 $0x60000, s30;
	p0 =	sne.s32 s13, $0x80  }
.Ltmp5:
0x1ff: {  	_ = 	snop;
	(pc) =	sbr.rel @p0 .LBB2_4-.Ltmp5, $4  }
0x200: {  	s1 =	sadd.s32 s9, s1  }
0x201: {  	s3 =	rddreg [dreg:$0x6];
	s1 =	sshrl.u32 s1, $0x3  }
0x202: {  	s2 =	sadd.s32 $0x7, s14;
	s30 =	smov.u32 s13;
	s1 =	sadd.s32 s3, s1  }
0x203: {  	[hbm4b:s1+s8] =	stream.linear.scatter [tilespmem:s17], [sflag:s2], $0x3000, $0x38;
	[tilespmem:$0x18E00] =	vst v63  }
0x204: {  	s1 =	simm.s32 $0x9  }
0x205: {  	_ =	swait.ge [sflag:s1], $0x3000  }
0x206: {  	[sflag:s1] =	ssyncset.done $0x0  }
0x207: {  	s24 =	simm.s32 $0xA;
	[sflag:s1] =	ssyncadd.s32 $0xFFFFD000  }
0x208: {  	_ =	swait.ge [sflag:s24], $0x3000  }
0x209: {  	[sflag:s24] =	ssyncset.done $0x0  }
0x20a: {  	s25 =	simm.s32 $0xB;
	[sflag:s24] =	ssyncadd.s32 $0xFFFFD000  }
0x20b: {  	_ =	swait.ge [sflag:s25], $0x3000  }
0x20c: {  	[sflag:s25] =	ssyncset.done $0x0  }
0x20d: {  	s26 =	simm.s32 $0xC;
	[sflag:s25] =	ssyncadd.s32 $0xFFFFD000  }
0x20e: {  	_ =	swait.ge [sflag:s26], $0x3000  }
0x20f: {  	[sflag:s26] =	ssyncset.done $0x0  }
0x210: {  	s28 =	simm.s32 $0x7;
	[sflag:s26] =	ssyncadd.s32 $0xFFFFD000  }
0x211: {  	_ =	swait.ge [sflag:s28], $0x3000  }
0x212: {  	[sflag:s28] =	ssyncset.done $0x0  }
0x213: {  	s2 =	simm.s32 $0x8;
	[sflag:s28] =	ssyncadd.s32 $0xFFFFD000  }
0x214: {  	_ =	swait.ge [sflag:s2], $0x3000  }
0x215: {  	s3 =	sld [smem:$0x7FC];
	_ =	sdelay $0x2  }
0x216: {  	s30 =	rddreg [dreg:$0x1b];
	s3 =	sadd.s32 $0x1, s3  }
0x217: {  	p0 =	sne.s32 s3, s30  }
.Ltmp6:
0x218: {  	_ = 	snop;
	(pc) =	sbr.rel @p0 .LBB2_1-.Ltmp6, $3  }
0x219: {  	_ =	sdelay $0x1  }
0x21a: {  	s11 =	simm.s32 $0x19;
	[sflag:s2] =	ssyncset.done $0x0  }
0x21b: {  	s29 =	simm.s32 $0x6E00;
	s31 =	simm.s32 $0x7600;
	[sflag:s2] =	ssyncadd.s32 $0xFFFFD000  }
0x21c: {  	_ =	sfence.sel $0x180000  }
0x21d: {  	[bflag:$0x0] =	sbarrier.arrive $0xFFFF  }
0x21e: {  	_ =	strace $0x90000047  }
0x21f: {  	s0 =	stileid.u32;
	[bflag:$0x2] =	sbarrier.arrive $0xFFFF  }
0x220: {  	p0 =	sne.s32 s0, $0x0;
	s0 =	rddreg [dreg:$0x7]  }
0x221: {  	s0 =	sadd.s32 @!p0 $0x100000, s0  }
0x222: {  	[sflag:s0] =	ssyncadd.tile.s32 @!p0 $0x1;
	_ =	shalt  }
.Lfunc_end2:
_tile_overlayer_lowered:
.L_overlay_start_2:
0x223: {  	(tag) =	ssettag $0x2  }
0x224: {  	s0 =	rddreg [dreg:$0x0];
	s2 =	stileid.u32  }
0x225: {  	s1 =	rddreg [dreg:$0x1];
	p0 =	sne.s32 s2, $0x0  }
0x226: {  	s3 =	rddreg [dreg:$0x2];
	[bflag:$0x3] =	sbarrier.arrive $0xFFFF;
	s2 =	simm.s32 @!p0 $0x1C19  }
0x227: {  	[timem:s3], [sflag:s2] =	dma.local @!p0 [hbm:s0], s1  }
0x228: {  	s0 =	simm.s32 @!p0 $0x19  }
0x229: {  	_ =	swait.ge @!p0 [sflag:s0], s1  }
0x22a: {  	s1 =	ssub.s32 @!p0 $0x0, s1;
	[sflag:s0] =	ssyncset.done @!p0 $0x0  }
0x22b: {  	[sflag:s0] =	ssyncadd.s32 @!p0 s1  }
0x22c: {  	[bflag:$0x3] =	sbarrier.arrive $0xFFFF  }
0x22d: {  	_ =	shalt  }

</sc_bundles>
